<compile_context>
chip_gen: v7x
topology: tpu7x:2x2x1
jax: 0.10.2.dev20260603
libtpu: 0.0.44.dev20260713+nightly
codegen_flags: <defaults>
</compile_context>

<pallas_src>
import functools

import jax
import jax.numpy as jnp
from jax import lax
from jax.experimental import pallas as pl
from jax.experimental.pallas import tpu as pltpu
from jax.experimental.pallas import tpu_sc as plsc

NC = 2
NS = 16
N = 10000
E = 160000
C = 256
HALF = C // 2
NPAD = 10240
ZPT = NPAD // NS
CH = 128
EPS = 1e-5

_MESH = plsc.VectorSubcoreMesh(core_axis_name="c", subcore_axis_name="s",
                               num_cores=NC, num_subcores=NS)


DW = 128


def _deg_body(rowi, ones_h, zrows, out, acc, ones_v, ones_t, ridx_v, ridx_t):
    c = lax.axis_index("c")
    s = lax.axis_index("s")
    pltpu.sync_copy(zrows, acc.at[pl.ds(s * ZPT, ZPT)])
    pltpu.sync_copy(ones_h, ones_v)
    pltpu.sync_copy(ones_h.at[pl.ds(0, 8)], ones_t)
    plsc.subcore_barrier()

    ept = E // (NC * NS)
    full = ept // CH
    tail = ept - full * CH
    ebase = (c * NS + s) * ept

    def do(off, ridx, ones, sz):
        pltpu.sync_copy(rowi.at[pl.ds(off, sz)], ridx)
        pltpu.sync_copy(ones, acc.at[ridx], add=True)

    def body(i, carry):
        do(ebase + i * CH, ridx_v, ones_v, CH)
        return carry

    lax.fori_loop(0, full, body, 0)
    do(ebase + full * CH, ridx_t, ones_t, tail)
    plsc.subcore_barrier()
    pltpu.sync_copy(acc.at[pl.ds(s * ZPT, ZPT)], out.at[c, pl.ds(s * ZPT, ZPT)])


def _deg_call(row):
    ones_h = jnp.ones((CH, DW), jnp.float32)
    zrows = jnp.zeros((ZPT, DW), jnp.float32)
    fn = pl.kernel(
        _deg_body,
        out_type=jax.ShapeDtypeStruct((NC, NPAD, DW), jnp.float32),
        mesh=_MESH,
        scratch_types=[
            pltpu.VMEM_SHARED((NPAD, DW), jnp.float32),
            pltpu.VMEM((CH, DW), jnp.float32),
            pltpu.VMEM((8, DW), jnp.float32),
            pltpu.VMEM((CH,), jnp.int32),
            pltpu.VMEM((8,), jnp.int32),
        ],
    )
    return fn(row, ones_h, zrows)


_GRP = 8
_NCHUNK = 1280
EPAD = _NCHUNK * CH
_CPT = _NCHUNK // NS
_NG = _CPT // _GRP


def _prop_body(rowi, coli, hp, zrows, out, acc,
               rows2, ridx2, cidx2, rows_t, ridx_t, cidx_t, gsem2, ssem2):
    c = lax.axis_index("c")
    s = lax.axis_index("s")
    coff = c * NPAD
    pltpu.sync_copy(zrows, acc.at[pl.ds(s * ZPT, ZPT)])
    plsc.subcore_barrier()

    ept = E // NS
    ebase = s * ept
    full = ept // CH
    tail = ept - full * CH
    npair = full // 2

    def loadidx(off, d):
        pltpu.sync_copy(rowi.at[pl.ds(off, CH)], ridx2[d])
        pltpu.sync_copy(coli.at[pl.ds(off, CH)], cidx2[d])
        for k in range(CH // 16):
            sl = pl.ds(k * 16, 16)
            ridx2[d][sl] = ridx2[d][sl] + coff

    for d in range(2):
        loadidx(ebase + d * CH, d)
        pltpu.async_copy(hp.at[ridx2[d]], rows2[d], gsem2[d])

    def body(j, carry):
        base_next = ebase + (j + 1) * 2 * CH
        for d in range(2):
            pltpu.make_async_copy(hp.at[ridx2[d]], rows2[d], gsem2[d]).wait()
            pltpu.async_copy(rows2[d], acc.at[cidx2[d]], ssem2[d], add=True)

        @pl.when(j < npair - 1)
        def _():
            for d in range(2):
                pltpu.make_async_copy(rows2[d], acc.at[cidx2[d]], ssem2[d]).wait()
                loadidx(base_next + d * CH, d)
                pltpu.async_copy(hp.at[ridx2[d]], rows2[d], gsem2[d])

        return carry

    lax.fori_loop(0, npair, body, 0)
    for d in range(2):
        pltpu.make_async_copy(rows2[d], acc.at[cidx2[d]], ssem2[d]).wait()

    toff = ebase + full * CH
    pltpu.sync_copy(rowi.at[pl.ds(toff, tail)], ridx_t)
    pltpu.sync_copy(coli.at[pl.ds(toff, tail)], cidx_t)
    ridx_t[pl.ds(0, 16)] = ridx_t[pl.ds(0, 16)] + coff
    pltpu.async_copy(hp.at[ridx_t], rows_t, gsem2[0]).wait()
    pltpu.sync_copy(rows_t, acc.at[cidx_t], add=True)

    plsc.subcore_barrier()
    pltpu.sync_copy(acc.at[pl.ds(s * ZPT, ZPT)], out.at[c, pl.ds(s * ZPT, ZPT)])


def _prop_call(hp_flat, rowp, colp):
    zrows = jnp.zeros((ZPT, HALF), jnp.float32)
    fn = pl.kernel(
        _prop_body,
        out_type=jax.ShapeDtypeStruct((NC, NPAD, HALF), jnp.float32),
        mesh=_MESH,
        scratch_types=[
            pltpu.VMEM_SHARED((NPAD, HALF), jnp.float32),
            [pltpu.VMEM((CH, HALF), jnp.float32)] * 2,
            [pltpu.VMEM((CH,), jnp.int32)] * 2,
            [pltpu.VMEM((CH,), jnp.int32)] * 2,
            pltpu.VMEM((16, HALF), jnp.float32),
            pltpu.VMEM((16,), jnp.int32),
            pltpu.VMEM((16,), jnp.int32),
            [pltpu.SemaphoreType.DMA] * 2,
            [pltpu.SemaphoreType.DMA] * 2,
        ],
    )
    return fn(rowp, colp, hp_flat, zrows)


_BN = 400
_NB = N // _BN


def _diw_block(deg_ref):
    deg = jnp.sum(deg_ref[...], axis=1, keepdims=True)
    return jnp.where(deg > 0, lax.rsqrt(jnp.maximum(deg, 1.0)), 0.0)


def _e1_body(deg_ref, x_ref, out_ref):
    d2 = _diw_block(deg_ref)
    out_ref[0] = d2 * x_ref[:, :HALF]
    out_ref[1] = d2 * x_ref[:, HALF:]


def _e1_call(deg2, x):
    return pl.pallas_call(
        _e1_body,
        grid=(_NB,),
        in_specs=[pl.BlockSpec((_BN, 2), lambda i: (i, 0)),
                  pl.BlockSpec((_BN, C), lambda i: (i, 0))],
        out_specs=pl.BlockSpec((NC, _BN, HALF), lambda i: (0, i, 0)),
        out_shape=jax.ShapeDtypeStruct((NC, NPAD, HALF), jnp.float32),
    )(deg2, x)


def _e2_body(deg_ref, a_ref, out_ref):
    deg = jnp.sum(deg_ref[...], axis=1, keepdims=True)
    w = jnp.where(deg > 0, -1.0 / jnp.maximum(deg, 1.0), 0.0)
    out_ref[0] = w * a_ref[0]
    out_ref[1] = w * a_ref[1]


def _e2_call(deg2, acc1):
    return pl.pallas_call(
        _e2_body,
        grid=(_NB,),
        in_specs=[pl.BlockSpec((_BN, 2), lambda i: (i, 0)),
                  pl.BlockSpec((NC, _BN, HALF), lambda i: (0, i, 0))],
        out_specs=pl.BlockSpec((NC, _BN, HALF), lambda i: (0, i, 0)),
        out_shape=jax.ShapeDtypeStruct((NC, NPAD, HALF), jnp.float32),
    )(deg2, acc1)


def _d1_body(deg_ref, x_ref, a1_ref, a2_ref, w_ref, b_ref,
             y_ref, st_ref, s_acc, q_acc):
    i = pl.program_id(0)
    d2 = _diw_block(deg_ref)
    x = x_ref[...]
    t1 = -d2 * jnp.concatenate([a1_ref[0], a1_ref[1]], axis=1)
    t2 = -2.0 * d2 * jnp.concatenate([a2_ref[0], a2_ref[1]], axis=1) - x
    y = jnp.dot(x, w_ref[0], preferred_element_type=jnp.float32)
    y = y + jnp.dot(t1, w_ref[1], preferred_element_type=jnp.float32)
    y = y + jnp.dot(t2, w_ref[2], preferred_element_type=jnp.float32)
    y = y + b_ref[...][None, :]
    y_ref[...] = y

    @pl.when(i == 0)
    def _():
        s_acc[...] = jnp.zeros_like(s_acc)
        q_acc[...] = jnp.zeros_like(q_acc)

    s_acc[...] += jnp.sum(y, axis=0, keepdims=True)
    q_acc[...] += jnp.sum(y * y, axis=0, keepdims=True)

    @pl.when(i == _NB - 1)
    def _():
        st_ref[0] = s_acc[0]
        st_ref[1] = q_acc[0]


def _d1_call(deg2, x, acc1, acc2, W, bias):
    return pl.pallas_call(
        _d1_body,
        grid=(_NB,),
        in_specs=[pl.BlockSpec((_BN, 2), lambda i: (i, 0)),
                  pl.BlockSpec((_BN, C), lambda i: (i, 0)),
                  pl.BlockSpec((NC, _BN, HALF), lambda i: (0, i, 0)),
                  pl.BlockSpec((NC, _BN, HALF), lambda i: (0, i, 0)),
                  pl.BlockSpec((3, C, C), lambda i: (0, 0, 0)),
                  pl.BlockSpec((C,), lambda i: (0,))],
        out_specs=[pl.BlockSpec((_BN, C), lambda i: (i, 0)),
                   pl.BlockSpec((2, C), lambda i: (0, 0))],
        out_shape=[jax.ShapeDtypeStruct((N, C), jnp.float32),
                   jax.ShapeDtypeStruct((2, C), jnp.float32)],
        scratch_shapes=[pltpu.VMEM((1, C), jnp.float32),
                        pltpu.VMEM((1, C), jnp.float32)],
    )(deg2, x, acc1, acc2, W, bias)


def _d2_body(st_ref, x_ref, y_ref, g_ref, bt_ref, o_ref):
    mean = st_ref[0] / N
    var = st_ref[1] / N - mean * mean
    scale = (lax.rsqrt(var + EPS) * g_ref[...])[None, :]
    o_ref[...] = jnp.maximum(
        (y_ref[...] - mean[None, :]) * scale + bt_ref[...][None, :] + x_ref[...],
        0.0)


def _d2_call(st, x, y, gamma, beta):
    return pl.pallas_call(
        _d2_body,
        grid=(_NB,),
        in_specs=[pl.BlockSpec((2, C), lambda i: (0, 0)),
                  pl.BlockSpec((_BN, C), lambda i: (i, 0)),
                  pl.BlockSpec((_BN, C), lambda i: (i, 0)),
                  pl.BlockSpec((C,), lambda i: (0,)),
                  pl.BlockSpec((C,), lambda i: (0,))],
        out_specs=pl.BlockSpec((_BN, C), lambda i: (i, 0)),
        out_shape=jax.ShapeDtypeStruct((N, C), jnp.float32),
    )(st, x, y, gamma, beta)


def kernel(x, edge_index, W, bias, gamma, beta):
    row = edge_index[0]
    col = edge_index[1]
    rowp = row
    colp = col
    degs = _deg_call(row)
    deg2 = degs[:, :N, 0].T
    hp0 = _e1_call(deg2, x).reshape(NC * NPAD, HALF)
    acc1 = _prop_call(hp0, rowp, colp)
    hp1 = _e2_call(deg2, acc1).reshape(NC * NPAD, HALF)
    acc2 = _prop_call(hp1, rowp, colp)
    y, st = _d1_call(deg2, x, acc1, acc2, W, bias)
    return _d2_call(st, x, y, gamma, beta)

# --- scband reference (transcript-rebuilt; emitter-appended) ---
"""Pipeline reference for scband-residual-cheb-conv-9397388443888 (READ-ONLY COPY).

The authoritative reference and input builder live on the scoring server;
editing this copy changes nothing except your own understanding.
"""

import jax, jax.numpy as jnp
import numpy as np

N = 10000
E = 160000
C = 256
K = 3
EPS = 1e-5


def setup_inputs(seed: int = 0) -> dict:
    key = jax.random.key(seed)
    ks = jax.random.split(key, 6)
    x = jax.random.normal(ks[0], (N, C), dtype=jnp.float32)
    edge_index = jax.random.randint(ks[1], (2, E), 0, N, dtype=jnp.int32)
    W = jax.random.normal(ks[2], (K, C, C), dtype=jnp.float32) * (1.0 / np.sqrt(C))
    bias = jax.random.normal(ks[3], (C,), dtype=jnp.float32) * 0.01
    gamma = jnp.ones((C,), dtype=jnp.float32)
    beta = jnp.zeros((C,), dtype=jnp.float32)
    return {"x": x, "edge_index": edge_index, "W": W, "bias": bias, "gamma": gamma, "beta": beta}


def reference(x, edge_index, W, bias, gamma, beta):
    # --- ChebConv norm (PyG semantics, normalization='sym', lambda_max=2.0) ---
    row = edge_index[0]
    col = edge_index[1]
    ew = jnp.ones((E,), dtype=x.dtype)
    deg = jnp.zeros((N,), dtype=x.dtype).at[row].add(ew)
    diw = jnp.where(deg > 0, 1.0 / jnp.sqrt(jnp.where(deg > 0, deg, 1.0)), 0.0)
    # scaled Laplacian L_hat = (2/lambda_max) * (I - D^-1/2 A D^-1/2) - I
    # with lambda_max=2.0 the net diagonal is exactly 0, off-diagonal = -A_norm
    norm = -(diw[row] * ew * diw[col])

    def prop(h):
        # message passing: aggregate norm * h[src] at dst (scatter-add)
        return jnp.zeros_like(h).at[col].add(norm[:, None] * h[row])

    # --- Chebyshev recurrence ---
    Tx0 = x
    out = Tx0 @ W[0]
    Tx1 = prop(x)
    out = out + Tx1 @ W[1]
    Tx2 = 2.0 * prop(Tx1) - Tx0
    out = out + Tx2 @ W[2]
    out = out + bias

    # --- BatchNorm1d (training mode: batch statistics, biased variance) ---
    mean = jnp.mean(out, axis=0)
    var = jnp.var(out, axis=0)
    out = (out - mean) / jnp.sqrt(var + EPS) * gamma + beta

    # --- residual (Identity since in_channels == out_channels) + relu ---
    res = x
    return jax.nn.relu(out + res)

if __name__ == "__main__":
    import jax
    _d = setup_inputs()
    print(jax.jit(kernel)(*tuple(_d.values())))

</pallas_src>

<mosaic_0001>
#map = affine_map<(d0, d1) -> (0)>
#map1 = affine_map<(d0, d1) -> (0, 0)>
#map2 = affine_map<(d0, d1) -> (0, 0, 0)>
module attributes {stable_mosaic.version = 14 : i64} {
  func.func @_deg_body(%arg0: i32, %arg1: i32, %arg2: memref<160000xi32, #tpu.memory_space<hbm>>, %arg3: memref<128x128xf32, #tpu.memory_space<hbm>>, %arg4: memref<640x128xf32, #tpu.memory_space<hbm>>, %arg5: memref<2x10240x128xf32, #tpu.memory_space<hbm>>, %arg6: memref<10240x128xf32, #tpu.memory_space<vmem_shared>>, %arg7: memref<128x128xf32, #tpu.memory_space<vmem>>, %arg8: memref<8x128xf32, #tpu.memory_space<vmem>>, %arg9: memref<128xi32, #tpu.memory_space<vmem>>, %arg10: memref<8xi32, #tpu.memory_space<vmem>>) attributes {dimension_semantics = [#tpu.dimension_semantics<core_parallel>, #tpu.dimension_semantics<subcore_parallel>], iteration_bounds = array<i64: 2, 16>, scalar_prefetch = 0 : i64, scratch_operands = 5 : i64, tpu.core_type = #tpu.core_type<sc_vector_subcore>, window_params = [{transform_indices = #map}, {transform_indices = #map1}, {transform_indices = #map1}, {transform_indices = #map2}]} {
    %mul3A = arith.constant 640 : i32
    %mul3A_0 = arith.muli %arg1, %mul3A : i32
    "tpu.region"() ({
      %run_scoped3A = tpu.sem_alloc : memref<!tpu.dma_semaphore, #tpu.memory_space<semaphore_mem>>
      %dma_start3A = arith.constant 0 : i32
      %dma_start3A_17 = tpu.memref_slice %arg6[%mul3A_0, %dma_start3A] : memref<10240x128xf32, #tpu.memory_space<vmem_shared>> -> memref<640x128xf32, #tpu.memory_space<vmem_shared>>
      tpu.enqueue_dma source(%arg4 : memref<640x128xf32, #tpu.memory_space<hbm>>) target(%dma_start3A_17 : memref<640x128xf32, #tpu.memory_space<vmem_shared>>) target_semaphore(%run_scoped3A : memref<!tpu.dma_semaphore, #tpu.memory_space<semaphore_mem>>)
      %dma_wait3A = arith.constant 0 : i32
      %dma_wait3A_18 = tpu.memref_slice %arg6[%mul3A_0, %dma_wait3A] : memref<10240x128xf32, #tpu.memory_space<vmem_shared>> -> memref<640x128xf32, #tpu.memory_space<vmem_shared>>
      tpu.wait_dma2 semaphore(%run_scoped3A : memref<!tpu.dma_semaphore, #tpu.memory_space<semaphore_mem>>) src(%arg4 : memref<640x128xf32, #tpu.memory_space<hbm>>) dst(%dma_wait3A_18 : memref<640x128xf32, #tpu.memory_space<vmem_shared>>)
      tpu.yield
    }) : () -> ()
    "tpu.region"() ({
      %run_scoped3A = tpu.sem_alloc : memref<!tpu.dma_semaphore, #tpu.memory_space<semaphore_mem>>
      tpu.enqueue_dma source(%arg3 : memref<128x128xf32, #tpu.memory_space<hbm>>) target(%arg7 : memref<128x128xf32, #tpu.memory_space<vmem>>) target_semaphore(%run_scoped3A : memref<!tpu.dma_semaphore, #tpu.memory_space<semaphore_mem>>)
      tpu.wait_dma2 semaphore(%run_scoped3A : memref<!tpu.dma_semaphore, #tpu.memory_space<semaphore_mem>>) src(%arg3 : memref<128x128xf32, #tpu.memory_space<hbm>>) dst(%arg7 : memref<128x128xf32, #tpu.memory_space<vmem>>)
      tpu.yield
    }) : () -> ()
    "tpu.region"() ({
      %run_scoped3A = tpu.sem_alloc : memref<!tpu.dma_semaphore, #tpu.memory_space<semaphore_mem>>
      %dma_start3A = arith.constant 0 : i32
      %dma_start3A_17 = arith.constant 0 : i32
      %dma_start3A_18 = tpu.memref_slice %arg3[%dma_start3A, %dma_start3A_17] : memref<128x128xf32, #tpu.memory_space<hbm>> -> memref<8x128xf32, #tpu.memory_space<hbm>>
      %dma_start3A_19 = arith.constant 0 : i32
      %dma_start3A_20 = arith.constant 0 : i32
      %dma_start3A_21 = tpu.memref_slice %arg3[%dma_start3A_19, %dma_start3A_20] : memref<128x128xf32, #tpu.memory_space<hbm>> -> memref<8x128xf32, #tpu.memory_space<hbm>>
      tpu.enqueue_dma source(%dma_start3A_21 : memref<8x128xf32, #tpu.memory_space<hbm>>) target(%arg8 : memref<8x128xf32, #tpu.memory_space<vmem>>) target_semaphore(%run_scoped3A : memref<!tpu.dma_semaphore, #tpu.memory_space<semaphore_mem>>)
      %dma_wait3A = arith.constant 0 : i32
      %dma_wait3A_22 = arith.constant 0 : i32
      %dma_wait3A_23 = tpu.memref_slice %arg3[%dma_wait3A, %dma_wait3A_22] : memref<128x128xf32, #tpu.memory_space<hbm>> -> memref<8x128xf32, #tpu.memory_space<hbm>>
      %dma_wait3A_24 = arith.constant 0 : i32
      %dma_wait3A_25 = arith.constant 0 : i32
      %dma_wait3A_26 = tpu.memref_slice %arg3[%dma_wait3A_24, %dma_wait3A_25] : memref<128x128xf32, #tpu.memory_space<hbm>> -> memref<8x128xf32, #tpu.memory_space<hbm>>
      tpu.wait_dma2 semaphore(%run_scoped3A : memref<!tpu.dma_semaphore, #tpu.memory_space<semaphore_mem>>) src(%dma_wait3A_26 : memref<8x128xf32, #tpu.memory_space<hbm>>) dst(%arg8 : memref<8x128xf32, #tpu.memory_space<vmem>>)
      tpu.yield
    }) : () -> ()
    %barrier3A = arith.constant 0 : index
    tpu.barrier barrier_id(%barrier3A)
    %mul3A_1 = arith.constant 16 : i32
    %mul3A_2 = arith.muli %arg0, %mul3A_1 : i32
    %add3A = arith.addi %mul3A_2, %arg1 : i32
    %mul3A_3 = arith.constant 5000 : i32
    %mul3A_4 = arith.muli %add3A, %mul3A_3 : i32
    %scan3A = arith.constant 0 : i32
    %scan3A_5 = arith.constant 0 : i32
    %scan3A_6 = arith.constant 39 : i32
    %scan3A_7 = arith.addi %scan3A_5, %scan3A_6 : i32
    %scan3A_8 = arith.constant 1 : i32
    scf.for %scan3A_17 = %scan3A_5 to %scan3A_7 step %scan3A_8  : i32 {
      %mul3A_18 = arith.constant 128 : i32
      %mul3A_19 = arith.muli %scan3A_17, %mul3A_18 : i32
      %add3A_20 = arith.addi %mul3A_4, %mul3A_19 : i32
      "tpu.region"() ({
        %run_scoped3A = tpu.sem_alloc : memref<!tpu.dma_semaphore, #tpu.memory_space<semaphore_mem>>
        %dma_start3A = tpu.memref_slice %arg2[%add3A_20] : memref<160000xi32, #tpu.memory_space<hbm>> -> memref<128xi32, #tpu.memory_space<hbm>>
        %dma_start3A_21 = tpu.memref_slice %arg2[%add3A_20] : memref<160000xi32, #tpu.memory_space<hbm>> -> memref<128xi32, #tpu.memory_space<hbm>>
        tpu.enqueue_dma source(%dma_start3A_21 : memref<128xi32, #tpu.memory_space<hbm>>) target(%arg9 : memref<128xi32, #tpu.memory_space<vmem>>) target_semaphore(%run_scoped3A : memref<!tpu.dma_semaphore, #tpu.memory_space<semaphore_mem>>)
        %dma_wait3A = tpu.memref_slice %arg2[%add3A_20] : memref<160000xi32, #tpu.memory_space<hbm>> -> memref<128xi32, #tpu.memory_space<hbm>>
        %dma_wait3A_22 = tpu.memref_slice %arg2[%add3A_20] : memref<160000xi32, #tpu.memory_space<hbm>> -> memref<128xi32, #tpu.memory_space<hbm>>
        tpu.wait_dma2 semaphore(%run_scoped3A : memref<!tpu.dma_semaphore, #tpu.memory_space<semaphore_mem>>) src(%dma_wait3A_22 : memref<128xi32, #tpu.memory_space<hbm>>) dst(%arg9 : memref<128xi32, #tpu.memory_space<vmem>>)
        tpu.yield
      }) : () -> ()
      "tpu.region"() ({
        %run_scoped3A = tpu.sem_alloc : memref<!tpu.dma_semaphore, #tpu.memory_space<semaphore_mem>>
        %dma_start3A = arith.constant 0 : i32
        %dma_start3A_21 = arith.constant 0 : i32
        %dma_start3A_22 = tpu.memref_slice %arg6[%dma_start3A, %dma_start3A_21] : memref<10240x128xf32, #tpu.memory_space<vmem_shared>> -> memref<10240x128xf32, #tpu.memory_space<vmem_shared>>
        tpu.enqueue_indirect_dma source(%arg7 : memref<128x128xf32, #tpu.memory_space<vmem>>) target(%dma_start3A_22 : memref<10240x128xf32, #tpu.memory_space<vmem_shared>>) offsets(%arg9 : memref<128xi32, #tpu.memory_space<vmem>>) semaphore(%run_scoped3A : memref<!tpu.dma_semaphore, #tpu.memory_space<semaphore_mem>>) {add = true}
        %dma_wait3A = arith.constant 0 : i32
        %dma_wait3A_23 = arith.constant 0 : i32
        %dma_wait3A_24 = tpu.memref_slice %arg6[%dma_wait3A, %dma_wait3A_23] : memref<10240x128xf32, #tpu.memory_space<vmem_shared>> -> memref<10240x128xf32, #tpu.memory_space<vmem_shared>>
        tpu.wait_indirect_dma semaphore(%run_scoped3A : memref<!tpu.dma_semaphore, #tpu.memory_space<semaphore_mem>>) src(%arg7 : memref<128x128xf32, #tpu.memory_space<vmem>>) dst(%dma_wait3A_24 : memref<10240x128xf32, #tpu.memory_space<vmem_shared>>)
        tpu.yield
      }) : () -> ()
    }
    %scan3A_9 = arith.constant 39 : i32
    %add3A_10 = arith.constant 4992 : i32
    %add3A_11 = arith.addi %mul3A_4, %add3A_10 : i32
    "tpu.region"() ({
      %run_scoped3A = tpu.sem_alloc : memref<!tpu.dma_semaphore, #tpu.memory_space<semaphore_mem>>
      %dma_start3A = tpu.memref_slice %arg2[%add3A_11] : memref<160000xi32, #tpu.memory_space<hbm>> -> memref<8xi32, #tpu.memory_space<hbm>>
      %dma_start3A_17 = tpu.memref_slice %arg2[%add3A_11] : memref<160000xi32, #tpu.memory_space<hbm>> -> memref<8xi32, #tpu.memory_space<hbm>>
      tpu.enqueue_dma source(%dma_start3A_17 : memref<8xi32, #tpu.memory_space<hbm>>) target(%arg10 : memref<8xi32, #tpu.memory_space<vmem>>) target_semaphore(%run_scoped3A : memref<!tpu.dma_semaphore, #tpu.memory_space<semaphore_mem>>)
      %dma_wait3A = tpu.memref_slice %arg2[%add3A_11] : memref<160000xi32, #tpu.memory_space<hbm>> -> memref<8xi32, #tpu.memory_space<hbm>>
      %dma_wait3A_18 = tpu.memref_slice %arg2[%add3A_11] : memref<160000xi32, #tpu.memory_space<hbm>> -> memref<8xi32, #tpu.memory_space<hbm>>
      tpu.wait_dma2 semaphore(%run_scoped3A : memref<!tpu.dma_semaphore, #tpu.memory_space<semaphore_mem>>) src(%dma_wait3A_18 : memref<8xi32, #tpu.memory_space<hbm>>) dst(%arg10 : memref<8xi32, #tpu.memory_space<vmem>>)
      tpu.yield
    }) : () -> ()
    "tpu.region"() ({
      %run_scoped3A = tpu.sem_alloc : memref<!tpu.dma_semaphore, #tpu.memory_space<semaphore_mem>>
      %dma_start3A = arith.constant 0 : i32
      %dma_start3A_17 = arith.constant 0 : i32
      %dma_start3A_18 = tpu.memref_slice %arg6[%dma_start3A, %dma_start3A_17] : memref<10240x128xf32, #tpu.memory_space<vmem_shared>> -> memref<10240x128xf32, #tpu.memory_space<vmem_shared>>
      tpu.enqueue_indirect_dma source(%arg8 : memref<8x128xf32, #tpu.memory_space<vmem>>) target(%dma_start3A_18 : memref<10240x128xf32, #tpu.memory_space<vmem_shared>>) offsets(%arg10 : memref<8xi32, #tpu.memory_space<vmem>>) semaphore(%run_scoped3A : memref<!tpu.dma_semaphore, #tpu.memory_space<semaphore_mem>>) {add = true}
      %dma_wait3A = arith.constant 0 : i32
      %dma_wait3A_19 = arith.constant 0 : i32
      %dma_wait3A_20 = tpu.memref_slice %arg6[%dma_wait3A, %dma_wait3A_19] : memref<10240x128xf32, #tpu.memory_space<vmem_shared>> -> memref<10240x128xf32, #tpu.memory_space<vmem_shared>>
      tpu.wait_indirect_dma semaphore(%run_scoped3A : memref<!tpu.dma_semaphore, #tpu.memory_space<semaphore_mem>>) src(%arg8 : memref<8x128xf32, #tpu.memory_space<vmem>>) dst(%dma_wait3A_20 : memref<10240x128xf32, #tpu.memory_space<vmem_shared>>)
      tpu.yield
    }) : () -> ()
    %barrier3A_12 = arith.constant 0 : index
    tpu.barrier barrier_id(%barrier3A_12)
    %mul3A_13 = arith.constant 640 : i32
    %mul3A_14 = arith.muli %arg1, %mul3A_13 : i32
    %mul3A_15 = arith.constant 640 : i32
    %mul3A_16 = arith.muli %arg1, %mul3A_15 : i32
    "tpu.region"() ({
      %run_scoped3A = tpu.sem_alloc : memref<!tpu.dma_semaphore, #tpu.memory_space<semaphore_mem>>
      %dma_start3A = arith.constant 0 : i32
      %dma_start3A_17 = tpu.memref_slice %arg5[%arg0, %mul3A_16, %dma_start3A] : memref<2x10240x128xf32, #tpu.memory_space<hbm>> -> memref<1x640x128xf32, #tpu.memory_space<hbm>>
      %dma_start3A_18 = tpu.memref_squeeze %dma_start3A_17 : memref<1x640x128xf32, #tpu.memory_space<hbm>> -> memref<640x128xf32, #tpu.memory_space<hbm>>
      %dma_start3A_19 = arith.constant 0 : i32
      %dma_start3A_20 = tpu.memref_slice %arg6[%mul3A_14, %dma_start3A_19] : memref<10240x128xf32, #tpu.memory_space<vmem_shared>> -> memref<640x128xf32, #tpu.memory_space<vmem_shared>>
      tpu.enqueue_dma source(%dma_start3A_20 : memref<640x128xf32, #tpu.memory_space<vmem_shared>>) target(%dma_start3A_18 : memref<640x128xf32, #tpu.memory_space<hbm>>) target_semaphore(%run_scoped3A : memref<!tpu.dma_semaphore, #tpu.memory_space<semaphore_mem>>)
      %dma_wait3A = arith.constant 0 : i32
      %dma_wait3A_21 = tpu.memref_slice %arg5[%arg0, %mul3A_16, %dma_wait3A] : memref<2x10240x128xf32, #tpu.memory_space<hbm>> -> memref<1x640x128xf32, #tpu.memory_space<hbm>>
      %dma_wait3A_22 = tpu.memref_squeeze %dma_wait3A_21 : memref<1x640x128xf32, #tpu.memory_space<hbm>> -> memref<640x128xf32, #tpu.memory_space<hbm>>
      %dma_wait3A_23 = arith.constant 0 : i32
      %dma_wait3A_24 = tpu.memref_slice %arg6[%mul3A_14, %dma_wait3A_23] : memref<10240x128xf32, #tpu.memory_space<vmem_shared>> -> memref<640x128xf32, #tpu.memory_space<vmem_shared>>
      tpu.wait_dma2 semaphore(%run_scoped3A : memref<!tpu.dma_semaphore, #tpu.memory_space<semaphore_mem>>) src(%dma_wait3A_24 : memref<640x128xf32, #tpu.memory_space<vmem_shared>>) dst(%dma_wait3A_22 : memref<640x128xf32, #tpu.memory_space<hbm>>)
      tpu.yield
    }) : () -> ()
    return
  }
}

#map = affine_map<(d0, d1) -> (0)>
#map1 = affine_map<(d0, d1) -> (0, 0)>
#map2 = affine_map<(d0, d1) -> (0, 0, 0)>
module attributes {stable_mosaic.version = 14 : i64} {
  func.func @_prop_body(%arg0: i32, %arg1: i32, %arg2: memref<160000xi32, #tpu.memory_space<hbm>>, %arg3: memref<160000xi32, #tpu.memory_space<hbm>>, %arg4: memref<20480x128xf32, #tpu.memory_space<hbm>>, %arg5: memref<640x128xf32, #tpu.memory_space<hbm>>, %arg6: memref<2x10240x128xf32, #tpu.memory_space<hbm>>, %arg7: memref<10240x128xf32, #tpu.memory_space<vmem_shared>>, %arg8: memref<128x128xf32, #tpu.memory_space<vmem>>, %arg9: memref<128x128xf32, #tpu.memory_space<vmem>>, %arg10: memref<128xi32, #tpu.memory_space<vmem>>, %arg11: memref<128xi32, #tpu.memory_space<vmem>>, %arg12: memref<128xi32, #tpu.memory_space<vmem>>, %arg13: memref<128xi32, #tpu.memory_space<vmem>>, %arg14: memref<16x128xf32, #tpu.memory_space<vmem>>, %arg15: memref<16xi32, #tpu.memory_space<vmem>>, %arg16: memref<16xi32, #tpu.memory_space<vmem>>, %arg17: memref<!tpu.dma_semaphore, #tpu.memory_space<semaphore_mem>>, %arg18: memref<!tpu.dma_semaphore, #tpu.memory_space<semaphore_mem>>, %arg19: memref<!tpu.dma_semaphore, #tpu.memory_space<semaphore_mem>>, %arg20: memref<!tpu.dma_semaphore, #tpu.memory_space<semaphore_mem>>) attributes {dimension_semantics = [#tpu.dimension_semantics<core_parallel>, #tpu.dimension_semantics<subcore_parallel>], iteration_bounds = array<i64: 2, 16>, scalar_prefetch = 0 : i64, scratch_operands = 14 : i64, tpu.core_type = #tpu.core_type<sc_vector_subcore>, window_params = [{transform_indices = #map}, {transform_indices = #map}, {transform_indices = #map1}, {transform_indices = #map1}, {transform_indices = #map2}]} {
    %mul3A = arith.constant 10240 : i32
    %mul3A_0 = arith.muli %arg0, %mul3A : i32
    %mul3A_1 = arith.constant 640 : i32
    %mul3A_2 = arith.muli %arg1, %mul3A_1 : i32
    "tpu.region"() ({
      %run_scoped3A = tpu.sem_alloc : memref<!tpu.dma_semaphore, #tpu.memory_space<semaphore_mem>>
      %dma_start3A_187 = arith.constant 0 : i32
      %dma_start3A_188 = tpu.memref_slice %arg7[%mul3A_2, %dma_start3A_187] : memref<10240x128xf32, #tpu.memory_space<vmem_shared>> -> memref<640x128xf32, #tpu.memory_space<vmem_shared>>
      tpu.enqueue_dma source(%arg5 : memref<640x128xf32, #tpu.memory_space<hbm>>) target(%dma_start3A_188 : memref<640x128xf32, #tpu.memory_space<vmem_shared>>) target_semaphore(%run_scoped3A : memref<!tpu.dma_semaphore, #tpu.memory_space<semaphore_mem>>)
      %dma_wait3A_189 = arith.constant 0 : i32
      %dma_wait3A_190 = tpu.memref_slice %arg7[%mul3A_2, %dma_wait3A_189] : memref<10240x128xf32, #tpu.memory_space<vmem_shared>> -> memref<640x128xf32, #tpu.memory_space<vmem_shared>>
      tpu.wait_dma2 semaphore(%run_scoped3A : memref<!tpu.dma_semaphore, #tpu.memory_space<semaphore_mem>>) src(%arg5 : memref<640x128xf32, #tpu.memory_space<hbm>>) dst(%dma_wait3A_190 : memref<640x128xf32, #tpu.memory_space<vmem_shared>>)
      tpu.yield
    }) : () -> ()
    %barrier3A = arith.constant 0 : index
    tpu.barrier barrier_id(%barrier3A)
    %mul3A_3 = arith.constant 10000 : i32
    %mul3A_4 = arith.muli %arg1, %mul3A_3 : i32
    %add3A = arith.constant 0 : i32
    %add3A_5 = arith.addi %mul3A_4, %add3A : i32
    "tpu.region"() ({
      %run_scoped3A = tpu.sem_alloc : memref<!tpu.dma_semaphore, #tpu.memory_space<semaphore_mem>>
      %dma_start3A_187 = tpu.memref_slice %arg2[%add3A_5] : memref<160000xi32, #tpu.memory_space<hbm>> -> memref<128xi32, #tpu.memory_space<hbm>>
      %dma_start3A_188 = tpu.memref_slice %arg2[%add3A_5] : memref<160000xi32, #tpu.memory_space<hbm>> -> memref<128xi32, #tpu.memory_space<hbm>>
      tpu.enqueue_dma source(%dma_start3A_188 : memref<128xi32, #tpu.memory_space<hbm>>) target(%arg10 : memref<128xi32, #tpu.memory_space<vmem>>) target_semaphore(%run_scoped3A : memref<!tpu.dma_semaphore, #tpu.memory_space<semaphore_mem>>)
      %dma_wait3A_189 = tpu.memref_slice %arg2[%add3A_5] : memref<160000xi32, #tpu.memory_space<hbm>> -> memref<128xi32, #tpu.memory_space<hbm>>
      %dma_wait3A_190 = tpu.memref_slice %arg2[%add3A_5] : memref<160000xi32, #tpu.memory_space<hbm>> -> memref<128xi32, #tpu.memory_space<hbm>>
      tpu.wait_dma2 semaphore(%run_scoped3A : memref<!tpu.dma_semaphore, #tpu.memory_space<semaphore_mem>>) src(%dma_wait3A_190 : memref<128xi32, #tpu.memory_space<hbm>>) dst(%arg10 : memref<128xi32, #tpu.memory_space<vmem>>)
      tpu.yield
    }) : () -> ()
    "tpu.region"() ({
      %run_scoped3A = tpu.sem_alloc : memref<!tpu.dma_semaphore, #tpu.memory_space<semaphore_mem>>
      %dma_start3A_187 = tpu.memref_slice %arg3[%add3A_5] : memref<160000xi32, #tpu.memory_space<hbm>> -> memref<128xi32, #tpu.memory_space<hbm>>
      %dma_start3A_188 = tpu.memref_slice %arg3[%add3A_5] : memref<160000xi32, #tpu.memory_space<hbm>> -> memref<128xi32, #tpu.memory_space<hbm>>
      tpu.enqueue_dma source(%dma_start3A_188 : memref<128xi32, #tpu.memory_space<hbm>>) target(%arg12 : memref<128xi32, #tpu.memory_space<vmem>>) target_semaphore(%run_scoped3A : memref<!tpu.dma_semaphore, #tpu.memory_space<semaphore_mem>>)
      %dma_wait3A_189 = tpu.memref_slice %arg3[%add3A_5] : memref<160000xi32, #tpu.memory_space<hbm>> -> memref<128xi32, #tpu.memory_space<hbm>>
      %dma_wait3A_190 = tpu.memref_slice %arg3[%add3A_5] : memref<160000xi32, #tpu.memory_space<hbm>> -> memref<128xi32, #tpu.memory_space<hbm>>
      tpu.wait_dma2 semaphore(%run_scoped3A : memref<!tpu.dma_semaphore, #tpu.memory_space<semaphore_mem>>) src(%dma_wait3A_190 : memref<128xi32, #tpu.memory_space<hbm>>) dst(%arg12 : memref<128xi32, #tpu.memory_space<vmem>>)
      tpu.yield
    }) : () -> ()
    %get3A = arith.constant 0 : index
    %get3A_6 = tpu.vector_load %arg10[%get3A] {strides = array<i32>} : memref<128xi32, #tpu.memory_space<vmem>>, vector<16xi32>,
    %get3A_7 = vector.shape_cast %get3A_6 : vector<16xi32> to vector<16xi32>
    %add3A_8 = vector.broadcast %mul3A_0 : i32 to vector<16xi32>
    %add3A_9 = arith.addi %get3A_7, %add3A_8 : vector<16xi32>
    %swap3A = arith.constant 0 : index
    %swap3A_10 = tpu.vector_load %arg10[%swap3A] {strides = array<i32>} : memref<128xi32, #tpu.memory_space<vmem>>, vector<16xi32>,
    %swap3A_11 = vector.shape_cast %swap3A_10 : vector<16xi32> to vector<16xi32>
    %swap3A_12 = vector.shape_cast %add3A_9 : vector<16xi32> to vector<16xi32>
    tpu.vector_store %arg10[%swap3A], %swap3A_12 {strides = array<i32>} : memref<128xi32, #tpu.memory_space<vmem>>, vector<16xi32>,
    %get3A_13 = arith.constant 16 : index
    %get3A_14 = tpu.vector_load %arg10[%get3A_13] {strides = array<i32>} : memref<128xi32, #tpu.memory_space<vmem>>, vector<16xi32>,
    %get3A_15 = vector.shape_cast %get3A_14 : vector<16xi32> to vector<16xi32>
    %add3A_16 = vector.broadcast %mul3A_0 : i32 to vector<16xi32>
    %add3A_17 = arith.addi %get3A_15, %add3A_16 : vector<16xi32>
    %swap3A_18 = arith.constant 16 : index
    %swap3A_19 = tpu.vector_load %arg10[%swap3A_18] {strides = array<i32>} : memref<128xi32, #tpu.memory_space<vmem>>, vector<16xi32>,
    %swap3A_20 = vector.shape_cast %swap3A_19 : vector<16xi32> to vector<16xi32>
    %swap3A_21 = vector.shape_cast %add3A_17 : vector<16xi32> to vector<16xi32>
    tpu.vector_store %arg10[%swap3A_18], %swap3A_21 {strides = array<i32>} : memref<128xi32, #tpu.memory_space<vmem>>, vector<16xi32>,
    %get3A_22 = arith.constant 32 : index
    %get3A_23 = tpu.vector_load %arg10[%get3A_22] {strides = array<i32>} : memref<128xi32, #tpu.memory_space<vmem>>, vector<16xi32>,
    %get3A_24 = vector.shape_cast %get3A_23 : vector<16xi32> to vector<16xi32>
    %add3A_25 = vector.broadcast %mul3A_0 : i32 to vector<16xi32>
    %add3A_26 = arith.addi %get3A_24, %add3A_25 : vector<16xi32>
    %swap3A_27 = arith.constant 32 : index
    %swap3A_28 = tpu.vector_load %arg10[%swap3A_27] {strides = array<i32>} : memref<128xi32, #tpu.memory_space<vmem>>, vector<16xi32>,
    %swap3A_29 = vector.shape_cast %swap3A_28 : vector<16xi32> to vector<16xi32>
    %swap3A_30 = vector.shape_cast %add3A_26 : vector<16xi32> to vector<16xi32>
    tpu.vector_store %arg10[%swap3A_27], %swap3A_30 {strides = array<i32>} : memref<128xi32, #tpu.memory_space<vmem>>, vector<16xi32>,
    %get3A_31 = arith.constant 48 : index
    %get3A_32 = tpu.vector_load %arg10[%get3A_31] {strides = array<i32>} : memref<128xi32, #tpu.memory_space<vmem>>, vector<16xi32>,
    %get3A_33 = vector.shape_cast %get3A_32 : vector<16xi32> to vector<16xi32>
    %add3A_34 = vector.broadcast %mul3A_0 : i32 to vector<16xi32>
    %add3A_35 = arith.addi %get3A_33, %add3A_34 : vector<16xi32>
    %swap3A_36 = arith.constant 48 : index
    %swap3A_37 = tpu.vector_load %arg10[%swap3A_36] {strides = array<i32>} : memref<128xi32, #tpu.memory_space<vmem>>, vector<16xi32>,
    %swap3A_38 = vector.shape_cast %swap3A_37 : vector<16xi32> to vector<16xi32>
    %swap3A_39 = vector.shape_cast %add3A_35 : vector<16xi32> to vector<16xi32>
    tpu.vector_store %arg10[%swap3A_36], %swap3A_39 {strides = array<i32>} : memref<128xi32, #tpu.memory_space<vmem>>, vector<16xi32>,
    %get3A_40 = arith.constant 64 : index
    %get3A_41 = tpu.vector_load %arg10[%get3A_40] {strides = array<i32>} : memref<128xi32, #tpu.memory_space<vmem>>, vector<16xi32>,
    %get3A_42 = vector.shape_cast %get3A_41 : vector<16xi32> to vector<16xi32>
    %add3A_43 = vector.broadcast %mul3A_0 : i32 to vector<16xi32>
    %add3A_44 = arith.addi %get3A_42, %add3A_43 : vector<16xi32>
    %swap3A_45 = arith.constant 64 : index
    %swap3A_46 = tpu.vector_load %arg10[%swap3A_45] {strides = array<i32>} : memref<128xi32, #tpu.memory_space<vmem>>, vector<16xi32>,
    %swap3A_47 = vector.shape_cast %swap3A_46 : vector<16xi32> to vector<16xi32>
    %swap3A_48 = vector.shape_cast %add3A_44 : vector<16xi32> to vector<16xi32>
    tpu.vector_store %arg10[%swap3A_45], %swap3A_48 {strides = array<i32>} : memref<128xi32, #tpu.memory_space<vmem>>, vector<16xi32>,
    %get3A_49 = arith.constant 80 : index
    %get3A_50 = tpu.vector_load %arg10[%get3A_49] {strides = array<i32>} : memref<128xi32, #tpu.memory_space<vmem>>, vector<16xi32>,
    %get3A_51 = vector.shape_cast %get3A_50 : vector<16xi32> to vector<16xi32>
    %add3A_52 = vector.broadcast %mul3A_0 : i32 to vector<16xi32>
    %add3A_53 = arith.addi %get3A_51, %add3A_52 : vector<16xi32>
    %swap3A_54 = arith.constant 80 : index
    %swap3A_55 = tpu.vector_load %arg10[%swap3A_54] {strides = array<i32>} : memref<128xi32, #tpu.memory_space<vmem>>, vector<16xi32>,
    %swap3A_56 = vector.shape_cast %swap3A_55 : vector<16xi32> to vector<16xi32>
    %swap3A_57 = vector.shape_cast %add3A_53 : vector<16xi32> to vector<16xi32>
    tpu.vector_store %arg10[%swap3A_54], %swap3A_57 {strides = array<i32>} : memref<128xi32, #tpu.memory_space<vmem>>, vector<16xi32>,
    %get3A_58 = arith.constant 96 : index
    %get3A_59 = tpu.vector_load %arg10[%get3A_58] {strides = array<i32>} : memref<128xi32, #tpu.memory_space<vmem>>, vector<16xi32>,
    %get3A_60 = vector.shape_cast %get3A_59 : vector<16xi32> to vector<16xi32>
    %add3A_61 = vector.broadcast %mul3A_0 : i32 to vector<16xi32>
    %add3A_62 = arith.addi %get3A_60, %add3A_61 : vector<16xi32>
    %swap3A_63 = arith.constant 96 : index
    %swap3A_64 = tpu.vector_load %arg10[%swap3A_63] {strides = array<i32>} : memref<128xi32, #tpu.memory_space<vmem>>, vector<16xi32>,
    %swap3A_65 = vector.shape_cast %swap3A_64 : vector<16xi32> to vector<16xi32>
    %swap3A_66 = vector.shape_cast %add3A_62 : vector<16xi32> to vector<16xi32>
    tpu.vector_store %arg10[%swap3A_63], %swap3A_66 {strides = array<i32>} : memref<128xi32, #tpu.memory_space<vmem>>, vector<16xi32>,
    %get3A_67 = arith.constant 112 : index
    %get3A_68 = tpu.vector_load %arg10[%get3A_67] {strides = array<i32>} : memref<128xi32, #tpu.memory_space<vmem>>, vector<16xi32>,
    %get3A_69 = vector.shape_cast %get3A_68 : vector<16xi32> to vector<16xi32>
    %add3A_70 = vector.broadcast %mul3A_0 : i32 to vector<16xi32>
    %add3A_71 = arith.addi %get3A_69, %add3A_70 : vector<16xi32>
    %swap3A_72 = arith.constant 112 : index
    %swap3A_73 = tpu.vector_load %arg10[%swap3A_72] {strides = array<i32>} : memref<128xi32, #tpu.memory_space<vmem>>, vector<16xi32>,
    %swap3A_74 = vector.shape_cast %swap3A_73 : vector<16xi32> to vector<16xi32>
    %swap3A_75 = vector.shape_cast %add3A_71 : vector<16xi32> to vector<16xi32>
    tpu.vector_store %arg10[%swap3A_72], %swap3A_75 {strides = array<i32>} : memref<128xi32, #tpu.memory_space<vmem>>, vector<16xi32>,
    %dma_start3A = arith.constant 0 : i32
    %dma_start3A_76 = arith.constant 0 : i32
    %dma_start3A_77 = tpu.memref_slice %arg4[%dma_start3A, %dma_start3A_76] : memref<20480x128xf32, #tpu.memory_space<hbm>> -> memref<20480x128xf32, #tpu.memory_space<hbm>>
    tpu.enqueue_indirect_dma source(%dma_start3A_77 : memref<20480x128xf32, #tpu.memory_space<hbm>>) target(%arg8 : memref<128x128xf32, #tpu.memory_space<vmem>>) offsets(%arg10 : memref<128xi32, #tpu.memory_space<vmem>>) semaphore(%arg17 : memref<!tpu.dma_semaphore, #tpu.memory_space<semaphore_mem>>)
    %add3A_78 = arith.constant 128 : i32
    %add3A_79 = arith.addi %mul3A_4, %add3A_78 : i32
    "tpu.region"() ({
      %run_scoped3A = tpu.sem_alloc : memref<!tpu.dma_semaphore, #tpu.memory_space<semaphore_mem>>
      %dma_start3A_187 = tpu.memref_slice %arg2[%add3A_79] : memref<160000xi32, #tpu.memory_space<hbm>> -> memref<128xi32, #tpu.memory_space<hbm>>
      %dma_start3A_188 = tpu.memref_slice %arg2[%add3A_79] : memref<160000xi32, #tpu.memory_space<hbm>> -> memref<128xi32, #tpu.memory_space<hbm>>
      tpu.enqueue_dma source(%dma_start3A_188 : memref<128xi32, #tpu.memory_space<hbm>>) target(%arg11 : memref<128xi32, #tpu.memory_space<vmem>>) target_semaphore(%run_scoped3A : memref<!tpu.dma_semaphore, #tpu.memory_space<semaphore_mem>>)
      %dma_wait3A_189 = tpu.memref_slice %arg2[%add3A_79] : memref<160000xi32, #tpu.memory_space<hbm>> -> memref<128xi32, #tpu.memory_space<hbm>>
      %dma_wait3A_190 = tpu.memref_slice %arg2[%add3A_79] : memref<160000xi32, #tpu.memory_space<hbm>> -> memref<128xi32, #tpu.memory_space<hbm>>
      tpu.wait_dma2 semaphore(%run_scoped3A : memref<!tpu.dma_semaphore, #tpu.memory_space<semaphore_mem>>) src(%dma_wait3A_190 : memref<128xi32, #tpu.memory_space<hbm>>) dst(%arg11 : memref<128xi32, #tpu.memory_space<vmem>>)
      tpu.yield
    }) : () -> ()
    "tpu.region"() ({
      %run_scoped3A = tpu.sem_alloc : memref<!tpu.dma_semaphore, #tpu.memory_space<semaphore_mem>>
      %dma_start3A_187 = tpu.memref_slice %arg3[%add3A_79] : memref<160000xi32, #tpu.memory_space<hbm>> -> memref<128xi32, #tpu.memory_space<hbm>>
      %dma_start3A_188 = tpu.memref_slice %arg3[%add3A_79] : memref<160000xi32, #tpu.memory_space<hbm>> -> memref<128xi32, #tpu.memory_space<hbm>>
      tpu.enqueue_dma source(%dma_start3A_188 : memref<128xi32, #tpu.memory_space<hbm>>) target(%arg13 : memref<128xi32, #tpu.memory_space<vmem>>) target_semaphore(%run_scoped3A : memref<!tpu.dma_semaphore, #tpu.memory_space<semaphore_mem>>)
      %dma_wait3A_189 = tpu.memref_slice %arg3[%add3A_79] : memref<160000xi32, #tpu.memory_space<hbm>> -> memref<128xi32, #tpu.memory_space<hbm>>
      %dma_wait3A_190 = tpu.memref_slice %arg3[%add3A_79] : memref<160000xi32, #tpu.memory_space<hbm>> -> memref<128xi32, #tpu.memory_space<hbm>>
      tpu.wait_dma2 semaphore(%run_scoped3A : memref<!tpu.dma_semaphore, #tpu.memory_space<semaphore_mem>>) src(%dma_wait3A_190 : memref<128xi32, #tpu.memory_space<hbm>>) dst(%arg13 : memref<128xi32, #tpu.memory_space<vmem>>)
      tpu.yield
    }) : () -> ()
    %get3A_80 = arith.constant 0 : index
    %get3A_81 = tpu.vector_load %arg11[%get3A_80] {strides = array<i32>} : memref<128xi32, #tpu.memory_space<vmem>>, vector<16xi32>,
    %get3A_82 = vector.shape_cast %get3A_81 : vector<16xi32> to vector<16xi32>
    %add3A_83 = vector.broadcast %mul3A_0 : i32 to vector<16xi32>
    %add3A_84 = arith.addi %get3A_82, %add3A_83 : vector<16xi32>
    %swap3A_85 = arith.constant 0 : index
    %swap3A_86 = tpu.vector_load %arg11[%swap3A_85] {strides = array<i32>} : memref<128xi32, #tpu.memory_space<vmem>>, vector<16xi32>,
    %swap3A_87 = vector.shape_cast %swap3A_86 : vector<16xi32> to vector<16xi32>
    %swap3A_88 = vector.shape_cast %add3A_84 : vector<16xi32> to vector<16xi32>
    tpu.vector_store %arg11[%swap3A_85], %swap3A_88 {strides = array<i32>} : memref<128xi32, #tpu.memory_space<vmem>>, vector<16xi32>,
    %get3A_89 = arith.constant 16 : index
    %get3A_90 = tpu.vector_load %arg11[%get3A_89] {strides = array<i32>} : memref<128xi32, #tpu.memory_space<vmem>>, vector<16xi32>,
    %get3A_91 = vector.shape_cast %get3A_90 : vector<16xi32> to vector<16xi32>
    %add3A_92 = vector.broadcast %mul3A_0 : i32 to vector<16xi32>
    %add3A_93 = arith.addi %get3A_91, %add3A_92 : vector<16xi32>
    %swap3A_94 = arith.constant 16 : index
    %swap3A_95 = tpu.vector_load %arg11[%swap3A_94] {strides = array<i32>} : memref<128xi32, #tpu.memory_space<vmem>>, vector<16xi32>,
    %swap3A_96 = vector.shape_cast %swap3A_95 : vector<16xi32> to vector<16xi32>
    %swap3A_97 = vector.shape_cast %add3A_93 : vector<16xi32> to vector<16xi32>
    tpu.vector_store %arg11[%swap3A_94], %swap3A_97 {strides = array<i32>} : memref<128xi32, #tpu.memory_space<vmem>>, vector<16xi32>,
    %get3A_98 = arith.constant 32 : index
    %get3A_99 = tpu.vector_load %arg11[%get3A_98] {strides = array<i32>} : memref<128xi32, #tpu.memory_space<vmem>>, vector<16xi32>,
    %get3A_100 = vector.shape_cast %get3A_99 : vector<16xi32> to vector<16xi32>
    %add3A_101 = vector.broadcast %mul3A_0 : i32 to vector<16xi32>
    %add3A_102 = arith.addi %get3A_100, %add3A_101 : vector<16xi32>
    %swap3A_103 = arith.constant 32 : index
    %swap3A_104 = tpu.vector_load %arg11[%swap3A_103] {strides = array<i32>} : memref<128xi32, #tpu.memory_space<vmem>>, vector<16xi32>,
    %swap3A_105 = vector.shape_cast %swap3A_104 : vector<16xi32> to vector<16xi32>
    %swap3A_106 = vector.shape_cast %add3A_102 : vector<16xi32> to vector<16xi32>
    tpu.vector_store %arg11[%swap3A_103], %swap3A_106 {strides = array<i32>} : memref<128xi32, #tpu.memory_space<vmem>>, vector<16xi32>,
    %get3A_107 = arith.constant 48 : index
    %get3A_108 = tpu.vector_load %arg11[%get3A_107] {strides = array<i32>} : memref<128xi32, #tpu.memory_space<vmem>>, vector<16xi32>,
    %get3A_109 = vector.shape_cast %get3A_108 : vector<16xi32> to vector<16xi32>
    %add3A_110 = vector.broadcast %mul3A_0 : i32 to vector<16xi32>
    %add3A_111 = arith.addi %get3A_109, %add3A_110 : vector<16xi32>
    %swap3A_112 = arith.constant 48 : index
    %swap3A_113 = tpu.vector_load %arg11[%swap3A_112] {strides = array<i32>} : memref<128xi32, #tpu.memory_space<vmem>>, vector<16xi32>,
    %swap3A_114 = vector.shape_cast %swap3A_113 : vector<16xi32> to vector<16xi32>
    %swap3A_115 = vector.shape_cast %add3A_111 : vector<16xi32> to vector<16xi32>
    tpu.vector_store %arg11[%swap3A_112], %swap3A_115 {strides = array<i32>} : memref<128xi32, #tpu.memory_space<vmem>>, vector<16xi32>,
    %get3A_116 = arith.constant 64 : index
    %get3A_117 = tpu.vector_load %arg11[%get3A_116] {strides = array<i32>} : memref<128xi32, #tpu.memory_space<vmem>>, vector<16xi32>,
    %get3A_118 = vector.shape_cast %get3A_117 : vector<16xi32> to vector<16xi32>
    %add3A_119 = vector.broadcast %mul3A_0 : i32 to vector<16xi32>
    %add3A_120 = arith.addi %get3A_118, %add3A_119 : vector<16xi32>
    %swap3A_121 = arith.constant 64 : index
    %swap3A_122 = tpu.vector_load %arg11[%swap3A_121] {strides = array<i32>} : memref<128xi32, #tpu.memory_space<vmem>>, vector<16xi32>,
    %swap3A_123 = vector.shape_cast %swap3A_122 : vector<16xi32> to vector<16xi32>
    %swap3A_124 = vector.shape_cast %add3A_120 : vector<16xi32> to vector<16xi32>
    tpu.vector_store %arg11[%swap3A_121], %swap3A_124 {strides = array<i32>} : memref<128xi32, #tpu.memory_space<vmem>>, vector<16xi32>,
    %get3A_125 = arith.constant 80 : index
    %get3A_126 = tpu.vector_load %arg11[%get3A_125] {strides = array<i32>} : memref<128xi32, #tpu.memory_space<vmem>>, vector<16xi32>,
    %get3A_127 = vector.shape_cast %get3A_126 : vector<16xi32> to vector<16xi32>
    %add3A_128 = vector.broadcast %mul3A_0 : i32 to vector<16xi32>
    %add3A_129 = arith.addi %get3A_127, %add3A_128 : vector<16xi32>
    %swap3A_130 = arith.constant 80 : index
    %swap3A_131 = tpu.vector_load %arg11[%swap3A_130] {strides = array<i32>} : memref<128xi32, #tpu.memory_space<vmem>>, vector<16xi32>,
    %swap3A_132 = vector.shape_cast %swap3A_131 : vector<16xi32> to vector<16xi32>
    %swap3A_133 = vector.shape_cast %add3A_129 : vector<16xi32> to vector<16xi32>
    tpu.vector_store %arg11[%swap3A_130], %swap3A_133 {strides = array<i32>} : memref<128xi32, #tpu.memory_space<vmem>>, vector<16xi32>,
    %get3A_134 = arith.constant 96 : index
    %get3A_135 = tpu.vector_load %arg11[%get3A_134] {strides = array<i32>} : memref<128xi32, #tpu.memory_space<vmem>>, vector<16xi32>,
    %get3A_136 = vector.shape_cast %get3A_135 : vector<16xi32> to vector<16xi32>
    %add3A_137 = vector.broadcast %mul3A_0 : i32 to vector<16xi32>
    %add3A_138 = arith.addi %get3A_136, %add3A_137 : vector<16xi32>
    %swap3A_139 = arith.constant 96 : index
    %swap3A_140 = tpu.vector_load %arg11[%swap3A_139] {strides = array<i32>} : memref<128xi32, #tpu.memory_space<vmem>>, vector<16xi32>,
    %swap3A_141 = vector.shape_cast %swap3A_140 : vector<16xi32> to vector<16xi32>
    %swap3A_142 = vector.shape_cast %add3A_138 : vector<16xi32> to vector<16xi32>
    tpu.vector_store %arg11[%swap3A_139], %swap3A_142 {strides = array<i32>} : memref<128xi32, #tpu.memory_space<vmem>>, vector<16xi32>,
    %get3A_143 = arith.constant 112 : index
    %get3A_144 = tpu.vector_load %arg11[%get3A_143] {strides = array<i32>} : memref<128xi32, #tpu.memory_space<vmem>>, vector<16xi32>,
    %get3A_145 = vector.shape_cast %get3A_144 : vector<16xi32> to vector<16xi32>
    %add3A_146 = vector.broadcast %mul3A_0 : i32 to vector<16xi32>
    %add3A_147 = arith.addi %get3A_145, %add3A_146 : vector<16xi32>
    %swap3A_148 = arith.constant 112 : index
    %swap3A_149 = tpu.vector_load %arg11[%swap3A_148] {strides = array<i32>} : memref<128xi32, #tpu.memory_space<vmem>>, vector<16xi32>,
    %swap3A_150 = vector.shape_cast %swap3A_149 : vector<16xi32> to vector<16xi32>
    %swap3A_151 = vector.shape_cast %add3A_147 : vector<16xi32> to vector<16xi32>
    tpu.vector_store %arg11[%swap3A_148], %swap3A_151 {strides = array<i32>} : memref<128xi32, #tpu.memory_space<vmem>>, vector<16xi32>,
    %dma_start3A_152 = arith.constant 0 : i32
    %dma_start3A_153 = arith.constant 0 : i32
    %dma_start3A_154 = tpu.memref_slice %arg4[%dma_start3A_152, %dma_start3A_153] : memref<20480x128xf32, #tpu.memory_space<hbm>> -> memref<20480x128xf32, #tpu.memory_space<hbm>>
    tpu.enqueue_indirect_dma source(%dma_start3A_154 : memref<20480x128xf32, #tpu.memory_space<hbm>>) target(%arg9 : memref<128x128xf32, #tpu.memory_space<vmem>>) offsets(%arg11 : memref<128xi32, #tpu.memory_space<vmem>>) semaphore(%arg18 : memref<!tpu.dma_semaphore, #tpu.memory_space<semaphore_mem>>)
    %scan3A = arith.constant 0 : i32
    %scan3A_155 = arith.constant 0 : i32
    %scan3A_156 = arith.constant 39 : i32
    %scan3A_157 = arith.addi %scan3A_155, %scan3A_156 : i32
    %scan3A_158 = arith.constant 1 : i32
    scf.for %scan3A_187 = %scan3A_155 to %scan3A_157 step %scan3A_158  : i32 {
      %add3A_188 = arith.constant 1 : i32
      %add3A_189 = arith.addi %scan3A_187, %add3A_188 : i32
      %mul3A_190 = arith.constant 2 : i32
      %mul3A_191 = arith.muli %add3A_189, %mul3A_190 : i32
      %mul3A_192 = arith.constant 128 : i32
      %mul3A_193 = arith.muli %mul3A_191, %mul3A_192 : i32
      %add3A_194 = arith.addi %mul3A_4, %mul3A_193 : i32
      %dma_wait3A_195 = arith.constant 0 : i32
      %dma_wait3A_196 = arith.constant 0 : i32
      %dma_wait3A_197 = tpu.memref_slice %arg4[%dma_wait3A_195, %dma_wait3A_196] : memref<20480x128xf32, #tpu.memory_space<hbm>> -> memref<20480x128xf32, #tpu.memory_space<hbm>>
      tpu.wait_indirect_dma semaphore(%arg17 : memref<!tpu.dma_semaphore, #tpu.memory_space<semaphore_mem>>) src(%dma_wait3A_197 : memref<20480x128xf32, #tpu.memory_space<hbm>>) dst(%arg8 : memref<128x128xf32, #tpu.memory_space<vmem>>)
      %dma_start3A_198 = arith.constant 0 : i32
      %dma_start3A_199 = arith.constant 0 : i32
      %dma_start3A_200 = tpu.memref_slice %arg7[%dma_start3A_198, %dma_start3A_199] : memref<10240x128xf32, #tpu.memory_space<vmem_shared>> -> memref<10240x128xf32, #tpu.memory_space<vmem_shared>>
      tpu.enqueue_indirect_dma source(%arg8 : memref<128x128xf32, #tpu.memory_space<vmem>>) target(%dma_start3A_200 : memref<10240x128xf32, #tpu.memory_space<vmem_shared>>) offsets(%arg12 : memref<128xi32, #tpu.memory_space<vmem>>) semaphore(%arg19 : memref<!tpu.dma_semaphore, #tpu.memory_space<semaphore_mem>>) {add = true}
      %dma_wait3A_201 = arith.constant 0 : i32
      %dma_wait3A_202 = arith.constant 0 : i32
      %dma_wait3A_203 = tpu.memref_slice %arg4[%dma_wait3A_201, %dma_wait3A_202] : memref<20480x128xf32, #tpu.memory_space<hbm>> -> memref<20480x128xf32, #tpu.memory_space<hbm>>
      tpu.wait_indirect_dma semaphore(%arg18 : memref<!tpu.dma_semaphore, #tpu.memory_space<semaphore_mem>>) src(%dma_wait3A_203 : memref<20480x128xf32, #tpu.memory_space<hbm>>) dst(%arg9 : memref<128x128xf32, #tpu.memory_space<vmem>>)
      %dma_start3A_204 = arith.constant 0 : i32
      %dma_start3A_205 = arith.constant 0 : i32
      %dma_start3A_206 = tpu.memref_slice %arg7[%dma_start3A_204, %dma_start3A_205] : memref<10240x128xf32, #tpu.memory_space<vmem_shared>> -> memref<10240x128xf32, #tpu.memory_space<vmem_shared>>
      tpu.enqueue_indirect_dma source(%arg9 : memref<128x128xf32, #tpu.memory_space<vmem>>) target(%dma_start3A_206 : memref<10240x128xf32, #tpu.memory_space<vmem_shared>>) offsets(%arg13 : memref<128xi32, #tpu.memory_space<vmem>>) semaphore(%arg20 : memref<!tpu.dma_semaphore, #tpu.memory_space<semaphore_mem>>) {add = true}
      %lt3A = arith.constant 38 : i32
      %lt3A_207 = arith.cmpi slt, %scan3A_187, %lt3A : i32
      %convert_element_type3A = arith.extui %lt3A_207 : i1 to i32
      %cond3A = arith.constant 0 : i32
      %cond3A_208 = arith.cmpi ne, %convert_element_type3A, %cond3A : i32
      scf.if %cond3A_208 {
        %dma_wait3A_209 = arith.constant 0 : i32
        %dma_wait3A_210 = arith.constant 0 : i32
        %dma_wait3A_211 = tpu.memref_slice %arg7[%dma_wait3A_209, %dma_wait3A_210] : memref<10240x128xf32, #tpu.memory_space<vmem_shared>> -> memref<10240x128xf32, #tpu.memory_space<vmem_shared>>
        tpu.wait_indirect_dma semaphore(%arg19 : memref<!tpu.dma_semaphore, #tpu.memory_space<semaphore_mem>>) src(%arg8 : memref<128x128xf32, #tpu.memory_space<vmem>>) dst(%dma_wait3A_211 : memref<10240x128xf32, #tpu.memory_space<vmem_shared>>)
        %add3A_212 = arith.constant 0 : i32
        %add3A_213 = arith.addi %add3A_194, %add3A_212 : i32
        "tpu.region"() ({
          %run_scoped3A = tpu.sem_alloc : memref<!tpu.dma_semaphore, #tpu.memory_space<semaphore_mem>>
          %dma_start3A_369 = tpu.memref_slice %arg2[%add3A_213] : memref<160000xi32, #tpu.memory_space<hbm>> -> memref<128xi32, #tpu.memory_space<hbm>>
          %dma_start3A_370 = tpu.memref_slice %arg2[%add3A_213] : memref<160000xi32, #tpu.memory_space<hbm>> -> memref<128xi32, #tpu.memory_space<hbm>>
          tpu.enqueue_dma source(%dma_start3A_370 : memref<128xi32, #tpu.memory_space<hbm>>) target(%arg10 : memref<128xi32, #tpu.memory_space<vmem>>) target_semaphore(%run_scoped3A : memref<!tpu.dma_semaphore, #tpu.memory_space<semaphore_mem>>)
          %dma_wait3A_371 = tpu.memref_slice %arg2[%add3A_213] : memref<160000xi32, #tpu.memory_space<hbm>> -> memref<128xi32, #tpu.memory_space<hbm>>
          %dma_wait3A_372 = tpu.memref_slice %arg2[%add3A_213] : memref<160000xi32, #tpu.memory_space<hbm>> -> memref<128xi32, #tpu.memory_space<hbm>>
          tpu.wait_dma2 semaphore(%run_scoped3A : memref<!tpu.dma_semaphore, #tpu.memory_space<semaphore_mem>>) src(%dma_wait3A_372 : memref<128xi32, #tpu.memory_space<hbm>>) dst(%arg10 : memref<128xi32, #tpu.memory_space<vmem>>)
          tpu.yield
        }) : () -> ()
        "tpu.region"() ({
          %run_scoped3A = tpu.sem_alloc : memref<!tpu.dma_semaphore, #tpu.memory_space<semaphore_mem>>
          %dma_start3A_369 = tpu.memref_slice %arg3[%add3A_213] : memref<160000xi32, #tpu.memory_space<hbm>> -> memref<128xi32, #tpu.memory_space<hbm>>
          %dma_start3A_370 = tpu.memref_slice %arg3[%add3A_213] : memref<160000xi32, #tpu.memory_space<hbm>> -> memref<128xi32, #tpu.memory_space<hbm>>
          tpu.enqueue_dma source(%dma_start3A_370 : memref<128xi32, #tpu.memory_space<hbm>>) target(%arg12 : memref<128xi32, #tpu.memory_space<vmem>>) target_semaphore(%run_scoped3A : memref<!tpu.dma_semaphore, #tpu.memory_space<semaphore_mem>>)
          %dma_wait3A_371 = tpu.memref_slice %arg3[%add3A_213] : memref<160000xi32, #tpu.memory_space<hbm>> -> memref<128xi32, #tpu.memory_space<hbm>>
          %dma_wait3A_372 = tpu.memref_slice %arg3[%add3A_213] : memref<160000xi32, #tpu.memory_space<hbm>> -> memref<128xi32, #tpu.memory_space<hbm>>
          tpu.wait_dma2 semaphore(%run_scoped3A : memref<!tpu.dma_semaphore, #tpu.memory_space<semaphore_mem>>) src(%dma_wait3A_372 : memref<128xi32, #tpu.memory_space<hbm>>) dst(%arg12 : memref<128xi32, #tpu.memory_space<vmem>>)
          tpu.yield
        }) : () -> ()
        %get3A_214 = arith.constant 0 : index
        %get3A_215 = tpu.vector_load %arg10[%get3A_214] {strides = array<i32>} : memref<128xi32, #tpu.memory_space<vmem>>, vector<16xi32>,
        %get3A_216 = vector.shape_cast %get3A_215 : vector<16xi32> to vector<16xi32>
        %add3A_217 = vector.broadcast %mul3A_0 : i32 to vector<16xi32>
        %add3A_218 = arith.addi %get3A_216, %add3A_217 : vector<16xi32>
        %swap3A_219 = arith.constant 0 : index
        %swap3A_220 = tpu.vector_load %arg10[%swap3A_219] {strides = array<i32>} : memref<128xi32, #tpu.memory_space<vmem>>, vector<16xi32>,
        %swap3A_221 = vector.shape_cast %swap3A_220 : vector<16xi32> to vector<16xi32>
        %swap3A_222 = vector.shape_cast %add3A_218 : vector<16xi32> to vector<16xi32>
        tpu.vector_store %arg10[%swap3A_219], %swap3A_222 {strides = array<i32>} : memref<128xi32, #tpu.memory_space<vmem>>, vector<16xi32>,
        %get3A_223 = arith.constant 16 : index
        %get3A_224 = tpu.vector_load %arg10[%get3A_223] {strides = array<i32>} : memref<128xi32, #tpu.memory_space<vmem>>, vector<16xi32>,
        %get3A_225 = vector.shape_cast %get3A_224 : vector<16xi32> to vector<16xi32>
        %add3A_226 = vector.broadcast %mul3A_0 : i32 to vector<16xi32>
        %add3A_227 = arith.addi %get3A_225, %add3A_226 : vector<16xi32>
        %swap3A_228 = arith.constant 16 : index
        %swap3A_229 = tpu.vector_load %arg10[%swap3A_228] {strides = array<i32>} : memref<128xi32, #tpu.memory_space<vmem>>, vector<16xi32>,
        %swap3A_230 = vector.shape_cast %swap3A_229 : vector<16xi32> to vector<16xi32>
        %swap3A_231 = vector.shape_cast %add3A_227 : vector<16xi32> to vector<16xi32>
        tpu.vector_store %arg10[%swap3A_228], %swap3A_231 {strides = array<i32>} : memref<128xi32, #tpu.memory_space<vmem>>, vector<16xi32>,
        %get3A_232 = arith.constant 32 : index
        %get3A_233 = tpu.vector_load %arg10[%get3A_232] {strides = array<i32>} : memref<128xi32, #tpu.memory_space<vmem>>, vector<16xi32>,
        %get3A_234 = vector.shape_cast %get3A_233 : vector<16xi32> to vector<16xi32>
        %add3A_235 = vector.broadcast %mul3A_0 : i32 to vector<16xi32>
        %add3A_236 = arith.addi %get3A_234, %add3A_235 : vector<16xi32>
        %swap3A_237 = arith.constant 32 : index
        %swap3A_238 = tpu.vector_load %arg10[%swap3A_237] {strides = array<i32>} : memref<128xi32, #tpu.memory_space<vmem>>, vector<16xi32>,
        %swap3A_239 = vector.shape_cast %swap3A_238 : vector<16xi32> to vector<16xi32>
        %swap3A_240 = vector.shape_cast %add3A_236 : vector<16xi32> to vector<16xi32>
        tpu.vector_store %arg10[%swap3A_237], %swap3A_240 {strides = array<i32>} : memref<128xi32, #tpu.memory_space<vmem>>, vector<16xi32>,
        %get3A_241 = arith.constant 48 : index
        %get3A_242 = tpu.vector_load %arg10[%get3A_241] {strides = array<i32>} : memref<128xi32, #tpu.memory_space<vmem>>, vector<16xi32>,
        %get3A_243 = vector.shape_cast %get3A_242 : vector<16xi32> to vector<16xi32>
        %add3A_244 = vector.broadcast %mul3A_0 : i32 to vector<16xi32>
        %add3A_245 = arith.addi %get3A_243, %add3A_244 : vector<16xi32>
        %swap3A_246 = arith.constant 48 : index
        %swap3A_247 = tpu.vector_load %arg10[%swap3A_246] {strides = array<i32>} : memref<128xi32, #tpu.memory_space<vmem>>, vector<16xi32>,
        %swap3A_248 = vector.shape_cast %swap3A_247 : vector<16xi32> to vector<16xi32>
        %swap3A_249 = vector.shape_cast %add3A_245 : vector<16xi32> to vector<16xi32>
        tpu.vector_store %arg10[%swap3A_246], %swap3A_249 {strides = array<i32>} : memref<128xi32, #tpu.memory_space<vmem>>, vector<16xi32>,
        %get3A_250 = arith.constant 64 : index
        %get3A_251 = tpu.vector_load %arg10[%get3A_250] {strides = array<i32>} : memref<128xi32, #tpu.memory_space<vmem>>, vector<16xi32>,
        %get3A_252 = vector.shape_cast %get3A_251 : vector<16xi32> to vector<16xi32>
        %add3A_253 = vector.broadcast %mul3A_0 : i32 to vector<16xi32>
        %add3A_254 = arith.addi %get3A_252, %add3A_253 : vector<16xi32>
        %swap3A_255 = arith.constant 64 : index
        %swap3A_256 = tpu.vector_load %arg10[%swap3A_255] {strides = array<i32>} : memref<128xi32, #tpu.memory_space<vmem>>, vector<16xi32>,
        %swap3A_257 = vector.shape_cast %swap3A_256 : vector<16xi32> to vector<16xi32>
        %swap3A_258 = vector.shape_cast %add3A_254 : vector<16xi32> to vector<16xi32>
        tpu.vector_store %arg10[%swap3A_255], %swap3A_258 {strides = array<i32>} : memref<128xi32, #tpu.memory_space<vmem>>, vector<16xi32>,
        %get3A_259 = arith.constant 80 : index
        %get3A_260 = tpu.vector_load %arg10[%get3A_259] {strides = array<i32>} : memref<128xi32, #tpu.memory_space<vmem>>, vector<16xi32>,
        %get3A_261 = vector.shape_cast %get3A_260 : vector<16xi32> to vector<16xi32>
        %add3A_262 = vector.broadcast %mul3A_0 : i32 to vector<16xi32>
        %add3A_263 = arith.addi %get3A_261, %add3A_262 : vector<16xi32>
        %swap3A_264 = arith.constant 80 : index
        %swap3A_265 = tpu.vector_load %arg10[%swap3A_264] {strides = array<i32>} : memref<128xi32, #tpu.memory_space<vmem>>, vector<16xi32>,
        %swap3A_266 = vector.shape_cast %swap3A_265 : vector<16xi32> to vector<16xi32>
        %swap3A_267 = vector.shape_cast %add3A_263 : vector<16xi32> to vector<16xi32>
        tpu.vector_store %arg10[%swap3A_264], %swap3A_267 {strides = array<i32>} : memref<128xi32, #tpu.memory_space<vmem>>, vector<16xi32>,
        %get3A_268 = arith.constant 96 : index
        %get3A_269 = tpu.vector_load %arg10[%get3A_268] {strides = array<i32>} : memref<128xi32, #tpu.memory_space<vmem>>, vector<16xi32>,
        %get3A_270 = vector.shape_cast %get3A_269 : vector<16xi32> to vector<16xi32>
        %add3A_271 = vector.broadcast %mul3A_0 : i32 to vector<16xi32>
        %add3A_272 = arith.addi %get3A_270, %add3A_271 : vector<16xi32>
        %swap3A_273 = arith.constant 96 : index
        %swap3A_274 = tpu.vector_load %arg10[%swap3A_273] {strides = array<i32>} : memref<128xi32, #tpu.memory_space<vmem>>, vector<16xi32>,
        %swap3A_275 = vector.shape_cast %swap3A_274 : vector<16xi32> to vector<16xi32>
        %swap3A_276 = vector.shape_cast %add3A_272 : vector<16xi32> to vector<16xi32>
        tpu.vector_store %arg10[%swap3A_273], %swap3A_276 {strides = array<i32>} : memref<128xi32, #tpu.memory_space<vmem>>, vector<16xi32>,
        %get3A_277 = arith.constant 112 : index
        %get3A_278 = tpu.vector_load %arg10[%get3A_277] {strides = array<i32>} : memref<128xi32, #tpu.memory_space<vmem>>, vector<16xi32>,
        %get3A_279 = vector.shape_cast %get3A_278 : vector<16xi32> to vector<16xi32>
        %add3A_280 = vector.broadcast %mul3A_0 : i32 to vector<16xi32>
        %add3A_281 = arith.addi %get3A_279, %add3A_280 : vector<16xi32>
        %swap3A_282 = arith.constant 112 : index
        %swap3A_283 = tpu.vector_load %arg10[%swap3A_282] {strides = array<i32>} : memref<128xi32, #tpu.memory_space<vmem>>, vector<16xi32>,
        %swap3A_284 = vector.shape_cast %swap3A_283 : vector<16xi32> to vector<16xi32>
        %swap3A_285 = vector.shape_cast %add3A_281 : vector<16xi32> to vector<16xi32>
        tpu.vector_store %arg10[%swap3A_282], %swap3A_285 {strides = array<i32>} : memref<128xi32, #tpu.memory_space<vmem>>, vector<16xi32>,
        %dma_start3A_286 = arith.constant 0 : i32
        %dma_start3A_287 = arith.constant 0 : i32
        %dma_start3A_288 = tpu.memref_slice %arg4[%dma_start3A_286, %dma_start3A_287] : memref<20480x128xf32, #tpu.memory_space<hbm>> -> memref<20480x128xf32, #tpu.memory_space<hbm>>
        tpu.enqueue_indirect_dma source(%dma_start3A_288 : memref<20480x128xf32, #tpu.memory_space<hbm>>) target(%arg8 : memref<128x128xf32, #tpu.memory_space<vmem>>) offsets(%arg10 : memref<128xi32, #tpu.memory_space<vmem>>) semaphore(%arg17 : memref<!tpu.dma_semaphore, #tpu.memory_space<semaphore_mem>>)
        %dma_wait3A_289 = arith.constant 0 : i32
        %dma_wait3A_290 = arith.constant 0 : i32
        %dma_wait3A_291 = tpu.memref_slice %arg7[%dma_wait3A_289, %dma_wait3A_290] : memref<10240x128xf32, #tpu.memory_space<vmem_shared>> -> memref<10240x128xf32, #tpu.memory_space<vmem_shared>>
        tpu.wait_indirect_dma semaphore(%arg20 : memref<!tpu.dma_semaphore, #tpu.memory_space<semaphore_mem>>) src(%arg9 : memref<128x128xf32, #tpu.memory_space<vmem>>) dst(%dma_wait3A_291 : memref<10240x128xf32, #tpu.memory_space<vmem_shared>>)
        %add3A_292 = arith.constant 128 : i32
        %add3A_293 = arith.addi %add3A_194, %add3A_292 : i32
        "tpu.region"() ({
          %run_scoped3A = tpu.sem_alloc : memref<!tpu.dma_semaphore, #tpu.memory_space<semaphore_mem>>
          %dma_start3A_369 = tpu.memref_slice %arg2[%add3A_293] : memref<160000xi32, #tpu.memory_space<hbm>> -> memref<128xi32, #tpu.memory_space<hbm>>
          %dma_start3A_370 = tpu.memref_slice %arg2[%add3A_293] : memref<160000xi32, #tpu.memory_space<hbm>> -> memref<128xi32, #tpu.memory_space<hbm>>
          tpu.enqueue_dma source(%dma_start3A_370 : memref<128xi32, #tpu.memory_space<hbm>>) target(%arg11 : memref<128xi32, #tpu.memory_space<vmem>>) target_semaphore(%run_scoped3A : memref<!tpu.dma_semaphore, #tpu.memory_space<semaphore_mem>>)
          %dma_wait3A_371 = tpu.memref_slice %arg2[%add3A_293] : memref<160000xi32, #tpu.memory_space<hbm>> -> memref<128xi32, #tpu.memory_space<hbm>>
          %dma_wait3A_372 = tpu.memref_slice %arg2[%add3A_293] : memref<160000xi32, #tpu.memory_space<hbm>> -> memref<128xi32, #tpu.memory_space<hbm>>
          tpu.wait_dma2 semaphore(%run_scoped3A : memref<!tpu.dma_semaphore, #tpu.memory_space<semaphore_mem>>) src(%dma_wait3A_372 : memref<128xi32, #tpu.memory_space<hbm>>) dst(%arg11 : memref<128xi32, #tpu.memory_space<vmem>>)
          tpu.yield
        }) : () -> ()
        "tpu.region"() ({
          %run_scoped3A = tpu.sem_alloc : memref<!tpu.dma_semaphore, #tpu.memory_space<semaphore_mem>>
          %dma_start3A_369 = tpu.memref_slice %arg3[%add3A_293] : memref<160000xi32, #tpu.memory_space<hbm>> -> memref<128xi32, #tpu.memory_space<hbm>>
          %dma_start3A_370 = tpu.memref_slice %arg3[%add3A_293] : memref<160000xi32, #tpu.memory_space<hbm>> -> memref<128xi32, #tpu.memory_space<hbm>>
          tpu.enqueue_dma source(%dma_start3A_370 : memref<128xi32, #tpu.memory_space<hbm>>) target(%arg13 : memref<128xi32, #tpu.memory_space<vmem>>) target_semaphore(%run_scoped3A : memref<!tpu.dma_semaphore, #tpu.memory_space<semaphore_mem>>)
          %dma_wait3A_371 = tpu.memref_slice %arg3[%add3A_293] : memref<160000xi32, #tpu.memory_space<hbm>> -> memref<128xi32, #tpu.memory_space<hbm>>
          %dma_wait3A_372 = tpu.memref_slice %arg3[%add3A_293] : memref<160000xi32, #tpu.memory_space<hbm>> -> memref<128xi32, #tpu.memory_space<hbm>>
          tpu.wait_dma2 semaphore(%run_scoped3A : memref<!tpu.dma_semaphore, #tpu.memory_space<semaphore_mem>>) src(%dma_wait3A_372 : memref<128xi32, #tpu.memory_space<hbm>>) dst(%arg13 : memref<128xi32, #tpu.memory_space<vmem>>)
          tpu.yield
        }) : () -> ()
        %get3A_294 = arith.constant 0 : index
        %get3A_295 = tpu.vector_load %arg11[%get3A_294] {strides = array<i32>} : memref<128xi32, #tpu.memory_space<vmem>>, vector<16xi32>,
        %get3A_296 = vector.shape_cast %get3A_295 : vector<16xi32> to vector<16xi32>
        %add3A_297 = vector.broadcast %mul3A_0 : i32 to vector<16xi32>
        %add3A_298 = arith.addi %get3A_296, %add3A_297 : vector<16xi32>
        %swap3A_299 = arith.constant 0 : index
        %swap3A_300 = tpu.vector_load %arg11[%swap3A_299] {strides = array<i32>} : memref<128xi32, #tpu.memory_space<vmem>>, vector<16xi32>,
        %swap3A_301 = vector.shape_cast %swap3A_300 : vector<16xi32> to vector<16xi32>
        %swap3A_302 = vector.shape_cast %add3A_298 : vector<16xi32> to vector<16xi32>
        tpu.vector_store %arg11[%swap3A_299], %swap3A_302 {strides = array<i32>} : memref<128xi32, #tpu.memory_space<vmem>>, vector<16xi32>,
        %get3A_303 = arith.constant 16 : index
        %get3A_304 = tpu.vector_load %arg11[%get3A_303] {strides = array<i32>} : memref<128xi32, #tpu.memory_space<vmem>>, vector<16xi32>,
        %get3A_305 = vector.shape_cast %get3A_304 : vector<16xi32> to vector<16xi32>
        %add3A_306 = vector.broadcast %mul3A_0 : i32 to vector<16xi32>
        %add3A_307 = arith.addi %get3A_305, %add3A_306 : vector<16xi32>
        %swap3A_308 = arith.constant 16 : index
        %swap3A_309 = tpu.vector_load %arg11[%swap3A_308] {strides = array<i32>} : memref<128xi32, #tpu.memory_space<vmem>>, vector<16xi32>,
        %swap3A_310 = vector.shape_cast %swap3A_309 : vector<16xi32> to vector<16xi32>
        %swap3A_311 = vector.shape_cast %add3A_307 : vector<16xi32> to vector<16xi32>
        tpu.vector_store %arg11[%swap3A_308], %swap3A_311 {strides = array<i32>} : memref<128xi32, #tpu.memory_space<vmem>>, vector<16xi32>,
        %get3A_312 = arith.constant 32 : index
        %get3A_313 = tpu.vector_load %arg11[%get3A_312] {strides = array<i32>} : memref<128xi32, #tpu.memory_space<vmem>>, vector<16xi32>,
        %get3A_314 = vector.shape_cast %get3A_313 : vector<16xi32> to vector<16xi32>
        %add3A_315 = vector.broadcast %mul3A_0 : i32 to vector<16xi32>
        %add3A_316 = arith.addi %get3A_314, %add3A_315 : vector<16xi32>
        %swap3A_317 = arith.constant 32 : index
        %swap3A_318 = tpu.vector_load %arg11[%swap3A_317] {strides = array<i32>} : memref<128xi32, #tpu.memory_space<vmem>>, vector<16xi32>,
        %swap3A_319 = vector.shape_cast %swap3A_318 : vector<16xi32> to vector<16xi32>
        %swap3A_320 = vector.shape_cast %add3A_316 : vector<16xi32> to vector<16xi32>
        tpu.vector_store %arg11[%swap3A_317], %swap3A_320 {strides = array<i32>} : memref<128xi32, #tpu.memory_space<vmem>>, vector<16xi32>,
        %get3A_321 = arith.constant 48 : index
        %get3A_322 = tpu.vector_load %arg11[%get3A_321] {strides = array<i32>} : memref<128xi32, #tpu.memory_space<vmem>>, vector<16xi32>,
        %get3A_323 = vector.shape_cast %get3A_322 : vector<16xi32> to vector<16xi32>
        %add3A_324 = vector.broadcast %mul3A_0 : i32 to vector<16xi32>
        %add3A_325 = arith.addi %get3A_323, %add3A_324 : vector<16xi32>
        %swap3A_326 = arith.constant 48 : index
        %swap3A_327 = tpu.vector_load %arg11[%swap3A_326] {strides = array<i32>} : memref<128xi32, #tpu.memory_space<vmem>>, vector<16xi32>,
        %swap3A_328 = vector.shape_cast %swap3A_327 : vector<16xi32> to vector<16xi32>
        %swap3A_329 = vector.shape_cast %add3A_325 : vector<16xi32> to vector<16xi32>
        tpu.vector_store %arg11[%swap3A_326], %swap3A_329 {strides = array<i32>} : memref<128xi32, #tpu.memory_space<vmem>>, vector<16xi32>,
        %get3A_330 = arith.constant 64 : index
        %get3A_331 = tpu.vector_load %arg11[%get3A_330] {strides = array<i32>} : memref<128xi32, #tpu.memory_space<vmem>>, vector<16xi32>,
        %get3A_332 = vector.shape_cast %get3A_331 : vector<16xi32> to vector<16xi32>
        %add3A_333 = vector.broadcast %mul3A_0 : i32 to vector<16xi32>
        %add3A_334 = arith.addi %get3A_332, %add3A_333 : vector<16xi32>
        %swap3A_335 = arith.constant 64 : index
        %swap3A_336 = tpu.vector_load %arg11[%swap3A_335] {strides = array<i32>} : memref<128xi32, #tpu.memory_space<vmem>>, vector<16xi32>,
        %swap3A_337 = vector.shape_cast %swap3A_336 : vector<16xi32> to vector<16xi32>
        %swap3A_338 = vector.shape_cast %add3A_334 : vector<16xi32> to vector<16xi32>
        tpu.vector_store %arg11[%swap3A_335], %swap3A_338 {strides = array<i32>} : memref<128xi32, #tpu.memory_space<vmem>>, vector<16xi32>,
        %get3A_339 = arith.constant 80 : index
        %get3A_340 = tpu.vector_load %arg11[%get3A_339] {strides = array<i32>} : memref<128xi32, #tpu.memory_space<vmem>>, vector<16xi32>,
        %get3A_341 = vector.shape_cast %get3A_340 : vector<16xi32> to vector<16xi32>
        %add3A_342 = vector.broadcast %mul3A_0 : i32 to vector<16xi32>
        %add3A_343 = arith.addi %get3A_341, %add3A_342 : vector<16xi32>
        %swap3A_344 = arith.constant 80 : index
        %swap3A_345 = tpu.vector_load %arg11[%swap3A_344] {strides = array<i32>} : memref<128xi32, #tpu.memory_space<vmem>>, vector<16xi32>,
        %swap3A_346 = vector.shape_cast %swap3A_345 : vector<16xi32> to vector<16xi32>
        %swap3A_347 = vector.shape_cast %add3A_343 : vector<16xi32> to vector<16xi32>
        tpu.vector_store %arg11[%swap3A_344], %swap3A_347 {strides = array<i32>} : memref<128xi32, #tpu.memory_space<vmem>>, vector<16xi32>,
        %get3A_348 = arith.constant 96 : index
        %get3A_349 = tpu.vector_load %arg11[%get3A_348] {strides = array<i32>} : memref<128xi32, #tpu.memory_space<vmem>>, vector<16xi32>,
        %get3A_350 = vector.shape_cast %get3A_349 : vector<16xi32> to vector<16xi32>
        %add3A_351 = vector.broadcast %mul3A_0 : i32 to vector<16xi32>
        %add3A_352 = arith.addi %get3A_350, %add3A_351 : vector<16xi32>
        %swap3A_353 = arith.constant 96 : index
        %swap3A_354 = tpu.vector_load %arg11[%swap3A_353] {strides = array<i32>} : memref<128xi32, #tpu.memory_space<vmem>>, vector<16xi32>,
        %swap3A_355 = vector.shape_cast %swap3A_354 : vector<16xi32> to vector<16xi32>
        %swap3A_356 = vector.shape_cast %add3A_352 : vector<16xi32> to vector<16xi32>
        tpu.vector_store %arg11[%swap3A_353], %swap3A_356 {strides = array<i32>} : memref<128xi32, #tpu.memory_space<vmem>>, vector<16xi32>,
        %get3A_357 = arith.constant 112 : index
        %get3A_358 = tpu.vector_load %arg11[%get3A_357] {strides = array<i32>} : memref<128xi32, #tpu.memory_space<vmem>>, vector<16xi32>,
        %get3A_359 = vector.shape_cast %get3A_358 : vector<16xi32> to vector<16xi32>
        %add3A_360 = vector.broadcast %mul3A_0 : i32 to vector<16xi32>
        %add3A_361 = arith.addi %get3A_359, %add3A_360 : vector<16xi32>
        %swap3A_362 = arith.constant 112 : index
        %swap3A_363 = tpu.vector_load %arg11[%swap3A_362] {strides = array<i32>} : memref<128xi32, #tpu.memory_space<vmem>>, vector<16xi32>,
        %swap3A_364 = vector.shape_cast %swap3A_363 : vector<16xi32> to vector<16xi32>
        %swap3A_365 = vector.shape_cast %add3A_361 : vector<16xi32> to vector<16xi32>
        tpu.vector_store %arg11[%swap3A_362], %swap3A_365 {strides = array<i32>} : memref<128xi32, #tpu.memory_space<vmem>>, vector<16xi32>,
        %dma_start3A_366 = arith.constant 0 : i32
        %dma_start3A_367 = arith.constant 0 : i32
        %dma_start3A_368 = tpu.memref_slice %arg4[%dma_start3A_366, %dma_start3A_367] : memref<20480x128xf32, #tpu.memory_space<hbm>> -> memref<20480x128xf32, #tpu.memory_space<hbm>>
        tpu.enqueue_indirect_dma source(%dma_start3A_368 : memref<20480x128xf32, #tpu.memory_space<hbm>>) target(%arg9 : memref<128x128xf32, #tpu.memory_space<vmem>>) offsets(%arg11 : memref<128xi32, #tpu.memory_space<vmem>>) semaphore(%arg18 : memref<!tpu.dma_semaphore, #tpu.memory_space<semaphore_mem>>)
      } else {
      }
    }
    %scan3A_159 = arith.constant 39 : i32
    %dma_wait3A = arith.constant 0 : i32
    %dma_wait3A_160 = arith.constant 0 : i32
    %dma_wait3A_161 = tpu.memref_slice %arg7[%dma_wait3A, %dma_wait3A_160] : memref<10240x128xf32, #tpu.memory_space<vmem_shared>> -> memref<10240x128xf32, #tpu.memory_space<vmem_shared>>
    tpu.wait_indirect_dma semaphore(%arg19 : memref<!tpu.dma_semaphore, #tpu.memory_space<semaphore_mem>>) src(%arg8 : memref<128x128xf32, #tpu.memory_space<vmem>>) dst(%dma_wait3A_161 : memref<10240x128xf32, #tpu.memory_space<vmem_shared>>)
    %dma_wait3A_162 = arith.constant 0 : i32
    %dma_wait3A_163 = arith.constant 0 : i32
    %dma_wait3A_164 = tpu.memref_slice %arg7[%dma_wait3A_162, %dma_wait3A_163] : memref<10240x128xf32, #tpu.memory_space<vmem_shared>> -> memref<10240x128xf32, #tpu.memory_space<vmem_shared>>
    tpu.wait_indirect_dma semaphore(%arg20 : memref<!tpu.dma_semaphore, #tpu.memory_space<semaphore_mem>>) src(%arg9 : memref<128x128xf32, #tpu.memory_space<vmem>>) dst(%dma_wait3A_164 : memref<10240x128xf32, #tpu.memory_space<vmem_shared>>)
    %add3A_165 = arith.constant 9984 : i32
    %add3A_166 = arith.addi %mul3A_4, %add3A_165 : i32
    "tpu.region"() ({
      %run_scoped3A = tpu.sem_alloc : memref<!tpu.dma_semaphore, #tpu.memory_space<semaphore_mem>>
      %dma_start3A_187 = tpu.memref_slice %arg2[%add3A_166] : memref<160000xi32, #tpu.memory_space<hbm>> -> memref<16xi32, #tpu.memory_space<hbm>>
      %dma_start3A_188 = tpu.memref_slice %arg2[%add3A_166] : memref<160000xi32, #tpu.memory_space<hbm>> -> memref<16xi32, #tpu.memory_space<hbm>>
      tpu.enqueue_dma source(%dma_start3A_188 : memref<16xi32, #tpu.memory_space<hbm>>) target(%arg15 : memref<16xi32, #tpu.memory_space<vmem>>) target_semaphore(%run_scoped3A : memref<!tpu.dma_semaphore, #tpu.memory_space<semaphore_mem>>)
      %dma_wait3A_189 = tpu.memref_slice %arg2[%add3A_166] : memref<160000xi32, #tpu.memory_space<hbm>> -> memref<16xi32, #tpu.memory_space<hbm>>
      %dma_wait3A_190 = tpu.memref_slice %arg2[%add3A_166] : memref<160000xi32, #tpu.memory_space<hbm>> -> memref<16xi32, #tpu.memory_space<hbm>>
      tpu.wait_dma2 semaphore(%run_scoped3A : memref<!tpu.dma_semaphore, #tpu.memory_space<semaphore_mem>>) src(%dma_wait3A_190 : memref<16xi32, #tpu.memory_space<hbm>>) dst(%arg15 : memref<16xi32, #tpu.memory_space<vmem>>)
      tpu.yield
    }) : () -> ()
    "tpu.region"() ({
      %run_scoped3A = tpu.sem_alloc : memref<!tpu.dma_semaphore, #tpu.memory_space<semaphore_mem>>
      %dma_start3A_187 = tpu.memref_slice %arg3[%add3A_166] : memref<160000xi32, #tpu.memory_space<hbm>> -> memref<16xi32, #tpu.memory_space<hbm>>
      %dma_start3A_188 = tpu.memref_slice %arg3[%add3A_166] : memref<160000xi32, #tpu.memory_space<hbm>> -> memref<16xi32, #tpu.memory_space<hbm>>
      tpu.enqueue_dma source(%dma_start3A_188 : memref<16xi32, #tpu.memory_space<hbm>>) target(%arg16 : memref<16xi32, #tpu.memory_space<vmem>>) target_semaphore(%run_scoped3A : memref<!tpu.dma_semaphore, #tpu.memory_space<semaphore_mem>>)
      %dma_wait3A_189 = tpu.memref_slice %arg3[%add3A_166] : memref<160000xi32, #tpu.memory_space<hbm>> -> memref<16xi32, #tpu.memory_space<hbm>>
      %dma_wait3A_190 = tpu.memref_slice %arg3[%add3A_166] : memref<160000xi32, #tpu.memory_space<hbm>> -> memref<16xi32, #tpu.memory_space<hbm>>
      tpu.wait_dma2 semaphore(%run_scoped3A : memref<!tpu.dma_semaphore, #tpu.memory_space<semaphore_mem>>) src(%dma_wait3A_190 : memref<16xi32, #tpu.memory_space<hbm>>) dst(%arg16 : memref<16xi32, #tpu.memory_space<vmem>>)
      tpu.yield
    }) : () -> ()
    %get3A_167 = arith.constant 0 : index
    %get3A_168 = tpu.vector_load %arg15[%get3A_167] {strides = array<i32>} : memref<16xi32, #tpu.memory_space<vmem>>, vector<16xi32>,
    %get3A_169 = vector.shape_cast %get3A_168 : vector<16xi32> to vector<16xi32>
    %add3A_170 = vector.broadcast %mul3A_0 : i32 to vector<16xi32>
    %add3A_171 = arith.addi %get3A_169, %add3A_170 : vector<16xi32>
    %swap3A_172 = arith.constant 0 : index
    %swap3A_173 = tpu.vector_load %arg15[%swap3A_172] {strides = array<i32>} : memref<16xi32, #tpu.memory_space<vmem>>, vector<16xi32>,
    %swap3A_174 = vector.shape_cast %swap3A_173 : vector<16xi32> to vector<16xi32>
    %swap3A_175 = vector.shape_cast %add3A_171 : vector<16xi32> to vector<16xi32>
    tpu.vector_store %arg15[%swap3A_172], %swap3A_175 {strides = array<i32>} : memref<16xi32, #tpu.memory_space<vmem>>, vector<16xi32>,
    %dma_start3A_176 = arith.constant 0 : i32
    %dma_start3A_177 = arith.constant 0 : i32
    %dma_start3A_178 = tpu.memref_slice %arg4[%dma_start3A_176, %dma_start3A_177] : memref<20480x128xf32, #tpu.memory_space<hbm>> -> memref<20480x128xf32, #tpu.memory_space<hbm>>
    tpu.enqueue_indirect_dma source(%dma_start3A_178 : memref<20480x128xf32, #tpu.memory_space<hbm>>) target(%arg14 : memref<16x128xf32, #tpu.memory_space<vmem>>) offsets(%arg15 : memref<16xi32, #tpu.memory_space<vmem>>) semaphore(%arg17 : memref<!tpu.dma_semaphore, #tpu.memory_space<semaphore_mem>>)
    %dma_wait3A_179 = arith.constant 0 : i32
    %dma_wait3A_180 = arith.constant 0 : i32
    %dma_wait3A_181 = tpu.memref_slice %arg4[%dma_wait3A_179, %dma_wait3A_180] : memref<20480x128xf32, #tpu.memory_space<hbm>> -> memref<20480x128xf32, #tpu.memory_space<hbm>>
    tpu.wait_indirect_dma semaphore(%arg17 : memref<!tpu.dma_semaphore, #tpu.memory_space<semaphore_mem>>) src(%dma_wait3A_181 : memref<20480x128xf32, #tpu.memory_space<hbm>>) dst(%arg14 : memref<16x128xf32, #tpu.memory_space<vmem>>)
    "tpu.region"() ({
      %run_scoped3A = tpu.sem_alloc : memref<!tpu.dma_semaphore, #tpu.memory_space<semaphore_mem>>
      %dma_start3A_187 = arith.constant 0 : i32
      %dma_start3A_188 = arith.constant 0 : i32
      %dma_start3A_189 = tpu.memref_slice %arg7[%dma_start3A_187, %dma_start3A_188] : memref<10240x128xf32, #tpu.memory_space<vmem_shared>> -> memref<10240x128xf32, #tpu.memory_space<vmem_shared>>
      tpu.enqueue_indirect_dma source(%arg14 : memref<16x128xf32, #tpu.memory_space<vmem>>) target(%dma_start3A_189 : memref<10240x128xf32, #tpu.memory_space<vmem_shared>>) offsets(%arg16 : memref<16xi32, #tpu.memory_space<vmem>>) semaphore(%run_scoped3A : memref<!tpu.dma_semaphore, #tpu.memory_space<semaphore_mem>>) {add = true}
      %dma_wait3A_190 = arith.constant 0 : i32
      %dma_wait3A_191 = arith.constant 0 : i32
      %dma_wait3A_192 = tpu.memref_slice %arg7[%dma_wait3A_190, %dma_wait3A_191] : memref<10240x128xf32, #tpu.memory_space<vmem_shared>> -> memref<10240x128xf32, #tpu.memory_space<vmem_shared>>
      tpu.wait_indirect_dma semaphore(%run_scoped3A : memref<!tpu.dma_semaphore, #tpu.memory_space<semaphore_mem>>) src(%arg14 : memref<16x128xf32, #tpu.memory_space<vmem>>) dst(%dma_wait3A_192 : memref<10240x128xf32, #tpu.memory_space<vmem_shared>>)
      tpu.yield
    }) : () -> ()
    %barrier3A_182 = arith.constant 0 : index
    tpu.barrier barrier_id(%barrier3A_182)
    %mul3A_183 = arith.constant 640 : i32
    %mul3A_184 = arith.muli %arg1, %mul3A_183 : i32
    %mul3A_185 = arith.constant 640 : i32
    %mul3A_186 = arith.muli %arg1, %mul3A_185 : i32
    "tpu.region"() ({
      %run_scoped3A = tpu.sem_alloc : memref<!tpu.dma_semaphore, #tpu.memory_space<semaphore_mem>>
      %dma_start3A_187 = arith.constant 0 : i32
      %dma_start3A_188 = tpu.memref_slice %arg6[%arg0, %mul3A_186, %dma_start3A_187] : memref<2x10240x128xf32, #tpu.memory_space<hbm>> -> memref<1x640x128xf32, #tpu.memory_space<hbm>>
      %dma_start3A_189 = tpu.memref_squeeze %dma_start3A_188 : memref<1x640x128xf32, #tpu.memory_space<hbm>> -> memref<640x128xf32, #tpu.memory_space<hbm>>
      %dma_start3A_190 = arith.constant 0 : i32
      %dma_start3A_191 = tpu.memref_slice %arg7[%mul3A_184, %dma_start3A_190] : memref<10240x128xf32, #tpu.memory_space<vmem_shared>> -> memref<640x128xf32, #tpu.memory_space<vmem_shared>>
      tpu.enqueue_dma source(%dma_start3A_191 : memref<640x128xf32, #tpu.memory_space<vmem_shared>>) target(%dma_start3A_189 : memref<640x128xf32, #tpu.memory_space<hbm>>) target_semaphore(%run_scoped3A : memref<!tpu.dma_semaphore, #tpu.memory_space<semaphore_mem>>)
      %dma_wait3A_192 = arith.constant 0 : i32
      %dma_wait3A_193 = tpu.memref_slice %arg6[%arg0, %mul3A_186, %dma_wait3A_192] : memref<2x10240x128xf32, #tpu.memory_space<hbm>> -> memref<1x640x128xf32, #tpu.memory_space<hbm>>
      %dma_wait3A_194 = tpu.memref_squeeze %dma_wait3A_193 : memref<1x640x128xf32, #tpu.memory_space<hbm>> -> memref<640x128xf32, #tpu.memory_space<hbm>>
      %dma_wait3A_195 = arith.constant 0 : i32
      %dma_wait3A_196 = tpu.memref_slice %arg7[%mul3A_184, %dma_wait3A_195] : memref<10240x128xf32, #tpu.memory_space<vmem_shared>> -> memref<640x128xf32, #tpu.memory_space<vmem_shared>>
      tpu.wait_dma2 semaphore(%run_scoped3A : memref<!tpu.dma_semaphore, #tpu.memory_space<semaphore_mem>>) src(%dma_wait3A_196 : memref<640x128xf32, #tpu.memory_space<vmem_shared>>) dst(%dma_wait3A_194 : memref<640x128xf32, #tpu.memory_space<hbm>>)
      tpu.yield
    }) : () -> ()
    return
  }
}

#map = affine_map<(d0, d1) -> (0)>
#map1 = affine_map<(d0, d1) -> (0, 0)>
#map2 = affine_map<(d0, d1) -> (0, 0, 0)>
module attributes {stable_mosaic.version = 14 : i64} {
  func.func @_prop_body(%arg0: i32, %arg1: i32, %arg2: memref<160000xi32, #tpu.memory_space<hbm>>, %arg3: memref<160000xi32, #tpu.memory_space<hbm>>, %arg4: memref<20480x128xf32, #tpu.memory_space<hbm>>, %arg5: memref<640x128xf32, #tpu.memory_space<hbm>>, %arg6: memref<2x10240x128xf32, #tpu.memory_space<hbm>>, %arg7: memref<10240x128xf32, #tpu.memory_space<vmem_shared>>, %arg8: memref<128x128xf32, #tpu.memory_space<vmem>>, %arg9: memref<128x128xf32, #tpu.memory_space<vmem>>, %arg10: memref<128xi32, #tpu.memory_space<vmem>>, %arg11: memref<128xi32, #tpu.memory_space<vmem>>, %arg12: memref<128xi32, #tpu.memory_space<vmem>>, %arg13: memref<128xi32, #tpu.memory_space<vmem>>, %arg14: memref<16x128xf32, #tpu.memory_space<vmem>>, %arg15: memref<16xi32, #tpu.memory_space<vmem>>, %arg16: memref<16xi32, #tpu.memory_space<vmem>>, %arg17: memref<!tpu.dma_semaphore, #tpu.memory_space<semaphore_mem>>, %arg18: memref<!tpu.dma_semaphore, #tpu.memory_space<semaphore_mem>>, %arg19: memref<!tpu.dma_semaphore, #tpu.memory_space<semaphore_mem>>, %arg20: memref<!tpu.dma_semaphore, #tpu.memory_space<semaphore_mem>>) attributes {dimension_semantics = [#tpu.dimension_semantics<core_parallel>, #tpu.dimension_semantics<subcore_parallel>], iteration_bounds = array<i64: 2, 16>, scalar_prefetch = 0 : i64, scratch_operands = 14 : i64, tpu.core_type = #tpu.core_type<sc_vector_subcore>, window_params = [{transform_indices = #map}, {transform_indices = #map}, {transform_indices = #map1}, {transform_indices = #map1}, {transform_indices = #map2}]} {
    %mul3A = arith.constant 10240 : i32
    %mul3A_0 = arith.muli %arg0, %mul3A : i32
    %mul3A_1 = arith.constant 640 : i32
    %mul3A_2 = arith.muli %arg1, %mul3A_1 : i32
    "tpu.region"() ({
      %run_scoped3A = tpu.sem_alloc : memref<!tpu.dma_semaphore, #tpu.memory_space<semaphore_mem>>
      %dma_start3A_187 = arith.constant 0 : i32
      %dma_start3A_188 = tpu.memref_slice %arg7[%mul3A_2, %dma_start3A_187] : memref<10240x128xf32, #tpu.memory_space<vmem_shared>> -> memref<640x128xf32, #tpu.memory_space<vmem_shared>>
      tpu.enqueue_dma source(%arg5 : memref<640x128xf32, #tpu.memory_space<hbm>>) target(%dma_start3A_188 : memref<640x128xf32, #tpu.memory_space<vmem_shared>>) target_semaphore(%run_scoped3A : memref<!tpu.dma_semaphore, #tpu.memory_space<semaphore_mem>>)
      %dma_wait3A_189 = arith.constant 0 : i32
      %dma_wait3A_190 = tpu.memref_slice %arg7[%mul3A_2, %dma_wait3A_189] : memref<10240x128xf32, #tpu.memory_space<vmem_shared>> -> memref<640x128xf32, #tpu.memory_space<vmem_shared>>
      tpu.wait_dma2 semaphore(%run_scoped3A : memref<!tpu.dma_semaphore, #tpu.memory_space<semaphore_mem>>) src(%arg5 : memref<640x128xf32, #tpu.memory_space<hbm>>) dst(%dma_wait3A_190 : memref<640x128xf32, #tpu.memory_space<vmem_shared>>)
      tpu.yield
    }) : () -> ()
    %barrier3A = arith.constant 0 : index
    tpu.barrier barrier_id(%barrier3A)
    %mul3A_3 = arith.constant 10000 : i32
    %mul3A_4 = arith.muli %arg1, %mul3A_3 : i32
    %add3A = arith.constant 0 : i32
    %add3A_5 = arith.addi %mul3A_4, %add3A : i32
    "tpu.region"() ({
      %run_scoped3A = tpu.sem_alloc : memref<!tpu.dma_semaphore, #tpu.memory_space<semaphore_mem>>
      %dma_start3A_187 = tpu.memref_slice %arg2[%add3A_5] : memref<160000xi32, #tpu.memory_space<hbm>> -> memref<128xi32, #tpu.memory_space<hbm>>
      %dma_start3A_188 = tpu.memref_slice %arg2[%add3A_5] : memref<160000xi32, #tpu.memory_space<hbm>> -> memref<128xi32, #tpu.memory_space<hbm>>
      tpu.enqueue_dma source(%dma_start3A_188 : memref<128xi32, #tpu.memory_space<hbm>>) target(%arg10 : memref<128xi32, #tpu.memory_space<vmem>>) target_semaphore(%run_scoped3A : memref<!tpu.dma_semaphore, #tpu.memory_space<semaphore_mem>>)
      %dma_wait3A_189 = tpu.memref_slice %arg2[%add3A_5] : memref<160000xi32, #tpu.memory_space<hbm>> -> memref<128xi32, #tpu.memory_space<hbm>>
      %dma_wait3A_190 = tpu.memref_slice %arg2[%add3A_5] : memref<160000xi32, #tpu.memory_space<hbm>> -> memref<128xi32, #tpu.memory_space<hbm>>
      tpu.wait_dma2 semaphore(%run_scoped3A : memref<!tpu.dma_semaphore, #tpu.memory_space<semaphore_mem>>) src(%dma_wait3A_190 : memref<128xi32, #tpu.memory_space<hbm>>) dst(%arg10 : memref<128xi32, #tpu.memory_space<vmem>>)
      tpu.yield
    }) : () -> ()
    "tpu.region"() ({
      %run_scoped3A = tpu.sem_alloc : memref<!tpu.dma_semaphore, #tpu.memory_space<semaphore_mem>>
      %dma_start3A_187 = tpu.memref_slice %arg3[%add3A_5] : memref<160000xi32, #tpu.memory_space<hbm>> -> memref<128xi32, #tpu.memory_space<hbm>>
      %dma_start3A_188 = tpu.memref_slice %arg3[%add3A_5] : memref<160000xi32, #tpu.memory_space<hbm>> -> memref<128xi32, #tpu.memory_space<hbm>>
      tpu.enqueue_dma source(%dma_start3A_188 : memref<128xi32, #tpu.memory_space<hbm>>) target(%arg12 : memref<128xi32, #tpu.memory_space<vmem>>) target_semaphore(%run_scoped3A : memref<!tpu.dma_semaphore, #tpu.memory_space<semaphore_mem>>)
      %dma_wait3A_189 = tpu.memref_slice %arg3[%add3A_5] : memref<160000xi32, #tpu.memory_space<hbm>> -> memref<128xi32, #tpu.memory_space<hbm>>
      %dma_wait3A_190 = tpu.memref_slice %arg3[%add3A_5] : memref<160000xi32, #tpu.memory_space<hbm>> -> memref<128xi32, #tpu.memory_space<hbm>>
      tpu.wait_dma2 semaphore(%run_scoped3A : memref<!tpu.dma_semaphore, #tpu.memory_space<semaphore_mem>>) src(%dma_wait3A_190 : memref<128xi32, #tpu.memory_space<hbm>>) dst(%arg12 : memref<128xi32, #tpu.memory_space<vmem>>)
      tpu.yield
    }) : () -> ()
    %get3A = arith.constant 0 : index
    %get3A_6 = tpu.vector_load %arg10[%get3A] {strides = array<i32>} : memref<128xi32, #tpu.memory_space<vmem>>, vector<16xi32>,
    %get3A_7 = vector.shape_cast %get3A_6 : vector<16xi32> to vector<16xi32>
    %add3A_8 = vector.broadcast %mul3A_0 : i32 to vector<16xi32>
    %add3A_9 = arith.addi %get3A_7, %add3A_8 : vector<16xi32>
    %swap3A = arith.constant 0 : index
    %swap3A_10 = tpu.vector_load %arg10[%swap3A] {strides = array<i32>} : memref<128xi32, #tpu.memory_space<vmem>>, vector<16xi32>,
    %swap3A_11 = vector.shape_cast %swap3A_10 : vector<16xi32> to vector<16xi32>
    %swap3A_12 = vector.shape_cast %add3A_9 : vector<16xi32> to vector<16xi32>
    tpu.vector_store %arg10[%swap3A], %swap3A_12 {strides = array<i32>} : memref<128xi32, #tpu.memory_space<vmem>>, vector<16xi32>,
    %get3A_13 = arith.constant 16 : index
    %get3A_14 = tpu.vector_load %arg10[%get3A_13] {strides = array<i32>} : memref<128xi32, #tpu.memory_space<vmem>>, vector<16xi32>,
    %get3A_15 = vector.shape_cast %get3A_14 : vector<16xi32> to vector<16xi32>
    %add3A_16 = vector.broadcast %mul3A_0 : i32 to vector<16xi32>
    %add3A_17 = arith.addi %get3A_15, %add3A_16 : vector<16xi32>
    %swap3A_18 = arith.constant 16 : index
    %swap3A_19 = tpu.vector_load %arg10[%swap3A_18] {strides = array<i32>} : memref<128xi32, #tpu.memory_space<vmem>>, vector<16xi32>,
    %swap3A_20 = vector.shape_cast %swap3A_19 : vector<16xi32> to vector<16xi32>
    %swap3A_21 = vector.shape_cast %add3A_17 : vector<16xi32> to vector<16xi32>
    tpu.vector_store %arg10[%swap3A_18], %swap3A_21 {strides = array<i32>} : memref<128xi32, #tpu.memory_space<vmem>>, vector<16xi32>,
    %get3A_22 = arith.constant 32 : index
    %get3A_23 = tpu.vector_load %arg10[%get3A_22] {strides = array<i32>} : memref<128xi32, #tpu.memory_space<vmem>>, vector<16xi32>,
    %get3A_24 = vector.shape_cast %get3A_23 : vector<16xi32> to vector<16xi32>
    %add3A_25 = vector.broadcast %mul3A_0 : i32 to vector<16xi32>
    %add3A_26 = arith.addi %get3A_24, %add3A_25 : vector<16xi32>
    %swap3A_27 = arith.constant 32 : index
    %swap3A_28 = tpu.vector_load %arg10[%swap3A_27] {strides = array<i32>} : memref<128xi32, #tpu.memory_space<vmem>>, vector<16xi32>,
    %swap3A_29 = vector.shape_cast %swap3A_28 : vector<16xi32> to vector<16xi32>
    %swap3A_30 = vector.shape_cast %add3A_26 : vector<16xi32> to vector<16xi32>
    tpu.vector_store %arg10[%swap3A_27], %swap3A_30 {strides = array<i32>} : memref<128xi32, #tpu.memory_space<vmem>>, vector<16xi32>,
    %get3A_31 = arith.constant 48 : index
    %get3A_32 = tpu.vector_load %arg10[%get3A_31] {strides = array<i32>} : memref<128xi32, #tpu.memory_space<vmem>>, vector<16xi32>,
    %get3A_33 = vector.shape_cast %get3A_32 : vector<16xi32> to vector<16xi32>
    %add3A_34 = vector.broadcast %mul3A_0 : i32 to vector<16xi32>
    %add3A_35 = arith.addi %get3A_33, %add3A_34 : vector<16xi32>
    %swap3A_36 = arith.constant 48 : index
    %swap3A_37 = tpu.vector_load %arg10[%swap3A_36] {strides = array<i32>} : memref<128xi32, #tpu.memory_space<vmem>>, vector<16xi32>,
    %swap3A_38 = vector.shape_cast %swap3A_37 : vector<16xi32> to vector<16xi32>
    %swap3A_39 = vector.shape_cast %add3A_35 : vector<16xi32> to vector<16xi32>
    tpu.vector_store %arg10[%swap3A_36], %swap3A_39 {strides = array<i32>} : memref<128xi32, #tpu.memory_space<vmem>>, vector<16xi32>,
    %get3A_40 = arith.constant 64 : index
    %get3A_41 = tpu.vector_load %arg10[%get3A_40] {strides = array<i32>} : memref<128xi32, #tpu.memory_space<vmem>>, vector<16xi32>,
    %get3A_42 = vector.shape_cast %get3A_41 : vector<16xi32> to vector<16xi32>
    %add3A_43 = vector.broadcast %mul3A_0 : i32 to vector<16xi32>
    %add3A_44 = arith.addi %get3A_42, %add3A_43 : vector<16xi32>
    %swap3A_45 = arith.constant 64 : index
    %swap3A_46 = tpu.vector_load %arg10[%swap3A_45] {strides = array<i32>} : memref<128xi32, #tpu.memory_space<vmem>>, vector<16xi32>,
    %swap3A_47 = vector.shape_cast %swap3A_46 : vector<16xi32> to vector<16xi32>
    %swap3A_48 = vector.shape_cast %add3A_44 : vector<16xi32> to vector<16xi32>
    tpu.vector_store %arg10[%swap3A_45], %swap3A_48 {strides = array<i32>} : memref<128xi32, #tpu.memory_space<vmem>>, vector<16xi32>,
    %get3A_49 = arith.constant 80 : index
    %get3A_50 = tpu.vector_load %arg10[%get3A_49] {strides = array<i32>} : memref<128xi32, #tpu.memory_space<vmem>>, vector<16xi32>,
    %get3A_51 = vector.shape_cast %get3A_50 : vector<16xi32> to vector<16xi32>
    %add3A_52 = vector.broadcast %mul3A_0 : i32 to vector<16xi32>
    %add3A_53 = arith.addi %get3A_51, %add3A_52 : vector<16xi32>
    %swap3A_54 = arith.constant 80 : index
    %swap3A_55 = tpu.vector_load %arg10[%swap3A_54] {strides = array<i32>} : memref<128xi32, #tpu.memory_space<vmem>>, vector<16xi32>,
    %swap3A_56 = vector.shape_cast %swap3A_55 : vector<16xi32> to vector<16xi32>
    %swap3A_57 = vector.shape_cast %add3A_53 : vector<16xi32> to vector<16xi32>
    tpu.vector_store %arg10[%swap3A_54], %swap3A_57 {strides = array<i32>} : memref<128xi32, #tpu.memory_space<vmem>>, vector<16xi32>,
    %get3A_58 = arith.constant 96 : index
    %get3A_59 = tpu.vector_load %arg10[%get3A_58] {strides = array<i32>} : memref<128xi32, #tpu.memory_space<vmem>>, vector<16xi32>,
    %get3A_60 = vector.shape_cast %get3A_59 : vector<16xi32> to vector<16xi32>
    %add3A_61 = vector.broadcast %mul3A_0 : i32 to vector<16xi32>
    %add3A_62 = arith.addi %get3A_60, %add3A_61 : vector<16xi32>
    %swap3A_63 = arith.constant 96 : index
    %swap3A_64 = tpu.vector_load %arg10[%swap3A_63] {strides = array<i32>} : memref<128xi32, #tpu.memory_space<vmem>>, vector<16xi32>,
    %swap3A_65 = vector.shape_cast %swap3A_64 : vector<16xi32> to vector<16xi32>
    %swap3A_66 = vector.shape_cast %add3A_62 : vector<16xi32> to vector<16xi32>
    tpu.vector_store %arg10[%swap3A_63], %swap3A_66 {strides = array<i32>} : memref<128xi32, #tpu.memory_space<vmem>>, vector<16xi32>,
    %get3A_67 = arith.constant 112 : index
    %get3A_68 = tpu.vector_load %arg10[%get3A_67] {strides = array<i32>} : memref<128xi32, #tpu.memory_space<vmem>>, vector<16xi32>,
    %get3A_69 = vector.shape_cast %get3A_68 : vector<16xi32> to vector<16xi32>
    %add3A_70 = vector.broadcast %mul3A_0 : i32 to vector<16xi32>
    %add3A_71 = arith.addi %get3A_69, %add3A_70 : vector<16xi32>
    %swap3A_72 = arith.constant 112 : index
    %swap3A_73 = tpu.vector_load %arg10[%swap3A_72] {strides = array<i32>} : memref<128xi32, #tpu.memory_space<vmem>>, vector<16xi32>,
    %swap3A_74 = vector.shape_cast %swap3A_73 : vector<16xi32> to vector<16xi32>
    %swap3A_75 = vector.shape_cast %add3A_71 : vector<16xi32> to vector<16xi32>
    tpu.vector_store %arg10[%swap3A_72], %swap3A_75 {strides = array<i32>} : memref<128xi32, #tpu.memory_space<vmem>>, vector<16xi32>,
    %dma_start3A = arith.constant 0 : i32
    %dma_start3A_76 = arith.constant 0 : i32
    %dma_start3A_77 = tpu.memref_slice %arg4[%dma_start3A, %dma_start3A_76] : memref<20480x128xf32, #tpu.memory_space<hbm>> -> memref<20480x128xf32, #tpu.memory_space<hbm>>
    tpu.enqueue_indirect_dma source(%dma_start3A_77 : memref<20480x128xf32, #tpu.memory_space<hbm>>) target(%arg8 : memref<128x128xf32, #tpu.memory_space<vmem>>) offsets(%arg10 : memref<128xi32, #tpu.memory_space<vmem>>) semaphore(%arg17 : memref<!tpu.dma_semaphore, #tpu.memory_space<semaphore_mem>>)
    %add3A_78 = arith.constant 128 : i32
    %add3A_79 = arith.addi %mul3A_4, %add3A_78 : i32
    "tpu.region"() ({
      %run_scoped3A = tpu.sem_alloc : memref<!tpu.dma_semaphore, #tpu.memory_space<semaphore_mem>>
      %dma_start3A_187 = tpu.memref_slice %arg2[%add3A_79] : memref<160000xi32, #tpu.memory_space<hbm>> -> memref<128xi32, #tpu.memory_space<hbm>>
      %dma_start3A_188 = tpu.memref_slice %arg2[%add3A_79] : memref<160000xi32, #tpu.memory_space<hbm>> -> memref<128xi32, #tpu.memory_space<hbm>>
      tpu.enqueue_dma source(%dma_start3A_188 : memref<128xi32, #tpu.memory_space<hbm>>) target(%arg11 : memref<128xi32, #tpu.memory_space<vmem>>) target_semaphore(%run_scoped3A : memref<!tpu.dma_semaphore, #tpu.memory_space<semaphore_mem>>)
      %dma_wait3A_189 = tpu.memref_slice %arg2[%add3A_79] : memref<160000xi32, #tpu.memory_space<hbm>> -> memref<128xi32, #tpu.memory_space<hbm>>
      %dma_wait3A_190 = tpu.memref_slice %arg2[%add3A_79] : memref<160000xi32, #tpu.memory_space<hbm>> -> memref<128xi32, #tpu.memory_space<hbm>>
      tpu.wait_dma2 semaphore(%run_scoped3A : memref<!tpu.dma_semaphore, #tpu.memory_space<semaphore_mem>>) src(%dma_wait3A_190 : memref<128xi32, #tpu.memory_space<hbm>>) dst(%arg11 : memref<128xi32, #tpu.memory_space<vmem>>)
      tpu.yield
    }) : () -> ()
    "tpu.region"() ({
      %run_scoped3A = tpu.sem_alloc : memref<!tpu.dma_semaphore, #tpu.memory_space<semaphore_mem>>
      %dma_start3A_187 = tpu.memref_slice %arg3[%add3A_79] : memref<160000xi32, #tpu.memory_space<hbm>> -> memref<128xi32, #tpu.memory_space<hbm>>
      %dma_start3A_188 = tpu.memref_slice %arg3[%add3A_79] : memref<160000xi32, #tpu.memory_space<hbm>> -> memref<128xi32, #tpu.memory_space<hbm>>
      tpu.enqueue_dma source(%dma_start3A_188 : memref<128xi32, #tpu.memory_space<hbm>>) target(%arg13 : memref<128xi32, #tpu.memory_space<vmem>>) target_semaphore(%run_scoped3A : memref<!tpu.dma_semaphore, #tpu.memory_space<semaphore_mem>>)
      %dma_wait3A_189 = tpu.memref_slice %arg3[%add3A_79] : memref<160000xi32, #tpu.memory_space<hbm>> -> memref<128xi32, #tpu.memory_space<hbm>>
      %dma_wait3A_190 = tpu.memref_slice %arg3[%add3A_79] : memref<160000xi32, #tpu.memory_space<hbm>> -> memref<128xi32, #tpu.memory_space<hbm>>
      tpu.wait_dma2 semaphore(%run_scoped3A : memref<!tpu.dma_semaphore, #tpu.memory_space<semaphore_mem>>) src(%dma_wait3A_190 : memref<128xi32, #tpu.memory_space<hbm>>) dst(%arg13 : memref<128xi32, #tpu.memory_space<vmem>>)
      tpu.yield
    }) : () -> ()
    %get3A_80 = arith.constant 0 : index
    %get3A_81 = tpu.vector_load %arg11[%get3A_80] {strides = array<i32>} : memref<128xi32, #tpu.memory_space<vmem>>, vector<16xi32>,
    %get3A_82 = vector.shape_cast %get3A_81 : vector<16xi32> to vector<16xi32>
    %add3A_83 = vector.broadcast %mul3A_0 : i32 to vector<16xi32>
    %add3A_84 = arith.addi %get3A_82, %add3A_83 : vector<16xi32>
    %swap3A_85 = arith.constant 0 : index
    %swap3A_86 = tpu.vector_load %arg11[%swap3A_85] {strides = array<i32>} : memref<128xi32, #tpu.memory_space<vmem>>, vector<16xi32>,
    %swap3A_87 = vector.shape_cast %swap3A_86 : vector<16xi32> to vector<16xi32>
    %swap3A_88 = vector.shape_cast %add3A_84 : vector<16xi32> to vector<16xi32>
    tpu.vector_store %arg11[%swap3A_85], %swap3A_88 {strides = array<i32>} : memref<128xi32, #tpu.memory_space<vmem>>, vector<16xi32>,
    %get3A_89 = arith.constant 16 : index
    %get3A_90 = tpu.vector_load %arg11[%get3A_89] {strides = array<i32>} : memref<128xi32, #tpu.memory_space<vmem>>, vector<16xi32>,
    %get3A_91 = vector.shape_cast %get3A_90 : vector<16xi32> to vector<16xi32>
    %add3A_92 = vector.broadcast %mul3A_0 : i32 to vector<16xi32>
    %add3A_93 = arith.addi %get3A_91, %add3A_92 : vector<16xi32>
    %swap3A_94 = arith.constant 16 : index
    %swap3A_95 = tpu.vector_load %arg11[%swap3A_94] {strides = array<i32>} : memref<128xi32, #tpu.memory_space<vmem>>, vector<16xi32>,
    %swap3A_96 = vector.shape_cast %swap3A_95 : vector<16xi32> to vector<16xi32>
    %swap3A_97 = vector.shape_cast %add3A_93 : vector<16xi32> to vector<16xi32>
    tpu.vector_store %arg11[%swap3A_94], %swap3A_97 {strides = array<i32>} : memref<128xi32, #tpu.memory_space<vmem>>, vector<16xi32>,
    %get3A_98 = arith.constant 32 : index
    %get3A_99 = tpu.vector_load %arg11[%get3A_98] {strides = array<i32>} : memref<128xi32, #tpu.memory_space<vmem>>, vector<16xi32>,
    %get3A_100 = vector.shape_cast %get3A_99 : vector<16xi32> to vector<16xi32>
    %add3A_101 = vector.broadcast %mul3A_0 : i32 to vector<16xi32>
    %add3A_102 = arith.addi %get3A_100, %add3A_101 : vector<16xi32>
    %swap3A_103 = arith.constant 32 : index
    %swap3A_104 = tpu.vector_load %arg11[%swap3A_103] {strides = array<i32>} : memref<128xi32, #tpu.memory_space<vmem>>, vector<16xi32>,
    %swap3A_105 = vector.shape_cast %swap3A_104 : vector<16xi32> to vector<16xi32>
    %swap3A_106 = vector.shape_cast %add3A_102 : vector<16xi32> to vector<16xi32>
    tpu.vector_store %arg11[%swap3A_103], %swap3A_106 {strides = array<i32>} : memref<128xi32, #tpu.memory_space<vmem>>, vector<16xi32>,
    %get3A_107 = arith.constant 48 : index
    %get3A_108 = tpu.vector_load %arg11[%get3A_107] {strides = array<i32>} : memref<128xi32, #tpu.memory_space<vmem>>, vector<16xi32>,
    %get3A_109 = vector.shape_cast %get3A_108 : vector<16xi32> to vector<16xi32>
    %add3A_110 = vector.broadcast %mul3A_0 : i32 to vector<16xi32>
    %add3A_111 = arith.addi %get3A_109, %add3A_110 : vector<16xi32>
    %swap3A_112 = arith.constant 48 : index
    %swap3A_113 = tpu.vector_load %arg11[%swap3A_112] {strides = array<i32>} : memref<128xi32, #tpu.memory_space<vmem>>, vector<16xi32>,
    %swap3A_114 = vector.shape_cast %swap3A_113 : vector<16xi32> to vector<16xi32>
    %swap3A_115 = vector.shape_cast %add3A_111 : vector<16xi32> to vector<16xi32>
    tpu.vector_store %arg11[%swap3A_112], %swap3A_115 {strides = array<i32>} : memref<128xi32, #tpu.memory_space<vmem>>, vector<16xi32>,
    %get3A_116 = arith.constant 64 : index
    %get3A_117 = tpu.vector_load %arg11[%get3A_116] {strides = array<i32>} : memref<128xi32, #tpu.memory_space<vmem>>, vector<16xi32>,
    %get3A_118 = vector.shape_cast %get3A_117 : vector<16xi32> to vector<16xi32>
    %add3A_119 = vector.broadcast %mul3A_0 : i32 to vector<16xi32>
    %add3A_120 = arith.addi %get3A_118, %add3A_119 : vector<16xi32>
    %swap3A_121 = arith.constant 64 : index
    %swap3A_122 = tpu.vector_load %arg11[%swap3A_121] {strides = array<i32>} : memref<128xi32, #tpu.memory_space<vmem>>, vector<16xi32>,
    %swap3A_123 = vector.shape_cast %swap3A_122 : vector<16xi32> to vector<16xi32>
    %swap3A_124 = vector.shape_cast %add3A_120 : vector<16xi32> to vector<16xi32>
    tpu.vector_store %arg11[%swap3A_121], %swap3A_124 {strides = array<i32>} : memref<128xi32, #tpu.memory_space<vmem>>, vector<16xi32>,
    %get3A_125 = arith.constant 80 : index
    %get3A_126 = tpu.vector_load %arg11[%get3A_125] {strides = array<i32>} : memref<128xi32, #tpu.memory_space<vmem>>, vector<16xi32>,
    %get3A_127 = vector.shape_cast %get3A_126 : vector<16xi32> to vector<16xi32>
    %add3A_128 = vector.broadcast %mul3A_0 : i32 to vector<16xi32>
    %add3A_129 = arith.addi %get3A_127, %add3A_128 : vector<16xi32>
    %swap3A_130 = arith.constant 80 : index
    %swap3A_131 = tpu.vector_load %arg11[%swap3A_130] {strides = array<i32>} : memref<128xi32, #tpu.memory_space<vmem>>, vector<16xi32>,
    %swap3A_132 = vector.shape_cast %swap3A_131 : vector<16xi32> to vector<16xi32>
    %swap3A_133 = vector.shape_cast %add3A_129 : vector<16xi32> to vector<16xi32>
    tpu.vector_store %arg11[%swap3A_130], %swap3A_133 {strides = array<i32>} : memref<128xi32, #tpu.memory_space<vmem>>, vector<16xi32>,
    %get3A_134 = arith.constant 96 : index
    %get3A_135 = tpu.vector_load %arg11[%get3A_134] {strides = array<i32>} : memref<128xi32, #tpu.memory_space<vmem>>, vector<16xi32>,
    %get3A_136 = vector.shape_cast %get3A_135 : vector<16xi32> to vector<16xi32>
    %add3A_137 = vector.broadcast %mul3A_0 : i32 to vector<16xi32>
    %add3A_138 = arith.addi %get3A_136, %add3A_137 : vector<16xi32>
    %swap3A_139 = arith.constant 96 : index
    %swap3A_140 = tpu.vector_load %arg11[%swap3A_139] {strides = array<i32>} : memref<128xi32, #tpu.memory_space<vmem>>, vector<16xi32>,
    %swap3A_141 = vector.shape_cast %swap3A_140 : vector<16xi32> to vector<16xi32>
    %swap3A_142 = vector.shape_cast %add3A_138 : vector<16xi32> to vector<16xi32>
    tpu.vector_store %arg11[%swap3A_139], %swap3A_142 {strides = array<i32>} : memref<128xi32, #tpu.memory_space<vmem>>, vector<16xi32>,
    %get3A_143 = arith.constant 112 : index
    %get3A_144 = tpu.vector_load %arg11[%get3A_143] {strides = array<i32>} : memref<128xi32, #tpu.memory_space<vmem>>, vector<16xi32>,
    %get3A_145 = vector.shape_cast %get3A_144 : vector<16xi32> to vector<16xi32>
    %add3A_146 = vector.broadcast %mul3A_0 : i32 to vector<16xi32>
    %add3A_147 = arith.addi %get3A_145, %add3A_146 : vector<16xi32>
    %swap3A_148 = arith.constant 112 : index
    %swap3A_149 = tpu.vector_load %arg11[%swap3A_148] {strides = array<i32>} : memref<128xi32, #tpu.memory_space<vmem>>, vector<16xi32>,
    %swap3A_150 = vector.shape_cast %swap3A_149 : vector<16xi32> to vector<16xi32>
    %swap3A_151 = vector.shape_cast %add3A_147 : vector<16xi32> to vector<16xi32>
    tpu.vector_store %arg11[%swap3A_148], %swap3A_151 {strides = array<i32>} : memref<128xi32, #tpu.memory_space<vmem>>, vector<16xi32>,
    %dma_start3A_152 = arith.constant 0 : i32
    %dma_start3A_153 = arith.constant 0 : i32
    %dma_start3A_154 = tpu.memref_slice %arg4[%dma_start3A_152, %dma_start3A_153] : memref<20480x128xf32, #tpu.memory_space<hbm>> -> memref<20480x128xf32, #tpu.memory_space<hbm>>
    tpu.enqueue_indirect_dma source(%dma_start3A_154 : memref<20480x128xf32, #tpu.memory_space<hbm>>) target(%arg9 : memref<128x128xf32, #tpu.memory_space<vmem>>) offsets(%arg11 : memref<128xi32, #tpu.memory_space<vmem>>) semaphore(%arg18 : memref<!tpu.dma_semaphore, #tpu.memory_space<semaphore_mem>>)
    %scan3A = arith.constant 0 : i32
    %scan3A_155 = arith.constant 0 : i32
    %scan3A_156 = arith.constant 39 : i32
    %scan3A_157 = arith.addi %scan3A_155, %scan3A_156 : i32
    %scan3A_158 = arith.constant 1 : i32
    scf.for %scan3A_187 = %scan3A_155 to %scan3A_157 step %scan3A_158  : i32 {
      %add3A_188 = arith.constant 1 : i32
      %add3A_189 = arith.addi %scan3A_187, %add3A_188 : i32
      %mul3A_190 = arith.constant 2 : i32
      %mul3A_191 = arith.muli %add3A_189, %mul3A_190 : i32
      %mul3A_192 = arith.constant 128 : i32
      %mul3A_193 = arith.muli %mul3A_191, %mul3A_192 : i32
      %add3A_194 = arith.addi %mul3A_4, %mul3A_193 : i32
      %dma_wait3A_195 = arith.constant 0 : i32
      %dma_wait3A_196 = arith.constant 0 : i32
      %dma_wait3A_197 = tpu.memref_slice %arg4[%dma_wait3A_195, %dma_wait3A_196] : memref<20480x128xf32, #tpu.memory_space<hbm>> -> memref<20480x128xf32, #tpu.memory_space<hbm>>
      tpu.wait_indirect_dma semaphore(%arg17 : memref<!tpu.dma_semaphore, #tpu.memory_space<semaphore_mem>>) src(%dma_wait3A_197 : memref<20480x128xf32, #tpu.memory_space<hbm>>) dst(%arg8 : memref<128x128xf32, #tpu.memory_space<vmem>>)
      %dma_start3A_198 = arith.constant 0 : i32
      %dma_start3A_199 = arith.constant 0 : i32
      %dma_start3A_200 = tpu.memref_slice %arg7[%dma_start3A_198, %dma_start3A_199] : memref<10240x128xf32, #tpu.memory_space<vmem_shared>> -> memref<10240x128xf32, #tpu.memory_space<vmem_shared>>
      tpu.enqueue_indirect_dma source(%arg8 : memref<128x128xf32, #tpu.memory_space<vmem>>) target(%dma_start3A_200 : memref<10240x128xf32, #tpu.memory_space<vmem_shared>>) offsets(%arg12 : memref<128xi32, #tpu.memory_space<vmem>>) semaphore(%arg19 : memref<!tpu.dma_semaphore, #tpu.memory_space<semaphore_mem>>) {add = true}
      %dma_wait3A_201 = arith.constant 0 : i32
      %dma_wait3A_202 = arith.constant 0 : i32
      %dma_wait3A_203 = tpu.memref_slice %arg4[%dma_wait3A_201, %dma_wait3A_202] : memref<20480x128xf32, #tpu.memory_space<hbm>> -> memref<20480x128xf32, #tpu.memory_space<hbm>>
      tpu.wait_indirect_dma semaphore(%arg18 : memref<!tpu.dma_semaphore, #tpu.memory_space<semaphore_mem>>) src(%dma_wait3A_203 : memref<20480x128xf32, #tpu.memory_space<hbm>>) dst(%arg9 : memref<128x128xf32, #tpu.memory_space<vmem>>)
      %dma_start3A_204 = arith.constant 0 : i32
      %dma_start3A_205 = arith.constant 0 : i32
      %dma_start3A_206 = tpu.memref_slice %arg7[%dma_start3A_204, %dma_start3A_205] : memref<10240x128xf32, #tpu.memory_space<vmem_shared>> -> memref<10240x128xf32, #tpu.memory_space<vmem_shared>>
      tpu.enqueue_indirect_dma source(%arg9 : memref<128x128xf32, #tpu.memory_space<vmem>>) target(%dma_start3A_206 : memref<10240x128xf32, #tpu.memory_space<vmem_shared>>) offsets(%arg13 : memref<128xi32, #tpu.memory_space<vmem>>) semaphore(%arg20 : memref<!tpu.dma_semaphore, #tpu.memory_space<semaphore_mem>>) {add = true}
      %lt3A = arith.constant 38 : i32
      %lt3A_207 = arith.cmpi slt, %scan3A_187, %lt3A : i32
      %convert_element_type3A = arith.extui %lt3A_207 : i1 to i32
      %cond3A = arith.constant 0 : i32
      %cond3A_208 = arith.cmpi ne, %convert_element_type3A, %cond3A : i32
      scf.if %cond3A_208 {
        %dma_wait3A_209 = arith.constant 0 : i32
        %dma_wait3A_210 = arith.constant 0 : i32
        %dma_wait3A_211 = tpu.memref_slice %arg7[%dma_wait3A_209, %dma_wait3A_210] : memref<10240x128xf32, #tpu.memory_space<vmem_shared>> -> memref<10240x128xf32, #tpu.memory_space<vmem_shared>>
        tpu.wait_indirect_dma semaphore(%arg19 : memref<!tpu.dma_semaphore, #tpu.memory_space<semaphore_mem>>) src(%arg8 : memref<128x128xf32, #tpu.memory_space<vmem>>) dst(%dma_wait3A_211 : memref<10240x128xf32, #tpu.memory_space<vmem_shared>>)
        %add3A_212 = arith.constant 0 : i32
        %add3A_213 = arith.addi %add3A_194, %add3A_212 : i32
        "tpu.region"() ({
          %run_scoped3A = tpu.sem_alloc : memref<!tpu.dma_semaphore, #tpu.memory_space<semaphore_mem>>
          %dma_start3A_369 = tpu.memref_slice %arg2[%add3A_213] : memref<160000xi32, #tpu.memory_space<hbm>> -> memref<128xi32, #tpu.memory_space<hbm>>
          %dma_start3A_370 = tpu.memref_slice %arg2[%add3A_213] : memref<160000xi32, #tpu.memory_space<hbm>> -> memref<128xi32, #tpu.memory_space<hbm>>
          tpu.enqueue_dma source(%dma_start3A_370 : memref<128xi32, #tpu.memory_space<hbm>>) target(%arg10 : memref<128xi32, #tpu.memory_space<vmem>>) target_semaphore(%run_scoped3A : memref<!tpu.dma_semaphore, #tpu.memory_space<semaphore_mem>>)
          %dma_wait3A_371 = tpu.memref_slice %arg2[%add3A_213] : memref<160000xi32, #tpu.memory_space<hbm>> -> memref<128xi32, #tpu.memory_space<hbm>>
          %dma_wait3A_372 = tpu.memref_slice %arg2[%add3A_213] : memref<160000xi32, #tpu.memory_space<hbm>> -> memref<128xi32, #tpu.memory_space<hbm>>
          tpu.wait_dma2 semaphore(%run_scoped3A : memref<!tpu.dma_semaphore, #tpu.memory_space<semaphore_mem>>) src(%dma_wait3A_372 : memref<128xi32, #tpu.memory_space<hbm>>) dst(%arg10 : memref<128xi32, #tpu.memory_space<vmem>>)
          tpu.yield
        }) : () -> ()
        "tpu.region"() ({
          %run_scoped3A = tpu.sem_alloc : memref<!tpu.dma_semaphore, #tpu.memory_space<semaphore_mem>>
          %dma_start3A_369 = tpu.memref_slice %arg3[%add3A_213] : memref<160000xi32, #tpu.memory_space<hbm>> -> memref<128xi32, #tpu.memory_space<hbm>>
          %dma_start3A_370 = tpu.memref_slice %arg3[%add3A_213] : memref<160000xi32, #tpu.memory_space<hbm>> -> memref<128xi32, #tpu.memory_space<hbm>>
          tpu.enqueue_dma source(%dma_start3A_370 : memref<128xi32, #tpu.memory_space<hbm>>) target(%arg12 : memref<128xi32, #tpu.memory_space<vmem>>) target_semaphore(%run_scoped3A : memref<!tpu.dma_semaphore, #tpu.memory_space<semaphore_mem>>)
          %dma_wait3A_371 = tpu.memref_slice %arg3[%add3A_213] : memref<160000xi32, #tpu.memory_space<hbm>> -> memref<128xi32, #tpu.memory_space<hbm>>
          %dma_wait3A_372 = tpu.memref_slice %arg3[%add3A_213] : memref<160000xi32, #tpu.memory_space<hbm>> -> memref<128xi32, #tpu.memory_space<hbm>>
          tpu.wait_dma2 semaphore(%run_scoped3A : memref<!tpu.dma_semaphore, #tpu.memory_space<semaphore_mem>>) src(%dma_wait3A_372 : memref<128xi32, #tpu.memory_space<hbm>>) dst(%arg12 : memref<128xi32, #tpu.memory_space<vmem>>)
          tpu.yield
        }) : () -> ()
        %get3A_214 = arith.constant 0 : index
        %get3A_215 = tpu.vector_load %arg10[%get3A_214] {strides = array<i32>} : memref<128xi32, #tpu.memory_space<vmem>>, vector<16xi32>,
        %get3A_216 = vector.shape_cast %get3A_215 : vector<16xi32> to vector<16xi32>
        %add3A_217 = vector.broadcast %mul3A_0 : i32 to vector<16xi32>
        %add3A_218 = arith.addi %get3A_216, %add3A_217 : vector<16xi32>
        %swap3A_219 = arith.constant 0 : index
        %swap3A_220 = tpu.vector_load %arg10[%swap3A_219] {strides = array<i32>} : memref<128xi32, #tpu.memory_space<vmem>>, vector<16xi32>,
        %swap3A_221 = vector.shape_cast %swap3A_220 : vector<16xi32> to vector<16xi32>
        %swap3A_222 = vector.shape_cast %add3A_218 : vector<16xi32> to vector<16xi32>
        tpu.vector_store %arg10[%swap3A_219], %swap3A_222 {strides = array<i32>} : memref<128xi32, #tpu.memory_space<vmem>>, vector<16xi32>,
        %get3A_223 = arith.constant 16 : index
        %get3A_224 = tpu.vector_load %arg10[%get3A_223] {strides = array<i32>} : memref<128xi32, #tpu.memory_space<vmem>>, vector<16xi32>,
        %get3A_225 = vector.shape_cast %get3A_224 : vector<16xi32> to vector<16xi32>
        %add3A_226 = vector.broadcast %mul3A_0 : i32 to vector<16xi32>
        %add3A_227 = arith.addi %get3A_225, %add3A_226 : vector<16xi32>
        %swap3A_228 = arith.constant 16 : index
        %swap3A_229 = tpu.vector_load %arg10[%swap3A_228] {strides = array<i32>} : memref<128xi32, #tpu.memory_space<vmem>>, vector<16xi32>,
        %swap3A_230 = vector.shape_cast %swap3A_229 : vector<16xi32> to vector<16xi32>
        %swap3A_231 = vector.shape_cast %add3A_227 : vector<16xi32> to vector<16xi32>
        tpu.vector_store %arg10[%swap3A_228], %swap3A_231 {strides = array<i32>} : memref<128xi32, #tpu.memory_space<vmem>>, vector<16xi32>,
        %get3A_232 = arith.constant 32 : index
        %get3A_233 = tpu.vector_load %arg10[%get3A_232] {strides = array<i32>} : memref<128xi32, #tpu.memory_space<vmem>>, vector<16xi32>,
        %get3A_234 = vector.shape_cast %get3A_233 : vector<16xi32> to vector<16xi32>
        %add3A_235 = vector.broadcast %mul3A_0 : i32 to vector<16xi32>
        %add3A_236 = arith.addi %get3A_234, %add3A_235 : vector<16xi32>
        %swap3A_237 = arith.constant 32 : index
        %swap3A_238 = tpu.vector_load %arg10[%swap3A_237] {strides = array<i32>} : memref<128xi32, #tpu.memory_space<vmem>>, vector<16xi32>,
        %swap3A_239 = vector.shape_cast %swap3A_238 : vector<16xi32> to vector<16xi32>
        %swap3A_240 = vector.shape_cast %add3A_236 : vector<16xi32> to vector<16xi32>
        tpu.vector_store %arg10[%swap3A_237], %swap3A_240 {strides = array<i32>} : memref<128xi32, #tpu.memory_space<vmem>>, vector<16xi32>,
        %get3A_241 = arith.constant 48 : index
        %get3A_242 = tpu.vector_load %arg10[%get3A_241] {strides = array<i32>} : memref<128xi32, #tpu.memory_space<vmem>>, vector<16xi32>,
        %get3A_243 = vector.shape_cast %get3A_242 : vector<16xi32> to vector<16xi32>
        %add3A_244 = vector.broadcast %mul3A_0 : i32 to vector<16xi32>
        %add3A_245 = arith.addi %get3A_243, %add3A_244 : vector<16xi32>
        %swap3A_246 = arith.constant 48 : index
        %swap3A_247 = tpu.vector_load %arg10[%swap3A_246] {strides = array<i32>} : memref<128xi32, #tpu.memory_space<vmem>>, vector<16xi32>,
        %swap3A_248 = vector.shape_cast %swap3A_247 : vector<16xi32> to vector<16xi32>
        %swap3A_249 = vector.shape_cast %add3A_245 : vector<16xi32> to vector<16xi32>
        tpu.vector_store %arg10[%swap3A_246], %swap3A_249 {strides = array<i32>} : memref<128xi32, #tpu.memory_space<vmem>>, vector<16xi32>,
        %get3A_250 = arith.constant 64 : index
        %get3A_251 = tpu.vector_load %arg10[%get3A_250] {strides = array<i32>} : memref<128xi32, #tpu.memory_space<vmem>>, vector<16xi32>,
        %get3A_252 = vector.shape_cast %get3A_251 : vector<16xi32> to vector<16xi32>
        %add3A_253 = vector.broadcast %mul3A_0 : i32 to vector<16xi32>
        %add3A_254 = arith.addi %get3A_252, %add3A_253 : vector<16xi32>
        %swap3A_255 = arith.constant 64 : index
        %swap3A_256 = tpu.vector_load %arg10[%swap3A_255] {strides = array<i32>} : memref<128xi32, #tpu.memory_space<vmem>>, vector<16xi32>,
        %swap3A_257 = vector.shape_cast %swap3A_256 : vector<16xi32> to vector<16xi32>
        %swap3A_258 = vector.shape_cast %add3A_254 : vector<16xi32> to vector<16xi32>
        tpu.vector_store %arg10[%swap3A_255], %swap3A_258 {strides = array<i32>} : memref<128xi32, #tpu.memory_space<vmem>>, vector<16xi32>,
        %get3A_259 = arith.constant 80 : index
        %get3A_260 = tpu.vector_load %arg10[%get3A_259] {strides = array<i32>} : memref<128xi32, #tpu.memory_space<vmem>>, vector<16xi32>,
        %get3A_261 = vector.shape_cast %get3A_260 : vector<16xi32> to vector<16xi32>
        %add3A_262 = vector.broadcast %mul3A_0 : i32 to vector<16xi32>
        %add3A_263 = arith.addi %get3A_261, %add3A_262 : vector<16xi32>
        %swap3A_264 = arith.constant 80 : index
        %swap3A_265 = tpu.vector_load %arg10[%swap3A_264] {strides = array<i32>} : memref<128xi32, #tpu.memory_space<vmem>>, vector<16xi32>,
        %swap3A_266 = vector.shape_cast %swap3A_265 : vector<16xi32> to vector<16xi32>
        %swap3A_267 = vector.shape_cast %add3A_263 : vector<16xi32> to vector<16xi32>
        tpu.vector_store %arg10[%swap3A_264], %swap3A_267 {strides = array<i32>} : memref<128xi32, #tpu.memory_space<vmem>>, vector<16xi32>,
        %get3A_268 = arith.constant 96 : index
        %get3A_269 = tpu.vector_load %arg10[%get3A_268] {strides = array<i32>} : memref<128xi32, #tpu.memory_space<vmem>>, vector<16xi32>,
        %get3A_270 = vector.shape_cast %get3A_269 : vector<16xi32> to vector<16xi32>
        %add3A_271 = vector.broadcast %mul3A_0 : i32 to vector<16xi32>
        %add3A_272 = arith.addi %get3A_270, %add3A_271 : vector<16xi32>
        %swap3A_273 = arith.constant 96 : index
        %swap3A_274 = tpu.vector_load %arg10[%swap3A_273] {strides = array<i32>} : memref<128xi32, #tpu.memory_space<vmem>>, vector<16xi32>,
        %swap3A_275 = vector.shape_cast %swap3A_274 : vector<16xi32> to vector<16xi32>
        %swap3A_276 = vector.shape_cast %add3A_272 : vector<16xi32> to vector<16xi32>
        tpu.vector_store %arg10[%swap3A_273], %swap3A_276 {strides = array<i32>} : memref<128xi32, #tpu.memory_space<vmem>>, vector<16xi32>,
        %get3A_277 = arith.constant 112 : index
        %get3A_278 = tpu.vector_load %arg10[%get3A_277] {strides = array<i32>} : memref<128xi32, #tpu.memory_space<vmem>>, vector<16xi32>,
        %get3A_279 = vector.shape_cast %get3A_278 : vector<16xi32> to vector<16xi32>
        %add3A_280 = vector.broadcast %mul3A_0 : i32 to vector<16xi32>
        %add3A_281 = arith.addi %get3A_279, %add3A_280 : vector<16xi32>
        %swap3A_282 = arith.constant 112 : index
        %swap3A_283 = tpu.vector_load %arg10[%swap3A_282] {strides = array<i32>} : memref<128xi32, #tpu.memory_space<vmem>>, vector<16xi32>,
        %swap3A_284 = vector.shape_cast %swap3A_283 : vector<16xi32> to vector<16xi32>
        %swap3A_285 = vector.shape_cast %add3A_281 : vector<16xi32> to vector<16xi32>
        tpu.vector_store %arg10[%swap3A_282], %swap3A_285 {strides = array<i32>} : memref<128xi32, #tpu.memory_space<vmem>>, vector<16xi32>,
        %dma_start3A_286 = arith.constant 0 : i32
        %dma_start3A_287 = arith.constant 0 : i32
        %dma_start3A_288 = tpu.memref_slice %arg4[%dma_start3A_286, %dma_start3A_287] : memref<20480x128xf32, #tpu.memory_space<hbm>> -> memref<20480x128xf32, #tpu.memory_space<hbm>>
        tpu.enqueue_indirect_dma source(%dma_start3A_288 : memref<20480x128xf32, #tpu.memory_space<hbm>>) target(%arg8 : memref<128x128xf32, #tpu.memory_space<vmem>>) offsets(%arg10 : memref<128xi32, #tpu.memory_space<vmem>>) semaphore(%arg17 : memref<!tpu.dma_semaphore, #tpu.memory_space<semaphore_mem>>)
        %dma_wait3A_289 = arith.constant 0 : i32
        %dma_wait3A_290 = arith.constant 0 : i32
        %dma_wait3A_291 = tpu.memref_slice %arg7[%dma_wait3A_289, %dma_wait3A_290] : memref<10240x128xf32, #tpu.memory_space<vmem_shared>> -> memref<10240x128xf32, #tpu.memory_space<vmem_shared>>
        tpu.wait_indirect_dma semaphore(%arg20 : memref<!tpu.dma_semaphore, #tpu.memory_space<semaphore_mem>>) src(%arg9 : memref<128x128xf32, #tpu.memory_space<vmem>>) dst(%dma_wait3A_291 : memref<10240x128xf32, #tpu.memory_space<vmem_shared>>)
        %add3A_292 = arith.constant 128 : i32
        %add3A_293 = arith.addi %add3A_194, %add3A_292 : i32
        "tpu.region"() ({
          %run_scoped3A = tpu.sem_alloc : memref<!tpu.dma_semaphore, #tpu.memory_space<semaphore_mem>>
          %dma_start3A_369 = tpu.memref_slice %arg2[%add3A_293] : memref<160000xi32, #tpu.memory_space<hbm>> -> memref<128xi32, #tpu.memory_space<hbm>>
          %dma_start3A_370 = tpu.memref_slice %arg2[%add3A_293] : memref<160000xi32, #tpu.memory_space<hbm>> -> memref<128xi32, #tpu.memory_space<hbm>>
          tpu.enqueue_dma source(%dma_start3A_370 : memref<128xi32, #tpu.memory_space<hbm>>) target(%arg11 : memref<128xi32, #tpu.memory_space<vmem>>) target_semaphore(%run_scoped3A : memref<!tpu.dma_semaphore, #tpu.memory_space<semaphore_mem>>)
          %dma_wait3A_371 = tpu.memref_slice %arg2[%add3A_293] : memref<160000xi32, #tpu.memory_space<hbm>> -> memref<128xi32, #tpu.memory_space<hbm>>
          %dma_wait3A_372 = tpu.memref_slice %arg2[%add3A_293] : memref<160000xi32, #tpu.memory_space<hbm>> -> memref<128xi32, #tpu.memory_space<hbm>>
          tpu.wait_dma2 semaphore(%run_scoped3A : memref<!tpu.dma_semaphore, #tpu.memory_space<semaphore_mem>>) src(%dma_wait3A_372 : memref<128xi32, #tpu.memory_space<hbm>>) dst(%arg11 : memref<128xi32, #tpu.memory_space<vmem>>)
          tpu.yield
        }) : () -> ()
        "tpu.region"() ({
          %run_scoped3A = tpu.sem_alloc : memref<!tpu.dma_semaphore, #tpu.memory_space<semaphore_mem>>
          %dma_start3A_369 = tpu.memref_slice %arg3[%add3A_293] : memref<160000xi32, #tpu.memory_space<hbm>> -> memref<128xi32, #tpu.memory_space<hbm>>
          %dma_start3A_370 = tpu.memref_slice %arg3[%add3A_293] : memref<160000xi32, #tpu.memory_space<hbm>> -> memref<128xi32, #tpu.memory_space<hbm>>
          tpu.enqueue_dma source(%dma_start3A_370 : memref<128xi32, #tpu.memory_space<hbm>>) target(%arg13 : memref<128xi32, #tpu.memory_space<vmem>>) target_semaphore(%run_scoped3A : memref<!tpu.dma_semaphore, #tpu.memory_space<semaphore_mem>>)
          %dma_wait3A_371 = tpu.memref_slice %arg3[%add3A_293] : memref<160000xi32, #tpu.memory_space<hbm>> -> memref<128xi32, #tpu.memory_space<hbm>>
          %dma_wait3A_372 = tpu.memref_slice %arg3[%add3A_293] : memref<160000xi32, #tpu.memory_space<hbm>> -> memref<128xi32, #tpu.memory_space<hbm>>
          tpu.wait_dma2 semaphore(%run_scoped3A : memref<!tpu.dma_semaphore, #tpu.memory_space<semaphore_mem>>) src(%dma_wait3A_372 : memref<128xi32, #tpu.memory_space<hbm>>) dst(%arg13 : memref<128xi32, #tpu.memory_space<vmem>>)
          tpu.yield
        }) : () -> ()
        %get3A_294 = arith.constant 0 : index
        %get3A_295 = tpu.vector_load %arg11[%get3A_294] {strides = array<i32>} : memref<128xi32, #tpu.memory_space<vmem>>, vector<16xi32>,
        %get3A_296 = vector.shape_cast %get3A_295 : vector<16xi32> to vector<16xi32>
        %add3A_297 = vector.broadcast %mul3A_0 : i32 to vector<16xi32>
        %add3A_298 = arith.addi %get3A_296, %add3A_297 : vector<16xi32>
        %swap3A_299 = arith.constant 0 : index
        %swap3A_300 = tpu.vector_load %arg11[%swap3A_299] {strides = array<i32>} : memref<128xi32, #tpu.memory_space<vmem>>, vector<16xi32>,
        %swap3A_301 = vector.shape_cast %swap3A_300 : vector<16xi32> to vector<16xi32>
        %swap3A_302 = vector.shape_cast %add3A_298 : vector<16xi32> to vector<16xi32>
        tpu.vector_store %arg11[%swap3A_299], %swap3A_302 {strides = array<i32>} : memref<128xi32, #tpu.memory_space<vmem>>, vector<16xi32>,
        %get3A_303 = arith.constant 16 : index
        %get3A_304 = tpu.vector_load %arg11[%get3A_303] {strides = array<i32>} : memref<128xi32, #tpu.memory_space<vmem>>, vector<16xi32>,
        %get3A_305 = vector.shape_cast %get3A_304 : vector<16xi32> to vector<16xi32>
        %add3A_306 = vector.broadcast %mul3A_0 : i32 to vector<16xi32>
        %add3A_307 = arith.addi %get3A_305, %add3A_306 : vector<16xi32>
        %swap3A_308 = arith.constant 16 : index
        %swap3A_309 = tpu.vector_load %arg11[%swap3A_308] {strides = array<i32>} : memref<128xi32, #tpu.memory_space<vmem>>, vector<16xi32>,
        %swap3A_310 = vector.shape_cast %swap3A_309 : vector<16xi32> to vector<16xi32>
        %swap3A_311 = vector.shape_cast %add3A_307 : vector<16xi32> to vector<16xi32>
        tpu.vector_store %arg11[%swap3A_308], %swap3A_311 {strides = array<i32>} : memref<128xi32, #tpu.memory_space<vmem>>, vector<16xi32>,
        %get3A_312 = arith.constant 32 : index
        %get3A_313 = tpu.vector_load %arg11[%get3A_312] {strides = array<i32>} : memref<128xi32, #tpu.memory_space<vmem>>, vector<16xi32>,
        %get3A_314 = vector.shape_cast %get3A_313 : vector<16xi32> to vector<16xi32>
        %add3A_315 = vector.broadcast %mul3A_0 : i32 to vector<16xi32>
        %add3A_316 = arith.addi %get3A_314, %add3A_315 : vector<16xi32>
        %swap3A_317 = arith.constant 32 : index
        %swap3A_318 = tpu.vector_load %arg11[%swap3A_317] {strides = array<i32>} : memref<128xi32, #tpu.memory_space<vmem>>, vector<16xi32>,
        %swap3A_319 = vector.shape_cast %swap3A_318 : vector<16xi32> to vector<16xi32>
        %swap3A_320 = vector.shape_cast %add3A_316 : vector<16xi32> to vector<16xi32>
        tpu.vector_store %arg11[%swap3A_317], %swap3A_320 {strides = array<i32>} : memref<128xi32, #tpu.memory_space<vmem>>, vector<16xi32>,
        %get3A_321 = arith.constant 48 : index
        %get3A_322 = tpu.vector_load %arg11[%get3A_321] {strides = array<i32>} : memref<128xi32, #tpu.memory_space<vmem>>, vector<16xi32>,
        %get3A_323 = vector.shape_cast %get3A_322 : vector<16xi32> to vector<16xi32>
        %add3A_324 = vector.broadcast %mul3A_0 : i32 to vector<16xi32>
        %add3A_325 = arith.addi %get3A_323, %add3A_324 : vector<16xi32>
        %swap3A_326 = arith.constant 48 : index
        %swap3A_327 = tpu.vector_load %arg11[%swap3A_326] {strides = array<i32>} : memref<128xi32, #tpu.memory_space<vmem>>, vector<16xi32>,
        %swap3A_328 = vector.shape_cast %swap3A_327 : vector<16xi32> to vector<16xi32>
        %swap3A_329 = vector.shape_cast %add3A_325 : vector<16xi32> to vector<16xi32>
        tpu.vector_store %arg11[%swap3A_326], %swap3A_329 {strides = array<i32>} : memref<128xi32, #tpu.memory_space<vmem>>, vector<16xi32>,
        %get3A_330 = arith.constant 64 : index
        %get3A_331 = tpu.vector_load %arg11[%get3A_330] {strides = array<i32>} : memref<128xi32, #tpu.memory_space<vmem>>, vector<16xi32>,
        %get3A_332 = vector.shape_cast %get3A_331 : vector<16xi32> to vector<16xi32>
        %add3A_333 = vector.broadcast %mul3A_0 : i32 to vector<16xi32>
        %add3A_334 = arith.addi %get3A_332, %add3A_333 : vector<16xi32>
        %swap3A_335 = arith.constant 64 : index
        %swap3A_336 = tpu.vector_load %arg11[%swap3A_335] {strides = array<i32>} : memref<128xi32, #tpu.memory_space<vmem>>, vector<16xi32>,
        %swap3A_337 = vector.shape_cast %swap3A_336 : vector<16xi32> to vector<16xi32>
        %swap3A_338 = vector.shape_cast %add3A_334 : vector<16xi32> to vector<16xi32>
        tpu.vector_store %arg11[%swap3A_335], %swap3A_338 {strides = array<i32>} : memref<128xi32, #tpu.memory_space<vmem>>, vector<16xi32>,
        %get3A_339 = arith.constant 80 : index
        %get3A_340 = tpu.vector_load %arg11[%get3A_339] {strides = array<i32>} : memref<128xi32, #tpu.memory_space<vmem>>, vector<16xi32>,
        %get3A_341 = vector.shape_cast %get3A_340 : vector<16xi32> to vector<16xi32>
        %add3A_342 = vector.broadcast %mul3A_0 : i32 to vector<16xi32>
        %add3A_343 = arith.addi %get3A_341, %add3A_342 : vector<16xi32>
        %swap3A_344 = arith.constant 80 : index
        %swap3A_345 = tpu.vector_load %arg11[%swap3A_344] {strides = array<i32>} : memref<128xi32, #tpu.memory_space<vmem>>, vector<16xi32>,
        %swap3A_346 = vector.shape_cast %swap3A_345 : vector<16xi32> to vector<16xi32>
        %swap3A_347 = vector.shape_cast %add3A_343 : vector<16xi32> to vector<16xi32>
        tpu.vector_store %arg11[%swap3A_344], %swap3A_347 {strides = array<i32>} : memref<128xi32, #tpu.memory_space<vmem>>, vector<16xi32>,
        %get3A_348 = arith.constant 96 : index
        %get3A_349 = tpu.vector_load %arg11[%get3A_348] {strides = array<i32>} : memref<128xi32, #tpu.memory_space<vmem>>, vector<16xi32>,
        %get3A_350 = vector.shape_cast %get3A_349 : vector<16xi32> to vector<16xi32>
        %add3A_351 = vector.broadcast %mul3A_0 : i32 to vector<16xi32>
        %add3A_352 = arith.addi %get3A_350, %add3A_351 : vector<16xi32>
        %swap3A_353 = arith.constant 96 : index
        %swap3A_354 = tpu.vector_load %arg11[%swap3A_353] {strides = array<i32>} : memref<128xi32, #tpu.memory_space<vmem>>, vector<16xi32>,
        %swap3A_355 = vector.shape_cast %swap3A_354 : vector<16xi32> to vector<16xi32>
        %swap3A_356 = vector.shape_cast %add3A_352 : vector<16xi32> to vector<16xi32>
        tpu.vector_store %arg11[%swap3A_353], %swap3A_356 {strides = array<i32>} : memref<128xi32, #tpu.memory_space<vmem>>, vector<16xi32>,
        %get3A_357 = arith.constant 112 : index
        %get3A_358 = tpu.vector_load %arg11[%get3A_357] {strides = array<i32>} : memref<128xi32, #tpu.memory_space<vmem>>, vector<16xi32>,
        %get3A_359 = vector.shape_cast %get3A_358 : vector<16xi32> to vector<16xi32>
        %add3A_360 = vector.broadcast %mul3A_0 : i32 to vector<16xi32>
        %add3A_361 = arith.addi %get3A_359, %add3A_360 : vector<16xi32>
        %swap3A_362 = arith.constant 112 : index
        %swap3A_363 = tpu.vector_load %arg11[%swap3A_362] {strides = array<i32>} : memref<128xi32, #tpu.memory_space<vmem>>, vector<16xi32>,
        %swap3A_364 = vector.shape_cast %swap3A_363 : vector<16xi32> to vector<16xi32>
        %swap3A_365 = vector.shape_cast %add3A_361 : vector<16xi32> to vector<16xi32>
        tpu.vector_store %arg11[%swap3A_362], %swap3A_365 {strides = array<i32>} : memref<128xi32, #tpu.memory_space<vmem>>, vector<16xi32>,
        %dma_start3A_366 = arith.constant 0 : i32
        %dma_start3A_367 = arith.constant 0 : i32
        %dma_start3A_368 = tpu.memref_slice %arg4[%dma_start3A_366, %dma_start3A_367] : memref<20480x128xf32, #tpu.memory_space<hbm>> -> memref<20480x128xf32, #tpu.memory_space<hbm>>
        tpu.enqueue_indirect_dma source(%dma_start3A_368 : memref<20480x128xf32, #tpu.memory_space<hbm>>) target(%arg9 : memref<128x128xf32, #tpu.memory_space<vmem>>) offsets(%arg11 : memref<128xi32, #tpu.memory_space<vmem>>) semaphore(%arg18 : memref<!tpu.dma_semaphore, #tpu.memory_space<semaphore_mem>>)
      } else {
      }
    }
    %scan3A_159 = arith.constant 39 : i32
    %dma_wait3A = arith.constant 0 : i32
    %dma_wait3A_160 = arith.constant 0 : i32
    %dma_wait3A_161 = tpu.memref_slice %arg7[%dma_wait3A, %dma_wait3A_160] : memref<10240x128xf32, #tpu.memory_space<vmem_shared>> -> memref<10240x128xf32, #tpu.memory_space<vmem_shared>>
    tpu.wait_indirect_dma semaphore(%arg19 : memref<!tpu.dma_semaphore, #tpu.memory_space<semaphore_mem>>) src(%arg8 : memref<128x128xf32, #tpu.memory_space<vmem>>) dst(%dma_wait3A_161 : memref<10240x128xf32, #tpu.memory_space<vmem_shared>>)
    %dma_wait3A_162 = arith.constant 0 : i32
    %dma_wait3A_163 = arith.constant 0 : i32
    %dma_wait3A_164 = tpu.memref_slice %arg7[%dma_wait3A_162, %dma_wait3A_163] : memref<10240x128xf32, #tpu.memory_space<vmem_shared>> -> memref<10240x128xf32, #tpu.memory_space<vmem_shared>>
    tpu.wait_indirect_dma semaphore(%arg20 : memref<!tpu.dma_semaphore, #tpu.memory_space<semaphore_mem>>) src(%arg9 : memref<128x128xf32, #tpu.memory_space<vmem>>) dst(%dma_wait3A_164 : memref<10240x128xf32, #tpu.memory_space<vmem_shared>>)
    %add3A_165 = arith.constant 9984 : i32
    %add3A_166 = arith.addi %mul3A_4, %add3A_165 : i32
    "tpu.region"() ({
      %run_scoped3A = tpu.sem_alloc : memref<!tpu.dma_semaphore, #tpu.memory_space<semaphore_mem>>
      %dma_start3A_187 = tpu.memref_slice %arg2[%add3A_166] : memref<160000xi32, #tpu.memory_space<hbm>> -> memref<16xi32, #tpu.memory_space<hbm>>
      %dma_start3A_188 = tpu.memref_slice %arg2[%add3A_166] : memref<160000xi32, #tpu.memory_space<hbm>> -> memref<16xi32, #tpu.memory_space<hbm>>
      tpu.enqueue_dma source(%dma_start3A_188 : memref<16xi32, #tpu.memory_space<hbm>>) target(%arg15 : memref<16xi32, #tpu.memory_space<vmem>>) target_semaphore(%run_scoped3A : memref<!tpu.dma_semaphore, #tpu.memory_space<semaphore_mem>>)
      %dma_wait3A_189 = tpu.memref_slice %arg2[%add3A_166] : memref<160000xi32, #tpu.memory_space<hbm>> -> memref<16xi32, #tpu.memory_space<hbm>>
      %dma_wait3A_190 = tpu.memref_slice %arg2[%add3A_166] : memref<160000xi32, #tpu.memory_space<hbm>> -> memref<16xi32, #tpu.memory_space<hbm>>
      tpu.wait_dma2 semaphore(%run_scoped3A : memref<!tpu.dma_semaphore, #tpu.memory_space<semaphore_mem>>) src(%dma_wait3A_190 : memref<16xi32, #tpu.memory_space<hbm>>) dst(%arg15 : memref<16xi32, #tpu.memory_space<vmem>>)
      tpu.yield
    }) : () -> ()
    "tpu.region"() ({
      %run_scoped3A = tpu.sem_alloc : memref<!tpu.dma_semaphore, #tpu.memory_space<semaphore_mem>>
      %dma_start3A_187 = tpu.memref_slice %arg3[%add3A_166] : memref<160000xi32, #tpu.memory_space<hbm>> -> memref<16xi32, #tpu.memory_space<hbm>>
      %dma_start3A_188 = tpu.memref_slice %arg3[%add3A_166] : memref<160000xi32, #tpu.memory_space<hbm>> -> memref<16xi32, #tpu.memory_space<hbm>>
      tpu.enqueue_dma source(%dma_start3A_188 : memref<16xi32, #tpu.memory_space<hbm>>) target(%arg16 : memref<16xi32, #tpu.memory_space<vmem>>) target_semaphore(%run_scoped3A : memref<!tpu.dma_semaphore, #tpu.memory_space<semaphore_mem>>)
      %dma_wait3A_189 = tpu.memref_slice %arg3[%add3A_166] : memref<160000xi32, #tpu.memory_space<hbm>> -> memref<16xi32, #tpu.memory_space<hbm>>
      %dma_wait3A_190 = tpu.memref_slice %arg3[%add3A_166] : memref<160000xi32, #tpu.memory_space<hbm>> -> memref<16xi32, #tpu.memory_space<hbm>>
      tpu.wait_dma2 semaphore(%run_scoped3A : memref<!tpu.dma_semaphore, #tpu.memory_space<semaphore_mem>>) src(%dma_wait3A_190 : memref<16xi32, #tpu.memory_space<hbm>>) dst(%arg16 : memref<16xi32, #tpu.memory_space<vmem>>)
      tpu.yield
    }) : () -> ()
    %get3A_167 = arith.constant 0 : index
    %get3A_168 = tpu.vector_load %arg15[%get3A_167] {strides = array<i32>} : memref<16xi32, #tpu.memory_space<vmem>>, vector<16xi32>,
    %get3A_169 = vector.shape_cast %get3A_168 : vector<16xi32> to vector<16xi32>
    %add3A_170 = vector.broadcast %mul3A_0 : i32 to vector<16xi32>
    %add3A_171 = arith.addi %get3A_169, %add3A_170 : vector<16xi32>
    %swap3A_172 = arith.constant 0 : index
    %swap3A_173 = tpu.vector_load %arg15[%swap3A_172] {strides = array<i32>} : memref<16xi32, #tpu.memory_space<vmem>>, vector<16xi32>,
    %swap3A_174 = vector.shape_cast %swap3A_173 : vector<16xi32> to vector<16xi32>
    %swap3A_175 = vector.shape_cast %add3A_171 : vector<16xi32> to vector<16xi32>
    tpu.vector_store %arg15[%swap3A_172], %swap3A_175 {strides = array<i32>} : memref<16xi32, #tpu.memory_space<vmem>>, vector<16xi32>,
    %dma_start3A_176 = arith.constant 0 : i32
    %dma_start3A_177 = arith.constant 0 : i32
    %dma_start3A_178 = tpu.memref_slice %arg4[%dma_start3A_176, %dma_start3A_177] : memref<20480x128xf32, #tpu.memory_space<hbm>> -> memref<20480x128xf32, #tpu.memory_space<hbm>>
    tpu.enqueue_indirect_dma source(%dma_start3A_178 : memref<20480x128xf32, #tpu.memory_space<hbm>>) target(%arg14 : memref<16x128xf32, #tpu.memory_space<vmem>>) offsets(%arg15 : memref<16xi32, #tpu.memory_space<vmem>>) semaphore(%arg17 : memref<!tpu.dma_semaphore, #tpu.memory_space<semaphore_mem>>)
    %dma_wait3A_179 = arith.constant 0 : i32
    %dma_wait3A_180 = arith.constant 0 : i32
    %dma_wait3A_181 = tpu.memref_slice %arg4[%dma_wait3A_179, %dma_wait3A_180] : memref<20480x128xf32, #tpu.memory_space<hbm>> -> memref<20480x128xf32, #tpu.memory_space<hbm>>
    tpu.wait_indirect_dma semaphore(%arg17 : memref<!tpu.dma_semaphore, #tpu.memory_space<semaphore_mem>>) src(%dma_wait3A_181 : memref<20480x128xf32, #tpu.memory_space<hbm>>) dst(%arg14 : memref<16x128xf32, #tpu.memory_space<vmem>>)
    "tpu.region"() ({
      %run_scoped3A = tpu.sem_alloc : memref<!tpu.dma_semaphore, #tpu.memory_space<semaphore_mem>>
      %dma_start3A_187 = arith.constant 0 : i32
      %dma_start3A_188 = arith.constant 0 : i32
      %dma_start3A_189 = tpu.memref_slice %arg7[%dma_start3A_187, %dma_start3A_188] : memref<10240x128xf32, #tpu.memory_space<vmem_shared>> -> memref<10240x128xf32, #tpu.memory_space<vmem_shared>>
      tpu.enqueue_indirect_dma source(%arg14 : memref<16x128xf32, #tpu.memory_space<vmem>>) target(%dma_start3A_189 : memref<10240x128xf32, #tpu.memory_space<vmem_shared>>) offsets(%arg16 : memref<16xi32, #tpu.memory_space<vmem>>) semaphore(%run_scoped3A : memref<!tpu.dma_semaphore, #tpu.memory_space<semaphore_mem>>) {add = true}
      %dma_wait3A_190 = arith.constant 0 : i32
      %dma_wait3A_191 = arith.constant 0 : i32
      %dma_wait3A_192 = tpu.memref_slice %arg7[%dma_wait3A_190, %dma_wait3A_191] : memref<10240x128xf32, #tpu.memory_space<vmem_shared>> -> memref<10240x128xf32, #tpu.memory_space<vmem_shared>>
      tpu.wait_indirect_dma semaphore(%run_scoped3A : memref<!tpu.dma_semaphore, #tpu.memory_space<semaphore_mem>>) src(%arg14 : memref<16x128xf32, #tpu.memory_space<vmem>>) dst(%dma_wait3A_192 : memref<10240x128xf32, #tpu.memory_space<vmem_shared>>)
      tpu.yield
    }) : () -> ()
    %barrier3A_182 = arith.constant 0 : index
    tpu.barrier barrier_id(%barrier3A_182)
    %mul3A_183 = arith.constant 640 : i32
    %mul3A_184 = arith.muli %arg1, %mul3A_183 : i32
    %mul3A_185 = arith.constant 640 : i32
    %mul3A_186 = arith.muli %arg1, %mul3A_185 : i32
    "tpu.region"() ({
      %run_scoped3A = tpu.sem_alloc : memref<!tpu.dma_semaphore, #tpu.memory_space<semaphore_mem>>
      %dma_start3A_187 = arith.constant 0 : i32
      %dma_start3A_188 = tpu.memref_slice %arg6[%arg0, %mul3A_186, %dma_start3A_187] : memref<2x10240x128xf32, #tpu.memory_space<hbm>> -> memref<1x640x128xf32, #tpu.memory_space<hbm>>
      %dma_start3A_189 = tpu.memref_squeeze %dma_start3A_188 : memref<1x640x128xf32, #tpu.memory_space<hbm>> -> memref<640x128xf32, #tpu.memory_space<hbm>>
      %dma_start3A_190 = arith.constant 0 : i32
      %dma_start3A_191 = tpu.memref_slice %arg7[%mul3A_184, %dma_start3A_190] : memref<10240x128xf32, #tpu.memory_space<vmem_shared>> -> memref<640x128xf32, #tpu.memory_space<vmem_shared>>
      tpu.enqueue_dma source(%dma_start3A_191 : memref<640x128xf32, #tpu.memory_space<vmem_shared>>) target(%dma_start3A_189 : memref<640x128xf32, #tpu.memory_space<hbm>>) target_semaphore(%run_scoped3A : memref<!tpu.dma_semaphore, #tpu.memory_space<semaphore_mem>>)
      %dma_wait3A_192 = arith.constant 0 : i32
      %dma_wait3A_193 = tpu.memref_slice %arg6[%arg0, %mul3A_186, %dma_wait3A_192] : memref<2x10240x128xf32, #tpu.memory_space<hbm>> -> memref<1x640x128xf32, #tpu.memory_space<hbm>>
      %dma_wait3A_194 = tpu.memref_squeeze %dma_wait3A_193 : memref<1x640x128xf32, #tpu.memory_space<hbm>> -> memref<640x128xf32, #tpu.memory_space<hbm>>
      %dma_wait3A_195 = arith.constant 0 : i32
      %dma_wait3A_196 = tpu.memref_slice %arg7[%mul3A_184, %dma_wait3A_195] : memref<10240x128xf32, #tpu.memory_space<vmem_shared>> -> memref<640x128xf32, #tpu.memory_space<vmem_shared>>
      tpu.wait_dma2 semaphore(%run_scoped3A : memref<!tpu.dma_semaphore, #tpu.memory_space<semaphore_mem>>) src(%dma_wait3A_196 : memref<640x128xf32, #tpu.memory_space<vmem_shared>>) dst(%dma_wait3A_194 : memref<640x128xf32, #tpu.memory_space<hbm>>)
      tpu.yield
    }) : () -> ()
    return
  }
}

module attributes {stable_mosaic.version = 14 : i64} {
  func.func @_e1_body(%arg0: i32, %arg1: memref<400x2xf32, #tpu.memory_space<vmem>>, %arg2: memref<400x256xf32, #tpu.memory_space<vmem>>, %arg3: memref<2x400x128xf32, #tpu.memory_space<vmem>>) attributes {dimension_semantics = [#tpu.dimension_semantics<arbitrary>], iteration_bounds = array<i64: 25>, scalar_prefetch = 0 : i64, scratch_operands = 0 : i64, tpu.core_type = #tpu.core_type<tc>, window_params = [{transform_indices = @transform_0, window_bounds = array<i64: 400, 2>}, {transform_indices = @transform_1, window_bounds = array<i64: 400, 256>}, {transform_indices = @transform_2, window_bounds = array<i64: 2, 400, 128>}]} {
    %get3A = arith.constant 0 : index
    %get3A_0 = arith.constant 0 : index
    %get3A_1 = vector.load %arg1[%get3A, %get3A_0] : memref<400x2xf32, #tpu.memory_space<vmem>>, vector<400x2xf32>
    %reduce_sum3A = arith.constant dense<0.000000e+00> : vector<400xf32>
    %reduce_sum3A_2 = vector.multi_reduction <add>, %get3A_1, %reduce_sum3A [1] : vector<400x2xf32> to vector<400xf32>
    %broadcast_in_dim3A = vector.shape_cast %reduce_sum3A_2 : vector<400xf32> to vector<400x1xf32>
    %gt3A = arith.constant 0.000000e+00 : f32
    %gt3A_3 = vector.broadcast %gt3A : f32 to vector<400x1xf32>
    %gt3A_4 = arith.cmpf ogt, %broadcast_in_dim3A, %gt3A_3 : vector<400x1xf32>
    %max3A = arith.constant 1.000000e+00 : f32
    %max3A_5 = vector.broadcast %max3A : f32 to vector<400x1xf32>
    %max3A_6 = arith.maximumf %broadcast_in_dim3A, %max3A_5 : vector<400x1xf32>
    %rsqrt3A = math.rsqrt %max3A_6 : vector<400x1xf32>
    %jit3A = arith.constant 0.000000e+00 : f32
    %broadcast_in_dim3A_7 = vector.broadcast %jit3A : f32 to vector<400x1xf32>
    %select_n3A = arith.select %gt3A_4, %rsqrt3A, %broadcast_in_dim3A_7 : vector<400x1xi1>, vector<400x1xf32>
    %get3A_8 = arith.constant 0 : index
    %get3A_9 = arith.constant 0 : index
    %get3A_10 = vector.load %arg2[%get3A_8, %get3A_9] : memref<400x256xf32, #tpu.memory_space<vmem>>, vector<400x128xf32>
    %mul3A = vector.broadcast %select_n3A : vector<400x1xf32> to vector<400x128xf32>
    %mul3A_11 = arith.mulf %mul3A, %get3A_10 : vector<400x128xf32>
    %swap3A = arith.constant 0 : index
    %swap3A_12 = arith.constant 0 : index
    %swap3A_13 = arith.constant 0 : index
    %swap3A_14 = vector.load %arg3[%swap3A, %swap3A_12, %swap3A_13] : memref<2x400x128xf32, #tpu.memory_space<vmem>>, vector<1x400x128xf32>
    %swap3A_15 = vector.shape_cast %swap3A_14 : vector<1x400x128xf32> to vector<400x128xf32>
    %swap3A_16 = vector.shape_cast %mul3A_11 : vector<400x128xf32> to vector<1x400x128xf32>
    tpu.vector_store %arg3[%swap3A, %swap3A_12, %swap3A_13], %swap3A_16 {strides = array<i32>} : memref<2x400x128xf32, #tpu.memory_space<vmem>>, vector<1x400x128xf32>,
    %get3A_17 = arith.constant 0 : index
    %get3A_18 = arith.constant 128 : index
    %get3A_19 = vector.load %arg2[%get3A_17, %get3A_18] : memref<400x256xf32, #tpu.memory_space<vmem>>, vector<400x128xf32>
    %mul3A_20 = vector.broadcast %select_n3A : vector<400x1xf32> to vector<400x128xf32>
    %mul3A_21 = arith.mulf %mul3A_20, %get3A_19 : vector<400x128xf32>
    %swap3A_22 = arith.constant 1 : index
    %swap3A_23 = arith.constant 0 : index
    %swap3A_24 = arith.constant 0 : index
    %swap3A_25 = vector.load %arg3[%swap3A_22, %swap3A_23, %swap3A_24] : memref<2x400x128xf32, #tpu.memory_space<vmem>>, vector<1x400x128xf32>
    %swap3A_26 = vector.shape_cast %swap3A_25 : vector<1x400x128xf32> to vector<400x128xf32>
    %swap3A_27 = vector.shape_cast %mul3A_21 : vector<400x128xf32> to vector<1x400x128xf32>
    tpu.vector_store %arg3[%swap3A_22, %swap3A_23, %swap3A_24], %swap3A_27 {strides = array<i32>} : memref<2x400x128xf32, #tpu.memory_space<vmem>>, vector<1x400x128xf32>,
    return
  }
  func.func @transform_0(%arg0: i32) -> (i32, i32) {
    %c0_i32 = arith.constant 0 : i32
    %c0_i32_0 = arith.constant 0 : i32
    return %arg0, %c0_i32 : i32, i32
  }
  func.func @transform_1(%arg0: i32) -> (i32, i32) {
    %c0_i32 = arith.constant 0 : i32
    %c0_i32_0 = arith.constant 0 : i32
    return %arg0, %c0_i32 : i32, i32
  }
  func.func @transform_2(%arg0: i32) -> (i32, i32, i32) {
    %c0_i32 = arith.constant 0 : i32
    %c0_i32_0 = arith.constant 0 : i32
    %c0_i32_1 = arith.constant 0 : i32
    return %c0_i32, %arg0, %c0_i32_0 : i32, i32, i32
  }
}

module attributes {stable_mosaic.version = 14 : i64} {
  func.func @_e2_body(%arg0: i32, %arg1: memref<400x2xf32, #tpu.memory_space<vmem>>, %arg2: memref<2x400x128xf32, #tpu.memory_space<vmem>>, %arg3: memref<2x400x128xf32, #tpu.memory_space<vmem>>) attributes {dimension_semantics = [#tpu.dimension_semantics<arbitrary>], iteration_bounds = array<i64: 25>, scalar_prefetch = 0 : i64, scratch_operands = 0 : i64, tpu.core_type = #tpu.core_type<tc>, window_params = [{transform_indices = @transform_0, window_bounds = array<i64: 400, 2>}, {transform_indices = @transform_1, window_bounds = array<i64: 2, 400, 128>}, {transform_indices = @transform_2, window_bounds = array<i64: 2, 400, 128>}]} {
    %get3A = arith.constant 0 : index
    %get3A_0 = arith.constant 0 : index
    %get3A_1 = vector.load %arg1[%get3A, %get3A_0] : memref<400x2xf32, #tpu.memory_space<vmem>>, vector<400x2xf32>
    %reduce_sum3A = arith.constant dense<0.000000e+00> : vector<400xf32>
    %reduce_sum3A_2 = vector.multi_reduction <add>, %get3A_1, %reduce_sum3A [1] : vector<400x2xf32> to vector<400xf32>
    %broadcast_in_dim3A = vector.shape_cast %reduce_sum3A_2 : vector<400xf32> to vector<400x1xf32>
    %gt3A = arith.constant 0.000000e+00 : f32
    %gt3A_3 = vector.broadcast %gt3A : f32 to vector<400x1xf32>
    %gt3A_4 = arith.cmpf ogt, %broadcast_in_dim3A, %gt3A_3 : vector<400x1xf32>
    %max3A = arith.constant 1.000000e+00 : f32
    %max3A_5 = vector.broadcast %max3A : f32 to vector<400x1xf32>
    %max3A_6 = arith.maximumf %broadcast_in_dim3A, %max3A_5 : vector<400x1xf32>
    %div3A = arith.constant -1.000000e+00 : f32
    %div3A_7 = vector.broadcast %div3A : f32 to vector<400x1xf32>
    %div3A_8 = arith.divf %div3A_7, %max3A_6 : vector<400x1xf32>
    %jit3A = arith.constant 0.000000e+00 : f32
    %broadcast_in_dim3A_9 = vector.broadcast %jit3A : f32 to vector<400x1xf32>
    %select_n3A = arith.select %gt3A_4, %div3A_8, %broadcast_in_dim3A_9 : vector<400x1xi1>, vector<400x1xf32>
    %get3A_10 = arith.constant 0 : index
    %get3A_11 = arith.constant 0 : index
    %get3A_12 = arith.constant 0 : index
    %get3A_13 = vector.load %arg2[%get3A_10, %get3A_11, %get3A_12] : memref<2x400x128xf32, #tpu.memory_space<vmem>>, vector<1x400x128xf32>
    %get3A_14 = vector.shape_cast %get3A_13 : vector<1x400x128xf32> to vector<400x128xf32>
    %mul3A = vector.broadcast %select_n3A : vector<400x1xf32> to vector<400x128xf32>
    %mul3A_15 = arith.mulf %mul3A, %get3A_14 : vector<400x128xf32>
    %swap3A = arith.constant 0 : index
    %swap3A_16 = arith.constant 0 : index
    %swap3A_17 = arith.constant 0 : index
    %swap3A_18 = vector.load %arg3[%swap3A, %swap3A_16, %swap3A_17] : memref<2x400x128xf32, #tpu.memory_space<vmem>>, vector<1x400x128xf32>
    %swap3A_19 = vector.shape_cast %swap3A_18 : vector<1x400x128xf32> to vector<400x128xf32>
    %swap3A_20 = vector.shape_cast %mul3A_15 : vector<400x128xf32> to vector<1x400x128xf32>
    tpu.vector_store %arg3[%swap3A, %swap3A_16, %swap3A_17], %swap3A_20 {strides = array<i32>} : memref<2x400x128xf32, #tpu.memory_space<vmem>>, vector<1x400x128xf32>,
    %get3A_21 = arith.constant 1 : index
    %get3A_22 = arith.constant 0 : index
    %get3A_23 = arith.constant 0 : index
    %get3A_24 = vector.load %arg2[%get3A_21, %get3A_22, %get3A_23] : memref<2x400x128xf32, #tpu.memory_space<vmem>>, vector<1x400x128xf32>
    %get3A_25 = vector.shape_cast %get3A_24 : vector<1x400x128xf32> to vector<400x128xf32>
    %mul3A_26 = vector.broadcast %select_n3A : vector<400x1xf32> to vector<400x128xf32>
    %mul3A_27 = arith.mulf %mul3A_26, %get3A_25 : vector<400x128xf32>
    %swap3A_28 = arith.constant 1 : index
    %swap3A_29 = arith.constant 0 : index
    %swap3A_30 = arith.constant 0 : index
    %swap3A_31 = vector.load %arg3[%swap3A_28, %swap3A_29, %swap3A_30] : memref<2x400x128xf32, #tpu.memory_space<vmem>>, vector<1x400x128xf32>
    %swap3A_32 = vector.shape_cast %swap3A_31 : vector<1x400x128xf32> to vector<400x128xf32>
    %swap3A_33 = vector.shape_cast %mul3A_27 : vector<400x128xf32> to vector<1x400x128xf32>
    tpu.vector_store %arg3[%swap3A_28, %swap3A_29, %swap3A_30], %swap3A_33 {strides = array<i32>} : memref<2x400x128xf32, #tpu.memory_space<vmem>>, vector<1x400x128xf32>,
    return
  }
  func.func @transform_0(%arg0: i32) -> (i32, i32) {
    %c0_i32 = arith.constant 0 : i32
    %c0_i32_0 = arith.constant 0 : i32
    return %arg0, %c0_i32 : i32, i32
  }
  func.func @transform_1(%arg0: i32) -> (i32, i32, i32) {
    %c0_i32 = arith.constant 0 : i32
    %c0_i32_0 = arith.constant 0 : i32
    %c0_i32_1 = arith.constant 0 : i32
    return %c0_i32, %arg0, %c0_i32_0 : i32, i32, i32
  }
  func.func @transform_2(%arg0: i32) -> (i32, i32, i32) {
    %c0_i32 = arith.constant 0 : i32
    %c0_i32_0 = arith.constant 0 : i32
    %c0_i32_1 = arith.constant 0 : i32
    return %c0_i32, %arg0, %c0_i32_0 : i32, i32, i32
  }
}

module attributes {stable_mosaic.version = 14 : i64} {
  func.func @_d1_body(%arg0: i32, %arg1: memref<400x2xf32, #tpu.memory_space<vmem>>, %arg2: memref<400x256xf32, #tpu.memory_space<vmem>>, %arg3: memref<2x400x128xf32, #tpu.memory_space<vmem>>, %arg4: memref<2x400x128xf32, #tpu.memory_space<vmem>>, %arg5: memref<3x256x256xf32, #tpu.memory_space<vmem>>, %arg6: memref<256xf32, #tpu.memory_space<vmem>>, %arg7: memref<400x256xf32, #tpu.memory_space<vmem>>, %arg8: memref<2x256xf32, #tpu.memory_space<vmem>>, %arg9: memref<1x256xf32, #tpu.memory_space<vmem>>, %arg10: memref<1x256xf32, #tpu.memory_space<vmem>>) attributes {dimension_semantics = [#tpu.dimension_semantics<arbitrary>], iteration_bounds = array<i64: 25>, scalar_prefetch = 0 : i64, scratch_operands = 2 : i64, tpu.core_type = #tpu.core_type<tc>, window_params = [{transform_indices = @transform_0, window_bounds = array<i64: 400, 2>}, {transform_indices = @transform_1, window_bounds = array<i64: 400, 256>}, {transform_indices = @transform_2, window_bounds = array<i64: 2, 400, 128>}, {transform_indices = @transform_3, window_bounds = array<i64: 2, 400, 128>}, {pipeline_mode = #tpu.pipeline_mode<synchronous>, transform_indices = @transform_4, window_bounds = array<i64: 3, 256, 256>}, {pipeline_mode = #tpu.pipeline_mode<synchronous>, transform_indices = @transform_5, window_bounds = array<i64: 256>}, {transform_indices = @transform_6, window_bounds = array<i64: 400, 256>}, {pipeline_mode = #tpu.pipeline_mode<synchronous>, transform_indices = @transform_7, window_bounds = array<i64: 2, 256>}]} {
    %get3A = arith.constant 0 : index
    %get3A_0 = arith.constant 0 : index
    %get3A_1 = vector.load %arg1[%get3A, %get3A_0] : memref<400x2xf32, #tpu.memory_space<vmem>>, vector<400x2xf32>
    %reduce_sum3A = arith.constant dense<0.000000e+00> : vector<400xf32>
    %reduce_sum3A_2 = vector.multi_reduction <add>, %get3A_1, %reduce_sum3A [1] : vector<400x2xf32> to vector<400xf32>
    %broadcast_in_dim3A = vector.shape_cast %reduce_sum3A_2 : vector<400xf32> to vector<400x1xf32>
    %gt3A = arith.constant 0.000000e+00 : f32
    %gt3A_3 = vector.broadcast %gt3A : f32 to vector<400x1xf32>
    %gt3A_4 = arith.cmpf ogt, %broadcast_in_dim3A, %gt3A_3 : vector<400x1xf32>
    %max3A = arith.constant 1.000000e+00 : f32
    %max3A_5 = vector.broadcast %max3A : f32 to vector<400x1xf32>
    %max3A_6 = arith.maximumf %broadcast_in_dim3A, %max3A_5 : vector<400x1xf32>
    %rsqrt3A = math.rsqrt %max3A_6 : vector<400x1xf32>
    %jit3A = arith.constant 0.000000e+00 : f32
    %broadcast_in_dim3A_7 = vector.broadcast %jit3A : f32 to vector<400x1xf32>
    %select_n3A = arith.select %gt3A_4, %rsqrt3A, %broadcast_in_dim3A_7 : vector<400x1xi1>, vector<400x1xf32>
    %get3A_8 = arith.constant 0 : index
    %get3A_9 = arith.constant 0 : index
    %get3A_10 = vector.load %arg2[%get3A_8, %get3A_9] : memref<400x256xf32, #tpu.memory_space<vmem>>, vector<400x256xf32>
    %neg3A = arith.constant 0.000000e+00 : f32
    %neg3A_11 = vector.broadcast %neg3A : f32 to vector<400x1xf32>
    %neg3A_12 = arith.subf %neg3A_11, %select_n3A : vector<400x1xf32>
    %get3A_13 = arith.constant 0 : index
    %get3A_14 = arith.constant 0 : index
    %get3A_15 = arith.constant 0 : index
    %get3A_16 = vector.load %arg3[%get3A_13, %get3A_14, %get3A_15] : memref<2x400x128xf32, #tpu.memory_space<vmem>>, vector<1x400x128xf32>
    %get3A_17 = vector.shape_cast %get3A_16 : vector<1x400x128xf32> to vector<400x128xf32>
    %get3A_18 = arith.constant 1 : index
    %get3A_19 = arith.constant 0 : index
    %get3A_20 = arith.constant 0 : index
    %get3A_21 = vector.load %arg3[%get3A_18, %get3A_19, %get3A_20] : memref<2x400x128xf32, #tpu.memory_space<vmem>>, vector<1x400x128xf32>
    %get3A_22 = vector.shape_cast %get3A_21 : vector<1x400x128xf32> to vector<400x128xf32>
    %concatenate3A = tpu.concatenate %get3A_17, %get3A_22 in 1 : vector<400x128xf32>, vector<400x128xf32> -> vector<400x256xf32>
    %mul3A = vector.broadcast %neg3A_12 : vector<400x1xf32> to vector<400x256xf32>
    %mul3A_23 = arith.mulf %mul3A, %concatenate3A : vector<400x256xf32>
    %mul3A_24 = arith.constant -2.000000e+00 : f32
    %mul3A_25 = vector.broadcast %mul3A_24 : f32 to vector<400x1xf32>
    %mul3A_26 = arith.mulf %mul3A_25, %select_n3A : vector<400x1xf32>
    %get3A_27 = arith.constant 0 : index
    %get3A_28 = arith.constant 0 : index
    %get3A_29 = arith.constant 0 : index
    %get3A_30 = vector.load %arg4[%get3A_27, %get3A_28, %get3A_29] : memref<2x400x128xf32, #tpu.memory_space<vmem>>, vector<1x400x128xf32>
    %get3A_31 = vector.shape_cast %get3A_30 : vector<1x400x128xf32> to vector<400x128xf32>
    %get3A_32 = arith.constant 1 : index
    %get3A_33 = arith.constant 0 : index
    %get3A_34 = arith.constant 0 : index
    %get3A_35 = vector.load %arg4[%get3A_32, %get3A_33, %get3A_34] : memref<2x400x128xf32, #tpu.memory_space<vmem>>, vector<1x400x128xf32>
    %get3A_36 = vector.shape_cast %get3A_35 : vector<1x400x128xf32> to vector<400x128xf32>
    %concatenate3A_37 = tpu.concatenate %get3A_31, %get3A_36 in 1 : vector<400x128xf32>, vector<400x128xf32> -> vector<400x256xf32>
    %mul3A_38 = vector.broadcast %mul3A_26 : vector<400x1xf32> to vector<400x256xf32>
    %mul3A_39 = arith.mulf %mul3A_38, %concatenate3A_37 : vector<400x256xf32>
    %sub3A = arith.subf %mul3A_39, %get3A_10 : vector<400x256xf32>
    %get3A_40 = arith.constant 0 : index
    %get3A_41 = arith.constant 0 : index
    %get3A_42 = arith.constant 0 : index
    %get3A_43 = vector.load %arg5[%get3A_40, %get3A_41, %get3A_42] : memref<3x256x256xf32, #tpu.memory_space<vmem>>, vector<1x256x256xf32>
    %get3A_44 = vector.shape_cast %get3A_43 : vector<1x256x256xf32> to vector<256x256xf32>
    %dot_general3A = arith.constant dense<0.000000e+00> : vector<400x256xf32>
    %dot_general3A_45 = tpu.matmul %get3A_10, %get3A_44, %dot_general3A {dimension_numbers = #tpu.dot_dimension_numbers<[1], [0], [0], [1], [0, 0, 1, 1], [], []>, transpose_lhs_hint = false} : vector<400x256xf32>, vector<256x256xf32>, vector<400x256xf32> -> vector<400x256xf32>
    %get3A_46 = arith.constant 1 : index
    %get3A_47 = arith.constant 0 : index
    %get3A_48 = arith.constant 0 : index
    %get3A_49 = vector.load %arg5[%get3A_46, %get3A_47, %get3A_48] : memref<3x256x256xf32, #tpu.memory_space<vmem>>, vector<1x256x256xf32>
    %get3A_50 = vector.shape_cast %get3A_49 : vector<1x256x256xf32> to vector<256x256xf32>
    %dot_general3A_51 = arith.constant dense<0.000000e+00> : vector<400x256xf32>
    %dot_general3A_52 = tpu.matmul %mul3A_23, %get3A_50, %dot_general3A_51 {dimension_numbers = #tpu.dot_dimension_numbers<[1], [0], [0], [1], [0, 0, 1, 1], [], []>, transpose_lhs_hint = false} : vector<400x256xf32>, vector<256x256xf32>, vector<400x256xf32> -> vector<400x256xf32>
    %add3A = arith.addf %dot_general3A_45, %dot_general3A_52 : vector<400x256xf32>
    %get3A_53 = arith.constant 2 : index
    %get3A_54 = arith.constant 0 : index
    %get3A_55 = arith.constant 0 : index
    %get3A_56 = vector.load %arg5[%get3A_53, %get3A_54, %get3A_55] : memref<3x256x256xf32, #tpu.memory_space<vmem>>, vector<1x256x256xf32>
    %get3A_57 = vector.shape_cast %get3A_56 : vector<1x256x256xf32> to vector<256x256xf32>
    %dot_general3A_58 = arith.constant dense<0.000000e+00> : vector<400x256xf32>
    %dot_general3A_59 = tpu.matmul %sub3A, %get3A_57, %dot_general3A_58 {dimension_numbers = #tpu.dot_dimension_numbers<[1], [0], [0], [1], [0, 0, 1, 1], [], []>, transpose_lhs_hint = false} : vector<400x256xf32>, vector<256x256xf32>, vector<400x256xf32> -> vector<400x256xf32>
    %add3A_60 = arith.addf %add3A, %dot_general3A_59 : vector<400x256xf32>
    %get3A_61 = arith.constant 0 : index
    %get3A_62 = vector.load %arg6[%get3A_61] : memref<256xf32, #tpu.memory_space<vmem>>, vector<256xf32>
    %broadcast_in_dim3A_63 = vector.shape_cast %get3A_62 : vector<256xf32> to vector<1x256xf32>
    %add3A_64 = vector.broadcast %broadcast_in_dim3A_63 : vector<1x256xf32> to vector<400x256xf32>
    %add3A_65 = arith.addf %add3A_60, %add3A_64 : vector<400x256xf32>
    %swap3A = arith.constant 0 : index
    %swap3A_66 = arith.constant 0 : index
    %swap3A_67 = vector.load %arg7[%swap3A, %swap3A_66] : memref<400x256xf32, #tpu.memory_space<vmem>>, vector<400x256xf32>
    tpu.vector_store %arg7[%swap3A, %swap3A_66], %add3A_65 {strides = array<i32>} : memref<400x256xf32, #tpu.memory_space<vmem>>, vector<400x256xf32>,
    %eq3A = arith.constant 0 : i32
    %eq3A_68 = arith.cmpi eq, %arg0, %eq3A : i32
    %convert_element_type3A = arith.extui %eq3A_68 : i1 to i32
    %cond3A = arith.constant 0 : i32
    %cond3A_69 = arith.cmpi ne, %convert_element_type3A, %cond3A : i32
    scf.if %cond3A_69 {
      %broadcast_in_dim3A_96 = arith.constant 0.000000e+00 : f32
      %broadcast_in_dim3A_97 = vector.broadcast %broadcast_in_dim3A_96 : f32 to vector<1x256xf32>
      %swap3A_98 = arith.constant 0 : index
      %swap3A_99 = arith.constant 0 : index
      %swap3A_100 = vector.load %arg9[%swap3A_98, %swap3A_99] : memref<1x256xf32, #tpu.memory_space<vmem>>, vector<1x256xf32>
      tpu.vector_store %arg9[%swap3A_98, %swap3A_99], %broadcast_in_dim3A_97 {strides = array<i32>} : memref<1x256xf32, #tpu.memory_space<vmem>>, vector<1x256xf32>,
      %broadcast_in_dim3A_101 = arith.constant 0.000000e+00 : f32
      %broadcast_in_dim3A_102 = vector.broadcast %broadcast_in_dim3A_101 : f32 to vector<1x256xf32>
      %swap3A_103 = arith.constant 0 : index
      %swap3A_104 = arith.constant 0 : index
      %swap3A_105 = vector.load %arg10[%swap3A_103, %swap3A_104] : memref<1x256xf32, #tpu.memory_space<vmem>>, vector<1x256xf32>
      tpu.vector_store %arg10[%swap3A_103, %swap3A_104], %broadcast_in_dim3A_102 {strides = array<i32>} : memref<1x256xf32, #tpu.memory_space<vmem>>, vector<1x256xf32>,
    } else {
    }
    %get3A_70 = arith.constant 0 : index
    %get3A_71 = arith.constant 0 : index
    %get3A_72 = vector.load %arg9[%get3A_70, %get3A_71] : memref<1x256xf32, #tpu.memory_space<vmem>>, vector<1x256xf32>
    %reduce_sum3A_73 = arith.constant dense<0.000000e+00> : vector<256xf32>
    %reduce_sum3A_74 = vector.multi_reduction <add>, %add3A_65, %reduce_sum3A_73 [0] : vector<400x256xf32> to vector<256xf32>
    %broadcast_in_dim3A_75 = vector.shape_cast %reduce_sum3A_74 : vector<256xf32> to vector<1x256xf32>
    %add3A_76 = arith.addf %get3A_72, %broadcast_in_dim3A_75 : vector<1x256xf32>
    %swap3A_77 = arith.constant 0 : index
    %swap3A_78 = arith.constant 0 : index
    %swap3A_79 = vector.load %arg9[%swap3A_77, %swap3A_78] : memref<1x256xf32, #tpu.memory_space<vmem>>, vector<1x256xf32>
    tpu.vector_store %arg9[%swap3A_77, %swap3A_78], %add3A_76 {strides = array<i32>} : memref<1x256xf32, #tpu.memory_space<vmem>>, vector<1x256xf32>,
    %get3A_80 = arith.constant 0 : index
    %get3A_81 = arith.constant 0 : index
    %get3A_82 = vector.load %arg10[%get3A_80, %get3A_81] : memref<1x256xf32, #tpu.memory_space<vmem>>, vector<1x256xf32>
    %mul3A_83 = arith.mulf %add3A_65, %add3A_65 : vector<400x256xf32>
    %reduce_sum3A_84 = arith.constant dense<0.000000e+00> : vector<256xf32>
    %reduce_sum3A_85 = vector.multi_reduction <add>, %mul3A_83, %reduce_sum3A_84 [0] : vector<400x256xf32> to vector<256xf32>
    %broadcast_in_dim3A_86 = vector.shape_cast %reduce_sum3A_85 : vector<256xf32> to vector<1x256xf32>
    %add3A_87 = arith.addf %get3A_82, %broadcast_in_dim3A_86 : vector<1x256xf32>
    %swap3A_88 = arith.constant 0 : index
    %swap3A_89 = arith.constant 0 : index
    %swap3A_90 = vector.load %arg10[%swap3A_88, %swap3A_89] : memref<1x256xf32, #tpu.memory_space<vmem>>, vector<1x256xf32>
    tpu.vector_store %arg10[%swap3A_88, %swap3A_89], %add3A_87 {strides = array<i32>} : memref<1x256xf32, #tpu.memory_space<vmem>>, vector<1x256xf32>,
    %eq3A_91 = arith.constant 24 : i32
    %eq3A_92 = arith.cmpi eq, %arg0, %eq3A_91 : i32
    %convert_element_type3A_93 = arith.extui %eq3A_92 : i1 to i32
    %cond3A_94 = arith.constant 0 : i32
    %cond3A_95 = arith.cmpi ne, %convert_element_type3A_93, %cond3A_94 : i32
    scf.if %cond3A_95 {
      %get3A_96 = arith.constant 0 : index
      %get3A_97 = arith.constant 0 : index
      %get3A_98 = vector.load %arg9[%get3A_96, %get3A_97] : memref<1x256xf32, #tpu.memory_space<vmem>>, vector<1x256xf32>
      %get3A_99 = vector.shape_cast %get3A_98 : vector<1x256xf32> to vector<256xf32>
      %swap3A_100 = arith.constant 0 : index
      %swap3A_101 = arith.constant 0 : index
      %swap3A_102 = vector.load %arg8[%swap3A_100, %swap3A_101] : memref<2x256xf32, #tpu.memory_space<vmem>>, vector<1x256xf32>
      %swap3A_103 = vector.shape_cast %swap3A_102 : vector<1x256xf32> to vector<256xf32>
      %swap3A_104 = vector.shape_cast %get3A_99 : vector<256xf32> to vector<1x256xf32>
      tpu.vector_store %arg8[%swap3A_100, %swap3A_101], %swap3A_104 {strides = array<i32>} : memref<2x256xf32, #tpu.memory_space<vmem>>, vector<1x256xf32>,
      %get3A_105 = arith.constant 0 : index
      %get3A_106 = arith.constant 0 : index
      %get3A_107 = vector.load %arg10[%get3A_105, %get3A_106] : memref<1x256xf32, #tpu.memory_space<vmem>>, vector<1x256xf32>
      %get3A_108 = vector.shape_cast %get3A_107 : vector<1x256xf32> to vector<256xf32>
      %swap3A_109 = arith.constant 1 : index
      %swap3A_110 = arith.constant 0 : index
      %swap3A_111 = vector.load %arg8[%swap3A_109, %swap3A_110] : memref<2x256xf32, #tpu.memory_space<vmem>>, vector<1x256xf32>
      %swap3A_112 = vector.shape_cast %swap3A_111 : vector<1x256xf32> to vector<256xf32>
      %swap3A_113 = vector.shape_cast %get3A_108 : vector<256xf32> to vector<1x256xf32>
      tpu.vector_store %arg8[%swap3A_109, %swap3A_110], %swap3A_113 {strides = array<i32>} : memref<2x256xf32, #tpu.memory_space<vmem>>, vector<1x256xf32>,
    } else {
    }
    return
  }
  func.func @transform_0(%arg0: i32) -> (i32, i32) {
    %c0_i32 = arith.constant 0 : i32
    %c0_i32_0 = arith.constant 0 : i32
    return %arg0, %c0_i32 : i32, i32
  }
  func.func @transform_1(%arg0: i32) -> (i32, i32) {
    %c0_i32 = arith.constant 0 : i32
    %c0_i32_0 = arith.constant 0 : i32
    return %arg0, %c0_i32 : i32, i32
  }
  func.func @transform_2(%arg0: i32) -> (i32, i32, i32) {
    %c0_i32 = arith.constant 0 : i32
    %c0_i32_0 = arith.constant 0 : i32
    %c0_i32_1 = arith.constant 0 : i32
    return %c0_i32, %arg0, %c0_i32_0 : i32, i32, i32
  }
  func.func @transform_3(%arg0: i32) -> (i32, i32, i32) {
    %c0_i32 = arith.constant 0 : i32
    %c0_i32_0 = arith.constant 0 : i32
    %c0_i32_1 = arith.constant 0 : i32
    return %c0_i32, %arg0, %c0_i32_0 : i32, i32, i32
  }
  func.func @transform_4(%arg0: i32) -> (i32, i32, i32) {
    %c0_i32 = arith.constant 0 : i32
    %c0_i32_0 = arith.constant 0 : i32
    %c0_i32_1 = arith.constant 0 : i32
    %c0_i32_2 = arith.constant 0 : i32
    return %c0_i32, %c0_i32_0, %c0_i32_1 : i32, i32, i32
  }
  func.func @transform_5(%arg0: i32) -> i32 {
    %c0_i32 = arith.constant 0 : i32
    %c0_i32_0 = arith.constant 0 : i32
    return %c0_i32 : i32
  }
  func.func @transform_6(%arg0: i32) -> (i32, i32) {
    %c0_i32 = arith.constant 0 : i32
    %c0_i32_0 = arith.constant 0 : i32
    return %arg0, %c0_i32 : i32, i32
  }
  func.func @transform_7(%arg0: i32) -> (i32, i32) {
    %c0_i32 = arith.constant 0 : i32
    %c0_i32_0 = arith.constant 0 : i32
    %c0_i32_1 = arith.constant 0 : i32
    return %c0_i32, %c0_i32_0 : i32, i32
  }
}

module attributes {stable_mosaic.version = 14 : i64} {
  func.func @_d2_body(%arg0: i32, %arg1: memref<2x256xf32, #tpu.memory_space<vmem>>, %arg2: memref<400x256xf32, #tpu.memory_space<vmem>>, %arg3: memref<400x256xf32, #tpu.memory_space<vmem>>, %arg4: memref<256xf32, #tpu.memory_space<vmem>>, %arg5: memref<256xf32, #tpu.memory_space<vmem>>, %arg6: memref<400x256xf32, #tpu.memory_space<vmem>>) attributes {dimension_semantics = [#tpu.dimension_semantics<arbitrary>], iteration_bounds = array<i64: 25>, scalar_prefetch = 0 : i64, scratch_operands = 0 : i64, tpu.core_type = #tpu.core_type<tc>, window_params = [{pipeline_mode = #tpu.pipeline_mode<synchronous>, transform_indices = @transform_0, window_bounds = array<i64: 2, 256>}, {transform_indices = @transform_1, window_bounds = array<i64: 400, 256>}, {transform_indices = @transform_2, window_bounds = array<i64: 400, 256>}, {pipeline_mode = #tpu.pipeline_mode<synchronous>, transform_indices = @transform_3, window_bounds = array<i64: 256>}, {pipeline_mode = #tpu.pipeline_mode<synchronous>, transform_indices = @transform_4, window_bounds = array<i64: 256>}, {transform_indices = @transform_5, window_bounds = array<i64: 400, 256>}]} {
    %get3A = arith.constant 0 : index
    %get3A_0 = arith.constant 0 : index
    %get3A_1 = vector.load %arg1[%get3A, %get3A_0] : memref<2x256xf32, #tpu.memory_space<vmem>>, vector<1x256xf32>
    %get3A_2 = vector.shape_cast %get3A_1 : vector<1x256xf32> to vector<256xf32>
    %div3A = arith.constant 1.000000e+04 : f32
    %div3A_3 = vector.broadcast %div3A : f32 to vector<256xf32>
    %div3A_4 = arith.divf %get3A_2, %div3A_3 : vector<256xf32>
    %get3A_5 = arith.constant 1 : index
    %get3A_6 = arith.constant 0 : index
    %get3A_7 = vector.load %arg1[%get3A_5, %get3A_6] : memref<2x256xf32, #tpu.memory_space<vmem>>, vector<1x256xf32>
    %get3A_8 = vector.shape_cast %get3A_7 : vector<1x256xf32> to vector<256xf32>
    %div3A_9 = arith.constant 1.000000e+04 : f32
    %div3A_10 = vector.broadcast %div3A_9 : f32 to vector<256xf32>
    %div3A_11 = arith.divf %get3A_8, %div3A_10 : vector<256xf32>
    %mul3A = arith.mulf %div3A_4, %div3A_4 : vector<256xf32>
    %sub3A = arith.subf %div3A_11, %mul3A : vector<256xf32>
    %add3A = arith.constant 9.99999974E-6 : f32
    %add3A_12 = vector.broadcast %add3A : f32 to vector<256xf32>
    %add3A_13 = arith.addf %sub3A, %add3A_12 : vector<256xf32>
    %rsqrt3A = math.rsqrt %add3A_13 : vector<256xf32>
    %get3A_14 = arith.constant 0 : index
    %get3A_15 = vector.load %arg4[%get3A_14] : memref<256xf32, #tpu.memory_space<vmem>>, vector<256xf32>
    %mul3A_16 = arith.mulf %rsqrt3A, %get3A_15 : vector<256xf32>
    %broadcast_in_dim3A = vector.shape_cast %mul3A_16 : vector<256xf32> to vector<1x256xf32>
    %get3A_17 = arith.constant 0 : index
    %get3A_18 = arith.constant 0 : index
    %get3A_19 = vector.load %arg3[%get3A_17, %get3A_18] : memref<400x256xf32, #tpu.memory_space<vmem>>, vector<400x256xf32>
    %broadcast_in_dim3A_20 = vector.shape_cast %div3A_4 : vector<256xf32> to vector<1x256xf32>
    %sub3A_21 = vector.broadcast %broadcast_in_dim3A_20 : vector<1x256xf32> to vector<400x256xf32>
    %sub3A_22 = arith.subf %get3A_19, %sub3A_21 : vector<400x256xf32>
    %mul3A_23 = vector.broadcast %broadcast_in_dim3A : vector<1x256xf32> to vector<400x256xf32>
    %mul3A_24 = arith.mulf %sub3A_22, %mul3A_23 : vector<400x256xf32>
    %get3A_25 = arith.constant 0 : index
    %get3A_26 = vector.load %arg5[%get3A_25] : memref<256xf32, #tpu.memory_space<vmem>>, vector<256xf32>
    %broadcast_in_dim3A_27 = vector.shape_cast %get3A_26 : vector<256xf32> to vector<1x256xf32>
    %add3A_28 = vector.broadcast %broadcast_in_dim3A_27 : vector<1x256xf32> to vector<400x256xf32>
    %add3A_29 = arith.addf %mul3A_24, %add3A_28 : vector<400x256xf32>
    %get3A_30 = arith.constant 0 : index
    %get3A_31 = arith.constant 0 : index
    %get3A_32 = vector.load %arg2[%get3A_30, %get3A_31] : memref<400x256xf32, #tpu.memory_space<vmem>>, vector<400x256xf32>
    %add3A_33 = arith.addf %add3A_29, %get3A_32 : vector<400x256xf32>
    %max3A = arith.constant 0.000000e+00 : f32
    %max3A_34 = vector.broadcast %max3A : f32 to vector<400x256xf32>
    %max3A_35 = arith.maximumf %add3A_33, %max3A_34 : vector<400x256xf32>
    %swap3A = arith.constant 0 : index
    %swap3A_36 = arith.constant 0 : index
    %swap3A_37 = vector.load %arg6[%swap3A, %swap3A_36] : memref<400x256xf32, #tpu.memory_space<vmem>>, vector<400x256xf32>
    tpu.vector_store %arg6[%swap3A, %swap3A_36], %max3A_35 {strides = array<i32>} : memref<400x256xf32, #tpu.memory_space<vmem>>, vector<400x256xf32>,
    return
  }
  func.func @transform_0(%arg0: i32) -> (i32, i32) {
    %c0_i32 = arith.constant 0 : i32
    %c0_i32_0 = arith.constant 0 : i32
    %c0_i32_1 = arith.constant 0 : i32
    return %c0_i32, %c0_i32_0 : i32, i32
  }
  func.func @transform_1(%arg0: i32) -> (i32, i32) {
    %c0_i32 = arith.constant 0 : i32
    %c0_i32_0 = arith.constant 0 : i32
    return %arg0, %c0_i32 : i32, i32
  }
  func.func @transform_2(%arg0: i32) -> (i32, i32) {
    %c0_i32 = arith.constant 0 : i32
    %c0_i32_0 = arith.constant 0 : i32
    return %arg0, %c0_i32 : i32, i32
  }
  func.func @transform_3(%arg0: i32) -> i32 {
    %c0_i32 = arith.constant 0 : i32
    %c0_i32_0 = arith.constant 0 : i32
    return %c0_i32 : i32
  }
  func.func @transform_4(%arg0: i32) -> i32 {
    %c0_i32 = arith.constant 0 : i32
    %c0_i32_0 = arith.constant 0 : i32
    return %c0_i32 : i32
  }
  func.func @transform_5(%arg0: i32) -> (i32, i32) {
    %c0_i32 = arith.constant 0 : i32
    %c0_i32_0 = arith.constant 0 : i32
    return %arg0, %c0_i32 : i32, i32
  }
}

</mosaic_0001>

<sc_bundles>
// kernel: kernel.12.cloned.1.call-start
scs
__scs_entry_jumppad:
0x0: {  	(pc) =	sbr.rel $0x88, $3  }
0x1: {  	(tag) =	ssettag $0x0;
	lr =	simm.s32 $0x1  }
0x2: {  	[smem:$0x3F9B] =	sst lr;
	_ =	strace $0xD0000000  }
0x3: {  	_ = 	snop  }
0x4: {  	_ = 	snop  }
0x5: {  	_ = 	snop  }
0x6: {  	_ = 	snop  }
0x7: {  	_ = 	snop  }
__scs_overlays_trampoline_lowered:
0x8: {  	[smem:$0x3FAA] =	sst s0  }
0x9: {  	[smem:$0x3FAB] =	sst s1  }
0xa: {  	[smem:$0x3FAC] =	sst s2  }
0xb: {  	[smem:$0x3FAD] =	sst s3  }
0xc: {  	[smem:$0x3FAE] =	sst s4  }
0xd: {  	[smem:$0x3FAF] =	sst s5  }
0xe: {  	[smem:$0x3FB0] =	sst s6  }
0xf: {  	[smem:$0x3FB1] =	sst s7  }
0x10: {  	[smem:$0x3FB2] =	sst s8  }
0x11: {  	[smem:$0x3FB3] =	sst s9;
	s0 =	simm.s32 @!p0 $0x0  }
0x12: {  	s1 =	sld [smem:$0x3F99];
	s0 =	simm.s32 @p0 $0x1  }
0x13: {  	[smem:$0x3FB4] =	sst s0;
	s0 =	simm.s32 @!p1 $0x0  }
0x14: {  	s2 =	sld [smem:$0x3F98];
	s0 =	simm.s32 @p1 $0x1  }
0x15: {  	[smem:$0x3FB5] =	sst s0;
	s0 =	simm.s32 @!p2 $0x0  }
0x16: {  	s3 =	sld [smem:$0x3FDB];
	s0 =	simm.s32 @p2 $0x1  }
0x17: {  	s4 =	simm.s32 $0x1BF5;
	[smem:$0x3FB7] =	sst s0  }
0x18: {  	s0 =	sld [smem:$0x3F9A];
	_ =	swait.ge [sflag:s4], $0x0  }
0x19: {  	s7 =	sld [smem:$0x3F9B]  }
0x1a: {  	s8 =	sadd.s32 $0xFFFFE003, lr  }
0x1b: {  	s9 =	sadd.s32 $0xFFFFFEF7, lr;
	s5 =	simm.s32 $0xFFFFFFFF;
	p2 =	slt.u32 s8, $0xFFFFF086  }
0x1c: {  	p1 =	slt.u32 s9, $0xF7A;
	s5 =	simm.s32 @!p2 $0x0  }
0x1d: {  	s5 =	simm.s32 @p1 $0x1;
	p0 =	seq.s32 s7, s2  }
0x1e: {  	s7 =	smul.u32 @!p0 $0xF7A, s2;
	p2 =	seq.s32 @!p0 s5, $0x0  }
0x1f: {  	s9 =	smul.u32 $0xF7A, s1;
	s8 =	simm.s32 @!p0 $0x1BF5;
	p2 =	por !p2, p0  }
0x20: {  	[sflag:s8] =	ssyncset.s32 @!p0 $0xFFFFF086;
	s6 =	sadd.s32 @!p0 s3, s7;
	s7 =	simm.s32 @!p0 $0x108  }
0x21: {  	s3 =	sadd.s32 s3, s9;
	s6 =	sadd.s32 @!p0 $0x88, s6;
	s7 =	simm.s32 @p2 $0x1082  }
0x22: {  	[simem:s7], [sflag:s8] =	dma.local @!p0 [hbm:s6], $0xF7A  }
0x23: {  	s9 =	sor.u32 $0xD0000000, s2;
	s6 =	simm.s32 $0x108;
	_ =	swait.ge @!p0 [sflag:s8], $0x0  }
0x24: {  	s3 =	sadd.s32 $0x88, s3;
	s6 =	simm.s32 @!p1 $0x1082;
	[sflag:s4] =	ssyncset.s32 $0xFFFFF086  }
0x25: {  	[simem:s6], [sflag:s4] =	dma.local [hbm:s3], $0xF7A  }
0x26: {  	[smem:$0x3F9B] =	sst s1;
	(tag) =	ssettag s2;
	_ =	strace s9  }
0x27: {  	s1 =	sld [smem:$0x3FAB]  }
0x28: {  	s2 =	sld [smem:$0x3FAC]  }
0x29: {  	s4 =	sld [smem:$0x3FAE]  }
0x2a: {  	p0 =	seq.s32 s5, $0x0;
	s5 =	sld [smem:$0x3FAF]  }
0x2b: {  	s6 =	sld [smem:$0x3FB0]  }
0x2c: {  	s7 =	sld [smem:$0x3FB1]  }
0x2d: {  	s3 =	simm.s32 $0x108;
	s8 =	sld [smem:$0x3FB2]  }
0x2e: {  	s3 =	simm.s32 @!p0 $0x1082;
	s9 =	sld [smem:$0x3FB3]  }
0x2f: {  	lr =	sadd.s32 s0, s3;
	s0 =	sld [smem:$0x3FAA]  }
0x30: {  	s3 =	sld [smem:$0x3FAD]  }
0x31: {  	[smem:$0x3FB6] =	sst s10  }
0x32: {  	s10 =	sld [smem:$0x3FB4];
	_ =	sdelay $0x3  }
0x33: {  	p0 =	seq.s32 s10, $0x1;
	s10 =	sld [smem:$0x3FB6];
	_ =	sdelay $0x3  }
0x34: {  	[smem:$0x3FB6] =	sst s10  }
0x35: {  	s10 =	sld [smem:$0x3FB5];
	_ =	sdelay $0x3  }
0x36: {  	p1 =	seq.s32 s10, $0x1;
	s10 =	sld [smem:$0x3FB6];
	_ =	sdelay $0x3  }
0x37: {  	[smem:$0x3FB6] =	sst s10  }
0x38: {  	s10 =	sld [smem:$0x3FB7]  }
0x39: {  	_ = 	snop;
	(pc) =	sbr.ind lr, $3  }
0x3a: {  	_ = 	snop  }
0x3b: {  	_ = 	snop  }
0x3c: {  	p2 =	seq.s32 s10, $0x1;
	s10 =	sld [smem:$0x3FB6]  }
0x3d: {  	_ =	shalt  }
0x3e: {  	_ =	shalt  }
0x3f: {  	_ =	shalt  }
0x40: {  	_ =	shalt  }
0x41: {  	_ =	shalt  }
0x42: {  	_ =	shalt  }
0x43: {  	_ =	shalt  }
0x44: {  	_ =	shalt  }
0x45: {  	_ =	shalt  }
0x46: {  	_ =	shalt  }
0x47: {  	_ =	shalt  }
0x48: {  	_ =	shalt  }
0x49: {  	_ =	shalt  }
0x4a: {  	_ =	shalt  }
0x4b: {  	_ =	shalt  }
0x4c: {  	_ =	shalt  }
0x4d: {  	_ =	shalt  }
0x4e: {  	_ =	shalt  }
0x4f: {  	_ =	shalt  }
0x50: {  	_ =	shalt  }
0x51: {  	_ =	shalt  }
0x52: {  	_ =	shalt  }
0x53: {  	_ =	shalt  }
0x54: {  	_ =	shalt  }
0x55: {  	_ =	shalt  }
0x56: {  	_ =	shalt  }
0x57: {  	_ =	shalt  }
0x58: {  	_ =	shalt  }
0x59: {  	_ =	shalt  }
0x5a: {  	_ =	shalt  }
0x5b: {  	_ =	shalt  }
0x5c: {  	_ =	shalt  }
0x5d: {  	_ =	shalt  }
0x5e: {  	_ =	shalt  }
0x5f: {  	_ =	shalt  }
0x60: {  	_ =	shalt  }
0x61: {  	_ =	shalt  }
0x62: {  	_ =	shalt  }
0x63: {  	_ =	shalt  }
0x64: {  	_ =	shalt  }
0x65: {  	_ =	shalt  }
0x66: {  	_ =	shalt  }
0x67: {  	_ =	shalt  }
0x68: {  	_ =	shalt  }
0x69: {  	_ =	shalt  }
0x6a: {  	_ =	shalt  }
0x6b: {  	_ =	shalt  }
0x6c: {  	_ =	shalt  }
0x6d: {  	_ =	shalt  }
0x6e: {  	_ =	shalt  }
0x6f: {  	_ =	shalt  }
0x70: {  	_ =	shalt  }
0x71: {  	_ =	shalt  }
0x72: {  	_ =	shalt  }
0x73: {  	_ =	shalt  }
0x74: {  	_ =	shalt  }
0x75: {  	_ =	shalt  }
0x76: {  	_ =	shalt  }
0x77: {  	_ =	shalt  }
0x78: {  	_ =	shalt  }
0x79: {  	_ =	shalt  }
0x7a: {  	_ =	shalt  }
0x7b: {  	_ =	shalt  }
0x7c: {  	_ =	shalt  }
0x7d: {  	_ =	shalt  }
0x7e: {  	_ =	shalt  }
0x7f: {  	_ =	shalt  }
0x80: {  	_ =	shalt  }
0x81: {  	_ =	shalt  }
0x82: {  	_ =	shalt  }
0x83: {  	_ =	shalt  }
0x84: {  	_ =	shalt  }
0x85: {  	_ =	shalt  }
0x86: {  	_ =	shalt  }
0x87: {  	_ =	shalt  }
.Lfunc_end0:
.L_simem_size_0:
called_computation.1_lowered:
.L_overlay_start_0:
0x88: {  	s2 =	sld [smem:$0x3FD9]  }
0x89: {  	s3 =	sld [smem:$0x3FFE];
	_ =	sdelay $0x1  }
0x8a: {  	s1 =	srdreg.scid  }
0x8b: {  	s0 =	sand.u32 $0x1, s1  }
0x8c: {  	s16 =	sshll.u32 s0, $0xA;
	s2 =	sadd.s32 s3, s2  }
0x8d: {  	s2 =	sadd.s32 s2, s16  }
0x8e: {  	[smem:$0x3FC2] =	sst s2  }
0x8f: {  	_ = 	snop  }
0x90: {  	(tm) =	ssettm $0x1  }
0x91: {  	s17 =	sld [smem:$0x3FFB];
	_ =	sdelay $0x3  }
0x92: {  	_ =	strace s17  }
0x93: {  	s2 =	sld [smem:$0x3FFC];
	_ =	sdelay $0x3  }
0x94: {  	_ =	strace s2  }
0x95: {  	s2 =	sld [smem:$0x3FFD];
	_ =	sdelay $0x3  }
0x96: {  	_ =	strace s2  }
0x97: {  	_ =	strace $0x8FFFFFFF  }
0x98: {  	s18 =	sld [smem:$0x3FDB];
	_ =	sdelay $0x1  }
0x99: {  	s19 =	simm.s32 $_scs_section_size  }
0x9a: {  	s4 =	simm.s32 $_size__tile_overlayer_lowered;
	s5 =	simm.s32 $_tile_overlayer_lowered  }
0x9b: {  	s22 =	simm.s32 $0x1BFF;
	s21 =	sshll.u32 s5, $0x1;
	s2 =	sadd.s32 s19, s18  }
0x9c: {  	s6 =	simm.s32 $0x0;
	s20 =	sshll.u32 s4, $0x1;
	s4 =	sadd.s32 s21, s2  }
0x9d: {  	[timem:s6], [sflag:s22] =	dma.local [hbm:s4], s20  }
0x9e: {  	_ =	swait.ge [sflag:s22], s20  }
0x9f: {  	s3 =	ssub.s32 $0x0, s20;
	[sflag:s22] =	ssyncset.done $0x0  }
0xa0: {  	[sflag:s22] =	ssyncadd.s32 s3;
	_ =	sdelay $0x1  }
0xa1: {  	s23 =	simm.s32 $0x1B8B  }
0xa2: {  	_ =	swait.ge [sflag:s23], $0x1  }
0xa3: {  	[sflag:s23] =	ssyncset.done $0x0  }
0xa4: {  	s25 =	simm.s32 $0x1B8E;
	s24 =	sld [smem:$0x3FFE];
	[sflag:s23] =	ssyncadd.s32 $0xFFFFFFFF  }
0xa5: {  	s26 =	simm.s32 $execute0_lowered;
	[smem:$0x3FD2] =	sst s25  }
0xa6: {  	s4 =	sshll.u32 s26, $0x1;
	_ =	strace $0x80000049;
	[dreg:$0x1] =	wrdreg $0xFFFFFFFF  }
0xa7: {  	s28 =	simm.s32 $_size_execute0_lowered;
	s2 =	sadd.s32 s2, s4;
	[dreg:$0x0] =	wrdreg $0x0  }
0xa8: {  	s4 =	sshll.u32 s28, $0x1;
	[dreg:$0x2] =	wrdreg s2  }
0xa9: {  	[dreg:$0x3] =	wrdreg s4  }
0xaa: {  	[dreg:$0x4] =	wrdreg $0xC0  }
0xab: {  	_ =	task [dreg:s6], $0x5FFFF  }
0xac: {  	[dreg:$0x1] =	wrdreg $0xFFFFFFFF  }
0xad: {  	[dreg:$0x0] =	wrdreg $0x60  }
0xae: {  	[dreg:$0x2] =	wrdreg s24  }
0xaf: {  	[dreg:$0x3] =	wrdreg $0x0  }
0xb0: {  	[dreg:$0x4] =	wrdreg $0x9  }
0xb1: {  	_ =	task.clear_ibuf [dreg:s6], $0x5FFFF;
	_ =	strace $0x90000049  }
0xb2: {  	s29 =	simm.s32 $0x9;
	_ =	strace $0x8000004B  }
0xb3: {  	_ =	swait.ge [sflag:s29], $0x1  }
0xb4: {  	[sflag:s29] =	ssyncadd.s32 $0xFFFFFFFF  }
0xb5: {  	_ =	strace $0x9000004B  }
0xb6: {  	_ =	sfence  }
0xb7: {  	s30 =	sld [smem:$0x0];
	_ =	sdelay $0x2  }
0xb8: {  	s31 =	sshll.u32 s1, $0xD;
	s1 =	sshrl.u32 s1, $0x2  }
0xb9: {  	s3 =	sand.u32 $0x4000, s31;
	s1 =	sadd.s32 s1, s30  }
0xba: {  	s0 =	sor.u32 s3, s0;
	s1 =	sshll.u32 s1, $0x11  }
0xbb: {  	s0 =	sor.u32 s1, s0  }
0xbc: {  	s0 =	sadd.s32 $0x8F2B, s0  }
0xbd: {  	[sflag:s0] =	ssyncadd.remote.s32 $0x1  }
0xbe: {  	_ =	sfence.sel $0xFFFF  }
0xbf: {  	[dreg:$0x0] =	wrdreg $0xFFFFFFFF;
	(pc) =	sbr.abs _section_cstart, $3  }
0xc0: {  	[dreg:$0x1] =	wrdreg $0xFFFFFFFF  }
0xc1: {  	_ =	task.clear_ibuf [dreg:s6], $0x2FFFF;
	_ =	strace $0x9FFFFFFF  }
0xc2: {  	(tm) =	ssettm $0x7FFFFFFF  }
0xc3: {  	_ =	shalt  }
tec
execute0_lowered:
.L_overlay_start_1:
0x0: {  	(tag) =	ssettag $0x1  }
0x1: {  	s0 =	rddreg [dreg:$0x0]  }
0x2: {  	s1 =	rddreg [dreg:$0x1];
	s3 =	simm.s32 $0x0;
	s2 =	srdreg.scid  }
0x3: {  	s13 =	stileid.u32;
	s28 =	simm.s32 $0x2;
	s29 =	simm.s32 $0x3  }
0x4: {  	s30 =	simm.s32 $0x4;
	s31 =	simm.s32 $0x1CA00;
	s6 =	smul.u32 $0x14000, s13  }
0x5: {  	[smem:$0x7FF] =	sst s3;
	s2 =	sand.u32 $0x1, s2;
	s14 =	smul.u32 $0x50000, s13  }
0x6: {  	s7 =	sadd.s32 $0x7E00, s0;
	s8 =	sadd.s32 $0x2E00, s0;
	s11 =	smul.u32 $0x2710, s13  }
0x7: {  	s4 =	sadd.s32 $0xF600, s0;
	s9 =	sadd.s32 $0xCE00, s0;
	s16 =	smul.u32 $0x4E2, s13  }
0x8: {  	s18 =	sshll.u32 s13, $0x6;
	s5 =	smul.u32 $0x140000, s2;
	_ =	strace $0x8000004A  }
0x9: {  	[dreg:$0x3] =	wrdreg s9;
	s12 =	ssub.s32 $0x2, s2;
	s2 =	smul.u32 $0x2800, s2  }
0xa: {  	s10 =	sshrl.u32 s12, $0x1;
	s17 =	sshrl.u32 s14, $0x2;
	s11 =	sshrl.u32 s11, $0x3  }
0xb: {  	s5 =	sadd.s32 s6, s5;
	s15 =	ssub.s32 s12, s10;
	s17 =	sadd.s32 s17, s1  }
0xc: {  	s6 =	sor.u32 $0x1C05, s18;
	s19 =	sadd.s32 $0x10, s11;
	s20 =	sadd.s32 s7, s11  }
0xd: {  	s21 =	sadd.s32 s8, s11;
	s12 =	sadd.s32 $0x4E0, s11;
	s18 =	simm.s32 $0x5  }
0xe: {  	v0 =	vmov s2;
	s2 =	simm.s32 $0x10;
	s5 =	sshrl.u32 s5, $0x3;
	[dreg:$0x4] =	wrdreg s20  }
0xf: {  	[dreg:$0x5] =	wrdreg s21;
	s22 =	sadd.s32 s7, s19;
	s23 =	sadd.s32 s8, s19  }
0x10: {  	s24 =	sadd.s32 s7, s12;
	s25 =	sadd.s32 s8, s12;
	[dreg:$0x6] =	wrdreg s22  }
0x11: {  	s26 =	smax.u32 s15, $0x1;
	s15 =	sadd.s32 s16, s8;
	[dreg:$0x7] =	wrdreg s23  }
0x12: {  	s16 =	sadd.s32 s16, s7;
	s17 =	sshrl.u32 s17, $0x3;
	[dreg:$0x8] =	wrdreg s24  }
0x13: {  	s20 =	simm.s32 $0x1C100;
	s21 =	simm.s32 $0x80;
	[dreg:$0x9] =	wrdreg s25  }
0x14: {  	s7 =	simm.s32 $0x0;
	s0 =	sadd.s32 s5, s0;
	[dreg:$0xb] =	wrdreg s26  }
0x15: {  	s22 =	simm.s32 $0x14000;
	s23 =	simm.s32 $0x1C080;
	s24 =	simm.s32 $0x1C180  }
0x16: {  	s25 =	simm.s32 $0x18000;
	s26 =	simm.s32 $0x1;
	s0 =	sadd.s32 $0x5F600, s0  }
0x17: {  	s5 =	simm.s32 $0x1C200;
	[dreg:$0xa] =	wrdreg s0;
	s0 =	simm.s32 $0x1CA80  }
.LBB2_1:
0x18: {  	s8 =	rddreg [dreg:$0x3]  }
0x19: {  	[spmem:s17], [sflag:s6] =	dma.local [hbm:s8], $0x2800  }
0x1a: {  	_ =	swait.ge [sflag:s18], $0x2800  }
0x1b: {  	[sflag:s18] =	ssyncset.done $0x0  }
0x1c: {  	[sflag:s18] =	ssyncadd.s32 $0xFFFFD800  }
0x1d: {  	[bflag:$0x0] =	sbarrier.arrive $0xFFFF  }
0x1e: {  	s9 =	simm.s32 $0x1C000;
	s12 =	rddreg [dreg:$0x4]  }
0x1f: {  	[tilespmem:s9], [sflag:$0x5] =	stream.linear.gather [hbm4b:s12+s3], $0x80, $0x38;
	[tilespmem:$0x1CB00] =	vst v63  }
0x20: {  	_ =	swait.ge [sflag:s18], $0x80  }
0x21: {  	[sflag:s18] =	ssyncset.done $0x0  }
0x22: {  	s13 =	rddreg [dreg:$0x5];
	[sflag:s18] =	ssyncadd.s32 $0xFFFFFF80  }
0x23: {  	[tilespmem:s20], [sflag:$0x5] =	stream.linear.gather [hbm4b:s13+s3], $0x80, $0x38;
	[tilespmem:$0x1CB00] =	vst v63  }
0x24: {  	_ =	swait.ge [sflag:s18], $0x80  }
0x25: {  	[sflag:s18] =	ssyncset.done $0x0  }
0x26: {  	[sflag:s18] =	ssyncadd.s32 $0xFFFFFF80  }
0x27: {  	v1 =	vld [tilespmem:$0x1C000]  }
0x28: {  	v2 =	vld [tilespmem:$0x1C010]  }
0x29: {  	v3 =	vld [tilespmem:$0x1C020]  }
0x2a: {  	v4 =	vld [tilespmem:$0x1C030]  }
0x2b: {  	v5 =	vld [tilespmem:$0x1C040]  }
0x2c: {  	v6 =	vld [tilespmem:$0x1C050];
	v1 =	vadd.s32 v0, v1  }
0x2d: {  	[tilespmem:$0x1C000] =	vst v1;
	v1 =	vadd.s32 v0, v2;
	v2 =	vld [tilespmem:$0x1C060]  }
0x2e: {  	[tilespmem:$0x1C010] =	vst v1;
	v1 =	vadd.s32 v0, v3;
	v3 =	vld [tilespmem:$0x1C070]  }
0x2f: {  	[tilespmem:$0x1C020] =	vst v1;
	v1 =	vadd.s32 v0, v4  }
0x30: {  	[tilespmem:$0x1C030] =	vst v1;
	v1 =	vadd.s32 v0, v5  }
0x31: {  	[tilespmem:$0x1C040] =	vst v1;
	v1 =	vadd.s32 v0, v6  }
0x32: {  	[tilespmem:$0x1C050] =	vst v1;
	v1 =	vadd.s32 v0, v2  }
0x33: {  	[tilespmem:$0x1C060] =	vst v1;
	v1 =	vadd.s32 v0, v3  }
0x34: {  	[tilespmem:$0x1C070] =	vst v1  }
0x35: {  	[tilespmem:s22], [sflag:$0x1] =	stream.indirect.gather [hbm4b:s4+s21], $0x80, s9, s21, $0xb8;
	[tilespmem:$0x1CB00] =	vst v63  }
0x36: {  	s14 =	rddreg [dreg:$0x6]  }
0x37: {  	[tilespmem:s23], [sflag:$0x5] =	stream.linear.gather [hbm4b:s14+s3], $0x80, $0x38;
	[tilespmem:$0x1CB00] =	vst v63  }
0x38: {  	_ =	swait.ge [sflag:s18], $0x80  }
0x39: {  	[sflag:s18] =	ssyncset.done $0x0  }
0x3a: {  	s19 =	rddreg [dreg:$0x7];
	[sflag:s18] =	ssyncadd.s32 $0xFFFFFF80  }
0x3b: {  	[tilespmem:s24], [sflag:$0x5] =	stream.linear.gather [hbm4b:s19+s3], $0x80, $0x38;
	[tilespmem:$0x1CB00] =	vst v63  }
0x3c: {  	_ =	swait.ge [sflag:s18], $0x80  }
0x3d: {  	[sflag:s18] =	ssyncset.done $0x0  }
0x3e: {  	[sflag:s18] =	ssyncadd.s32 $0xFFFFFF80  }
0x3f: {  	v1 =	vld [tilespmem:$0x1C080]  }
0x40: {  	v2 =	vld [tilespmem:$0x1C090]  }
0x41: {  	v3 =	vld [tilespmem:$0x1C0A0]  }
0x42: {  	v61 =	vld [tilespmem:$0x1C0B0]  }
0x43: {  	v62 =	vld [tilespmem:$0x1C0C0]  }
0x44: {  	v63 =	vld [tilespmem:$0x1C0D0];
	v1 =	vadd.s32 v0, v1  }
0x45: {  	[tilespmem:$0x1C080] =	vst v1;
	v1 =	vadd.s32 v0, v2;
	v2 =	vld [tilespmem:$0x1C0E0]  }
0x46: {  	[tilespmem:$0x1C090] =	vst v1;
	v1 =	vadd.s32 v0, v3;
	v3 =	vld [tilespmem:$0x1C0F0]  }
0x47: {  	[tilespmem:$0x1C0A0] =	vst v1;
	v1 =	vadd.s32 v0, v61  }
0x48: {  	[tilespmem:$0x1C0B0] =	vst v1;
	v1 =	vadd.s32 v0, v62  }
0x49: {  	[tilespmem:$0x1C0C0] =	vst v1;
	v1 =	vadd.s32 v0, v63  }
0x4a: {  	[tilespmem:$0x1C0D0] =	vst v1;
	v1 =	vadd.s32 v0, v2  }
0x4b: {  	[tilespmem:$0x1C0E0] =	vst v1;
	v1 =	vadd.s32 v0, v3  }
0x4c: {  	s8 =	simm.s32 $0x0;
	[tilespmem:$0x1C0F0] =	vst v1  }
0x4d: {  	[tilespmem:s25], [sflag:$0x2] =	stream.indirect.gather [hbm4b:s4+s21], $0x80, s23, s21, $0xb8;
	[tilespmem:$0x1CB00] =	vst v63  }
.LBB2_2:
0x4e: {  	_ =	swait.ge [sflag:s26], $0x4000  }
0x4f: {  	[sflag:s26] =	ssyncset.done $0x0  }
0x50: {  	[sflag:s26] =	ssyncadd.s32 $0xFFFFC000  }
0x51: {  	[spmem:s1] =	stream.indirect.scatter.add.f32 [tilespmem:s22], [sflag:$0x3], $0x80, s20, s21, $0xb8;
	[tilespmem:$0x1CB00] =	vst v63  }
0x52: {  	_ =	swait.ge [sflag:s28], $0x4000  }
0x53: {  	p0 =	seq.s32 s8, $0x4C0;
	[sflag:s28] =	ssyncset.done $0x0  }
0x54: {  	s9 =	simm.s32 @!p0 $0x3;
	[sflag:s28] =	ssyncadd.s32 $0xFFFFC000  }
0x55: {  	[spmem:s1] =	stream.indirect.scatter.add.f32 [tilespmem:s25], [sflag:$0x4], $0x80, s24, s21, $0xb8;
	[tilespmem:$0x1CB00] =	vst v63  }
0x56: {  	_ =	swait.ge @!p0 [sflag:s9], $0x4000  }
0x57: {  	[sflag:s9] =	ssyncset.done @!p0 $0x0  }
0x58: {  	[sflag:s9] =	ssyncadd.s32 @!p0 $0xFFFFC000;
	s9 =	sadd.s32 @!p0 s8, s16  }
0x59: {  	s11 =	simm.s32 @!p0 $0x0;
	s12 =	simm.s32 @!p0 $0x1C000;
	s10 =	sadd.s32 @!p0 $0x20, s9  }
0x5a: {  	[tilespmem:s12], [sflag:$0x5] =	stream.linear.gather @!p0 [hbm4b:s10+s11], $0x80, $0x38;
	[tilespmem:$0x1CB00] =	vst v63  }
0x5b: {  	s10 =	simm.s32 @!p0 $0x5  }
0x5c: {  	_ =	swait.ge @!p0 [sflag:s10], $0x80  }
0x5d: {  	s13 =	sadd.s32 @!p0 s8, s15;
	[sflag:s10] =	ssyncset.done @!p0 $0x0  }
0x5e: {  	s19 =	simm.s32 @!p0 $0x1C100;
	s14 =	sadd.s32 @!p0 $0x20, s13;
	[sflag:s10] =	ssyncadd.s32 @!p0 $0xFFFFFF80  }
0x5f: {  	[tilespmem:s19], [sflag:$0x5] =	stream.linear.gather @!p0 [hbm4b:s14+s11], $0x80, $0x38;
	[tilespmem:$0x1CB00] =	vst v63  }
0x60: {  	_ =	swait.ge @!p0 [sflag:s10], $0x80  }
0x61: {  	[sflag:s10] =	ssyncset.done @!p0 $0x0  }
0x62: {  	[sflag:s10] =	ssyncadd.s32 @!p0 $0xFFFFFF80  }
0x63: {  	v1 =	vld @!p0 [tilespmem:$0x1C000]  }
0x64: {  	v2 =	vld @!p0 [tilespmem:$0x1C010]  }
0x65: {  	v3 =	vld @!p0 [tilespmem:$0x1C020]  }
0x66: {  	v4 =	vld @!p0 [tilespmem:$0x1C030]  }
0x67: {  	v5 =	vld @!p0 [tilespmem:$0x1C040]  }
0x68: {  	v6 =	vld @!p0 [tilespmem:$0x1C050];
	v1 =	vadd.s32 @!p0 v0, v1  }
0x69: {  	[tilespmem:$0x1C000] =	vst @!p0 v1;
	v1 =	vadd.s32 @!p0 v0, v2;
	v2 =	vld @!p0 [tilespmem:$0x1C060]  }
0x6a: {  	[tilespmem:$0x1C010] =	vst @!p0 v1;
	v1 =	vadd.s32 @!p0 v0, v3;
	v3 =	vld @!p0 [tilespmem:$0x1C070]  }
0x6b: {  	[tilespmem:$0x1C020] =	vst @!p0 v1;
	v1 =	vadd.s32 @!p0 v0, v4  }
0x6c: {  	[tilespmem:$0x1C030] =	vst @!p0 v1;
	v1 =	vadd.s32 @!p0 v0, v5  }
0x6d: {  	[tilespmem:$0x1C040] =	vst @!p0 v1;
	v1 =	vadd.s32 @!p0 v0, v6  }
0x6e: {  	[tilespmem:$0x1C050] =	vst @!p0 v1;
	v1 =	vadd.s32 @!p0 v0, v2  }
0x6f: {  	[tilespmem:$0x1C060] =	vst @!p0 v1;
	v1 =	vadd.s32 @!p0 v0, v3  }
0x70: {  	s14 =	simm.s32 @!p0 $0x80;
	s19 =	simm.s32 @!p0 $0x14000;
	[tilespmem:$0x1C070] =	vst @!p0 v1  }
0x71: {  	[tilespmem:s19], [sflag:$0x1] =	stream.indirect.gather @!p0 [hbm4b:s4+s14], $0x80, s12, s14, $0xb8;
	[tilespmem:$0x1CB00] =	vst v63  }
0x72: {  	s12 =	simm.s32 @!p0 $0x4  }
0x73: {  	_ =	swait.ge @!p0 [sflag:s12], $0x4000  }
0x74: {  	[sflag:s12] =	ssyncset.done @!p0 $0x0  }
0x75: {  	s9 =	sadd.s32 @!p0 $0x30, s9;
	[sflag:s12] =	ssyncadd.s32 @!p0 $0xFFFFC000;
	s12 =	simm.s32 @!p0 $0x1C080  }
0x76: {  	[tilespmem:s12], [sflag:$0x5] =	stream.linear.gather @!p0 [hbm4b:s9+s11], $0x80, $0x38;
	[tilespmem:$0x1CB00] =	vst v63  }
0x77: {  	_ =	swait.ge @!p0 [sflag:s10], $0x80  }
0x78: {  	[sflag:s10] =	ssyncset.done @!p0 $0x0  }
0x79: {  	s9 =	sadd.s32 @!p0 $0x30, s13;
	s13 =	simm.s32 @!p0 $0x1C180;
	[sflag:s10] =	ssyncadd.s32 @!p0 $0xFFFFFF80  }
0x7a: {  	[tilespmem:s13], [sflag:$0x5] =	stream.linear.gather @!p0 [hbm4b:s9+s11], $0x80, $0x38;
	[tilespmem:$0x1CB00] =	vst v63  }
0x7b: {  	_ =	swait.ge @!p0 [sflag:s10], $0x80  }
0x7c: {  	[sflag:s10] =	ssyncset.done @!p0 $0x0  }
0x7d: {  	[sflag:s10] =	ssyncadd.s32 @!p0 $0xFFFFFF80  }
0x7e: {  	v1 =	vld @!p0 [tilespmem:$0x1C080]  }
0x7f: {  	v2 =	vld @!p0 [tilespmem:$0x1C090]  }
0x80: {  	v3 =	vld @!p0 [tilespmem:$0x1C0A0]  }
0x81: {  	v4 =	vld @!p0 [tilespmem:$0x1C0B0]  }
0x82: {  	v5 =	vld @!p0 [tilespmem:$0x1C0C0]  }
0x83: {  	v6 =	vld @!p0 [tilespmem:$0x1C0D0];
	v1 =	vadd.s32 @!p0 v0, v1  }
0x84: {  	[tilespmem:$0x1C080] =	vst @!p0 v1;
	v1 =	vadd.s32 @!p0 v0, v2;
	v2 =	vld @!p0 [tilespmem:$0x1C0E0]  }
0x85: {  	[tilespmem:$0x1C090] =	vst @!p0 v1;
	v1 =	vadd.s32 @!p0 v0, v3;
	v3 =	vld @!p0 [tilespmem:$0x1C0F0]  }
0x86: {  	[tilespmem:$0x1C0A0] =	vst @!p0 v1;
	v1 =	vadd.s32 @!p0 v0, v4  }
0x87: {  	[tilespmem:$0x1C0B0] =	vst @!p0 v1;
	v1 =	vadd.s32 @!p0 v0, v5  }
0x88: {  	[tilespmem:$0x1C0C0] =	vst @!p0 v1;
	v1 =	vadd.s32 @!p0 v0, v6  }
0x89: {  	[tilespmem:$0x1C0D0] =	vst @!p0 v1;
	v1 =	vadd.s32 @!p0 v0, v2  }
0x8a: {  	s8 =	sadd.s32 @!p0 $0x20, s8;
	[tilespmem:$0x1C0E0] =	vst @!p0 v1;
	v1 =	vadd.s32 @!p0 v0, v3  }
0x8b: {  	p1 =	sne.s32 @!p0 s8, $0x4E0;
	s9 =	simm.s32 @!p0 $0x18000;
	[tilespmem:$0x1C0F0] =	vst @!p0 v1  }
0x8c: {  	[tilespmem:s9], [sflag:$0x2] =	stream.indirect.gather @!p0 [hbm4b:s4+s14], $0x80, s12, s14, $0xb8;
	[tilespmem:$0x1CB00] =	vst v63  }
0x8d: {  	p0 =	por p0, !p1  }
.Ltmp0:
0x8e: {  	_ = 	snop;
	(pc) =	sbr.rel @!p0 .LBB2_2-.Ltmp0, $1  }
0x8f: {  	_ =	sdelay $0x3  }
0x90: {  	_ =	swait.ge [sflag:s29], $0x4000  }
0x91: {  	[sflag:s29] =	ssyncset.done $0x0  }
0x92: {  	[sflag:s29] =	ssyncadd.s32 $0xFFFFC000  }
0x93: {  	_ =	swait.ge [sflag:s30], $0x4000  }
0x94: {  	[sflag:s30] =	ssyncset.done $0x0  }
0x95: {  	s8 =	rddreg [dreg:$0x8];
	[sflag:s30] =	ssyncadd.s32 $0xFFFFC000  }
0x96: {  	[tilespmem:s31], [sflag:$0x5] =	stream.linear.gather [hbm4b:s8+s3], $0x10, $0x38;
	[tilespmem:$0x1CB00] =	vst v63  }
0x97: {  	_ =	swait.ge [sflag:s18], $0x10  }
0x98: {  	[sflag:s18] =	ssyncset.done $0x0  }
0x99: {  	s13 =	rddreg [dreg:$0x9];
	[sflag:s18] =	ssyncadd.s32 $0xFFFFFFF0  }
0x9a: {  	[tilespmem:s0], [sflag:$0x5] =	stream.linear.gather [hbm4b:s13+s3], $0x10, $0x38;
	[tilespmem:$0x1CB00] =	vst v63  }
0x9b: {  	_ =	swait.ge [sflag:s18], $0x10  }
0x9c: {  	[sflag:s18] =	ssyncset.done $0x0  }
0x9d: {  	[sflag:s18] =	ssyncadd.s32 $0xFFFFFFF0  }
0x9e: {  	v1 =	vld [tilespmem:$0x1CA00];
	_ =	sdelay $0x4  }
0x9f: {  	v1 =	vadd.s32 v0, v1  }
0xa0: {  	[tilespmem:$0x1CA00] =	vst v1  }
0xa1: {  	[tilespmem:s5], [sflag:$0x1] =	stream.indirect.gather [hbm4b:s4+s2], $0x80, s31, s2, $0xb8;
	[tilespmem:$0x1CB00] =	vst v63  }
0xa2: {  	_ =	swait.ge [sflag:s26], $0x800  }
0xa3: {  	[sflag:s26] =	ssyncset.done $0x0  }
0xa4: {  	[sflag:s26] =	ssyncadd.s32 $0xFFFFF800  }
0xa5: {  	[spmem:s1] =	stream.indirect.scatter.add.f32 [tilespmem:s5], [sflag:$0x5], $0x80, s0, s2, $0xb8;
	[tilespmem:$0x1CB00] =	vst v63  }
0xa6: {  	_ =	swait.ge [sflag:s18], $0x800  }
0xa7: {  	[sflag:s18] =	ssyncset.done $0x0  }
0xa8: {  	[sflag:s18] =	ssyncadd.s32 $0xFFFFF800  }
0xa9: {  	[bflag:$0x0] =	sbarrier.arrive $0xFFFF  }
0xaa: {  	s14 =	rddreg [dreg:$0xa]  }
0xab: {  	[hbm:s14], [sflag:s6] =	dma.local [spmem:s17], $0x2800  }
0xac: {  	_ =	swait.ge [sflag:s18], $0x2800  }
0xad: {  	s7 =	sadd.s32 $0x1, s7;
	s19 =	rddreg [dreg:$0xb]  }
0xae: {  	p0 =	sne.s32 s7, s19  }
.Ltmp1:
0xaf: {  	_ = 	snop;
	(pc) =	sbr.rel @p0 .LBB2_1-.Ltmp1, $3  }
0xb0: {  	_ =	sdelay $0x1  }
0xb1: {  	[sflag:s18] =	ssyncset.done $0x0  }
0xb2: {  	[sflag:s18] =	ssyncadd.s32 $0xFFFFD800  }
0xb3: {  	_ =	sfence.sel $0x180000  }
0xb4: {  	[bflag:$0x0] =	sbarrier.arrive $0xFFFF  }
0xb5: {  	_ =	strace $0x9000004A  }
0xb6: {  	s0 =	stileid.u32;
	[bflag:$0x2] =	sbarrier.arrive $0xFFFF  }
0xb7: {  	p0 =	sne.s32 s0, $0x0;
	s0 =	rddreg [dreg:$0x2]  }
0xb8: {  	s0 =	sadd.s32 @!p0 $0x100000, s0  }
0xb9: {  	[sflag:s0] =	ssyncadd.tile.s32 @!p0 $0x1;
	_ =	shalt  }
.Lfunc_end2:
_tile_overlayer_lowered:
.L_overlay_start_2:
0xba: {  	(tag) =	ssettag $0x2  }
0xbb: {  	s0 =	rddreg [dreg:$0x0];
	s2 =	stileid.u32  }
0xbc: {  	s1 =	rddreg [dreg:$0x1];
	p0 =	sne.s32 s2, $0x0  }
0xbd: {  	s3 =	rddreg [dreg:$0x2];
	[bflag:$0x3] =	sbarrier.arrive $0xFFFF;
	s2 =	simm.s32 @!p0 $0x1C05  }
0xbe: {  	[timem:s3], [sflag:s2] =	dma.local @!p0 [hbm:s0], s1  }
0xbf: {  	s0 =	simm.s32 @!p0 $0x5  }
0xc0: {  	_ =	swait.ge @!p0 [sflag:s0], s1  }
0xc1: {  	s1 =	ssub.s32 @!p0 $0x0, s1;
	[sflag:s0] =	ssyncset.done @!p0 $0x0  }
0xc2: {  	[sflag:s0] =	ssyncadd.s32 @!p0 s1  }
0xc3: {  	[bflag:$0x3] =	sbarrier.arrive $0xFFFF  }
0xc4: {  	_ =	shalt  }

// kernel: kernel.15.cloned.1.call-start
scs
__scs_entry_jumppad:
0x0: {  	(pc) =	sbr.rel $0x88, $3  }
0x1: {  	(tag) =	ssettag $0x0;
	lr =	simm.s32 $0x1  }
0x2: {  	[smem:$0x3F9B] =	sst lr;
	_ =	strace $0xD0000000  }
0x3: {  	_ = 	snop  }
0x4: {  	_ = 	snop  }
0x5: {  	_ = 	snop  }
0x6: {  	_ = 	snop  }
0x7: {  	_ = 	snop  }
__scs_overlays_trampoline_lowered:
0x8: {  	[smem:$0x3FAA] =	sst s0  }
0x9: {  	[smem:$0x3FAB] =	sst s1  }
0xa: {  	[smem:$0x3FAC] =	sst s2  }
0xb: {  	[smem:$0x3FAD] =	sst s3  }
0xc: {  	[smem:$0x3FAE] =	sst s4  }
0xd: {  	[smem:$0x3FAF] =	sst s5  }
0xe: {  	[smem:$0x3FB0] =	sst s6  }
0xf: {  	[smem:$0x3FB1] =	sst s7  }
0x10: {  	[smem:$0x3FB2] =	sst s8  }
0x11: {  	[smem:$0x3FB3] =	sst s9;
	s0 =	simm.s32 @!p0 $0x0  }
0x12: {  	s1 =	sld [smem:$0x3F99];
	s0 =	simm.s32 @p0 $0x1  }
0x13: {  	[smem:$0x3FB4] =	sst s0;
	s0 =	simm.s32 @!p1 $0x0  }
0x14: {  	s2 =	sld [smem:$0x3F98];
	s0 =	simm.s32 @p1 $0x1  }
0x15: {  	[smem:$0x3FB5] =	sst s0;
	s0 =	simm.s32 @!p2 $0x0  }
0x16: {  	s3 =	sld [smem:$0x3FDB];
	s0 =	simm.s32 @p2 $0x1  }
0x17: {  	s4 =	simm.s32 $0x1BF5;
	[smem:$0x3FB7] =	sst s0  }
0x18: {  	s0 =	sld [smem:$0x3F9A];
	_ =	swait.ge [sflag:s4], $0x0  }
0x19: {  	s7 =	sld [smem:$0x3F9B]  }
0x1a: {  	s8 =	sadd.s32 $0xFFFFE003, lr  }
0x1b: {  	s9 =	sadd.s32 $0xFFFFFEF7, lr;
	s5 =	simm.s32 $0xFFFFFFFF;
	p2 =	slt.u32 s8, $0xFFFFF086  }
0x1c: {  	p1 =	slt.u32 s9, $0xF7A;
	s5 =	simm.s32 @!p2 $0x0  }
0x1d: {  	s5 =	simm.s32 @p1 $0x1;
	p0 =	seq.s32 s7, s2  }
0x1e: {  	s7 =	smul.u32 @!p0 $0xF7A, s2;
	p2 =	seq.s32 @!p0 s5, $0x0  }
0x1f: {  	s9 =	smul.u32 $0xF7A, s1;
	s8 =	simm.s32 @!p0 $0x1BF5;
	p2 =	por !p2, p0  }
0x20: {  	[sflag:s8] =	ssyncset.s32 @!p0 $0xFFFFF086;
	s6 =	sadd.s32 @!p0 s3, s7;
	s7 =	simm.s32 @!p0 $0x108  }
0x21: {  	s3 =	sadd.s32 s3, s9;
	s6 =	sadd.s32 @!p0 $0x88, s6;
	s7 =	simm.s32 @p2 $0x1082  }
0x22: {  	[simem:s7], [sflag:s8] =	dma.local @!p0 [hbm:s6], $0xF7A  }
0x23: {  	s9 =	sor.u32 $0xD0000000, s2;
	s6 =	simm.s32 $0x108;
	_ =	swait.ge @!p0 [sflag:s8], $0x0  }
0x24: {  	s3 =	sadd.s32 $0x88, s3;
	s6 =	simm.s32 @!p1 $0x1082;
	[sflag:s4] =	ssyncset.s32 $0xFFFFF086  }
0x25: {  	[simem:s6], [sflag:s4] =	dma.local [hbm:s3], $0xF7A  }
0x26: {  	[smem:$0x3F9B] =	sst s1;
	(tag) =	ssettag s2;
	_ =	strace s9  }
0x27: {  	s1 =	sld [smem:$0x3FAB]  }
0x28: {  	s2 =	sld [smem:$0x3FAC]  }
0x29: {  	s4 =	sld [smem:$0x3FAE]  }
0x2a: {  	p0 =	seq.s32 s5, $0x0;
	s5 =	sld [smem:$0x3FAF]  }
0x2b: {  	s6 =	sld [smem:$0x3FB0]  }
0x2c: {  	s7 =	sld [smem:$0x3FB1]  }
0x2d: {  	s3 =	simm.s32 $0x108;
	s8 =	sld [smem:$0x3FB2]  }
0x2e: {  	s3 =	simm.s32 @!p0 $0x1082;
	s9 =	sld [smem:$0x3FB3]  }
0x2f: {  	lr =	sadd.s32 s0, s3;
	s0 =	sld [smem:$0x3FAA]  }
0x30: {  	s3 =	sld [smem:$0x3FAD]  }
0x31: {  	[smem:$0x3FB6] =	sst s10  }
0x32: {  	s10 =	sld [smem:$0x3FB4];
	_ =	sdelay $0x3  }
0x33: {  	p0 =	seq.s32 s10, $0x1;
	s10 =	sld [smem:$0x3FB6];
	_ =	sdelay $0x3  }
0x34: {  	[smem:$0x3FB6] =	sst s10  }
0x35: {  	s10 =	sld [smem:$0x3FB5];
	_ =	sdelay $0x3  }
0x36: {  	p1 =	seq.s32 s10, $0x1;
	s10 =	sld [smem:$0x3FB6];
	_ =	sdelay $0x3  }
0x37: {  	[smem:$0x3FB6] =	sst s10  }
0x38: {  	s10 =	sld [smem:$0x3FB7]  }
0x39: {  	_ = 	snop;
	(pc) =	sbr.ind lr, $3  }
0x3a: {  	_ = 	snop  }
0x3b: {  	_ = 	snop  }
0x3c: {  	p2 =	seq.s32 s10, $0x1;
	s10 =	sld [smem:$0x3FB6]  }
0x3d: {  	_ =	shalt  }
0x3e: {  	_ =	shalt  }
0x3f: {  	_ =	shalt  }
0x40: {  	_ =	shalt  }
0x41: {  	_ =	shalt  }
0x42: {  	_ =	shalt  }
0x43: {  	_ =	shalt  }
0x44: {  	_ =	shalt  }
0x45: {  	_ =	shalt  }
0x46: {  	_ =	shalt  }
0x47: {  	_ =	shalt  }
0x48: {  	_ =	shalt  }
0x49: {  	_ =	shalt  }
0x4a: {  	_ =	shalt  }
0x4b: {  	_ =	shalt  }
0x4c: {  	_ =	shalt  }
0x4d: {  	_ =	shalt  }
0x4e: {  	_ =	shalt  }
0x4f: {  	_ =	shalt  }
0x50: {  	_ =	shalt  }
0x51: {  	_ =	shalt  }
0x52: {  	_ =	shalt  }
0x53: {  	_ =	shalt  }
0x54: {  	_ =	shalt  }
0x55: {  	_ =	shalt  }
0x56: {  	_ =	shalt  }
0x57: {  	_ =	shalt  }
0x58: {  	_ =	shalt  }
0x59: {  	_ =	shalt  }
0x5a: {  	_ =	shalt  }
0x5b: {  	_ =	shalt  }
0x5c: {  	_ =	shalt  }
0x5d: {  	_ =	shalt  }
0x5e: {  	_ =	shalt  }
0x5f: {  	_ =	shalt  }
0x60: {  	_ =	shalt  }
0x61: {  	_ =	shalt  }
0x62: {  	_ =	shalt  }
0x63: {  	_ =	shalt  }
0x64: {  	_ =	shalt  }
0x65: {  	_ =	shalt  }
0x66: {  	_ =	shalt  }
0x67: {  	_ =	shalt  }
0x68: {  	_ =	shalt  }
0x69: {  	_ =	shalt  }
0x6a: {  	_ =	shalt  }
0x6b: {  	_ =	shalt  }
0x6c: {  	_ =	shalt  }
0x6d: {  	_ =	shalt  }
0x6e: {  	_ =	shalt  }
0x6f: {  	_ =	shalt  }
0x70: {  	_ =	shalt  }
0x71: {  	_ =	shalt  }
0x72: {  	_ =	shalt  }
0x73: {  	_ =	shalt  }
0x74: {  	_ =	shalt  }
0x75: {  	_ =	shalt  }
0x76: {  	_ =	shalt  }
0x77: {  	_ =	shalt  }
0x78: {  	_ =	shalt  }
0x79: {  	_ =	shalt  }
0x7a: {  	_ =	shalt  }
0x7b: {  	_ =	shalt  }
0x7c: {  	_ =	shalt  }
0x7d: {  	_ =	shalt  }
0x7e: {  	_ =	shalt  }
0x7f: {  	_ =	shalt  }
0x80: {  	_ =	shalt  }
0x81: {  	_ =	shalt  }
0x82: {  	_ =	shalt  }
0x83: {  	_ =	shalt  }
0x84: {  	_ =	shalt  }
0x85: {  	_ =	shalt  }
0x86: {  	_ =	shalt  }
0x87: {  	_ =	shalt  }
.Lfunc_end0:
.L_simem_size_0:
called_computation.2_lowered:
.L_overlay_start_0:
0x88: {  	s2 =	sld [smem:$0x3FD9]  }
0x89: {  	s3 =	sld [smem:$0x3FFE];
	_ =	sdelay $0x1  }
0x8a: {  	s1 =	srdreg.scid  }
0x8b: {  	s0 =	sand.u32 $0x1, s1  }
0x8c: {  	s16 =	sshll.u32 s0, $0xA;
	s2 =	sadd.s32 s3, s2  }
0x8d: {  	s2 =	sadd.s32 s2, s16  }
0x8e: {  	[smem:$0x3FC2] =	sst s2  }
0x8f: {  	_ = 	snop  }
0x90: {  	(tm) =	ssettm $0x1  }
0x91: {  	s17 =	sld [smem:$0x3FFB];
	_ =	sdelay $0x3  }
0x92: {  	_ =	strace s17  }
0x93: {  	s2 =	sld [smem:$0x3FFC];
	_ =	sdelay $0x3  }
0x94: {  	_ =	strace s2  }
0x95: {  	s2 =	sld [smem:$0x3FFD];
	_ =	sdelay $0x3  }
0x96: {  	_ =	strace s2  }
0x97: {  	_ =	strace $0x8FFFFFFF  }
0x98: {  	s18 =	sld [smem:$0x3FDB];
	_ =	sdelay $0x1  }
0x99: {  	s19 =	simm.s32 $_scs_section_size  }
0x9a: {  	s4 =	simm.s32 $_size__tile_overlayer_lowered;
	s5 =	simm.s32 $_tile_overlayer_lowered  }
0x9b: {  	s22 =	simm.s32 $0x1BFF;
	s21 =	sshll.u32 s5, $0x1;
	s2 =	sadd.s32 s19, s18  }
0x9c: {  	s6 =	simm.s32 $0x0;
	s20 =	sshll.u32 s4, $0x1;
	s4 =	sadd.s32 s21, s2  }
0x9d: {  	[timem:s6], [sflag:s22] =	dma.local [hbm:s4], s20  }
0x9e: {  	_ =	swait.ge [sflag:s22], s20  }
0x9f: {  	s3 =	ssub.s32 $0x0, s20;
	[sflag:s22] =	ssyncset.done $0x0  }
0xa0: {  	[sflag:s22] =	ssyncadd.s32 s3;
	_ =	sdelay $0x1  }
0xa1: {  	s23 =	simm.s32 $0x1B8B  }
0xa2: {  	_ =	swait.ge [sflag:s23], $0x1  }
0xa3: {  	[sflag:s23] =	ssyncset.done $0x0  }
0xa4: {  	s25 =	simm.s32 $0x1B8E;
	s24 =	sld [smem:$0x3FFE];
	[sflag:s23] =	ssyncadd.s32 $0xFFFFFFFF  }
0xa5: {  	s26 =	simm.s32 $execute0_lowered;
	[smem:$0x3FD2] =	sst s25  }
0xa6: {  	s4 =	sshll.u32 s26, $0x1;
	_ =	strace $0x8000004C;
	[dreg:$0x1] =	wrdreg $0xFFFFFFFF  }
0xa7: {  	s28 =	simm.s32 $_size_execute0_lowered;
	s2 =	sadd.s32 s2, s4;
	[dreg:$0x0] =	wrdreg $0x0  }
0xa8: {  	s4 =	sshll.u32 s28, $0x1;
	[dreg:$0x2] =	wrdreg s2  }
0xa9: {  	[dreg:$0x3] =	wrdreg s4  }
0xaa: {  	[dreg:$0x4] =	wrdreg $0xC0  }
0xab: {  	_ =	task [dreg:s6], $0x5FFFF  }
0xac: {  	[dreg:$0x1] =	wrdreg $0xFFFFFFFF  }
0xad: {  	[dreg:$0x0] =	wrdreg $0x60  }
0xae: {  	[dreg:$0x2] =	wrdreg s24  }
0xaf: {  	[dreg:$0x3] =	wrdreg $0x0  }
0xb0: {  	[dreg:$0x4] =	wrdreg $0x9  }
0xb1: {  	_ =	task.clear_ibuf [dreg:s6], $0x5FFFF;
	_ =	strace $0x9000004C  }
0xb2: {  	s29 =	simm.s32 $0x9;
	_ =	strace $0x8000004E  }
0xb3: {  	_ =	swait.ge [sflag:s29], $0x1  }
0xb4: {  	[sflag:s29] =	ssyncadd.s32 $0xFFFFFFFF  }
0xb5: {  	_ =	strace $0x9000004E  }
0xb6: {  	_ =	sfence  }
0xb7: {  	s30 =	sld [smem:$0x0];
	_ =	sdelay $0x2  }
0xb8: {  	s31 =	sshll.u32 s1, $0xD;
	s1 =	sshrl.u32 s1, $0x2  }
0xb9: {  	s3 =	sand.u32 $0x4000, s31;
	s1 =	sadd.s32 s1, s30  }
0xba: {  	s0 =	sor.u32 s3, s0;
	s1 =	sshll.u32 s1, $0x11  }
0xbb: {  	s0 =	sor.u32 s1, s0  }
0xbc: {  	s0 =	sadd.s32 $0x8F2B, s0  }
0xbd: {  	[sflag:s0] =	ssyncadd.remote.s32 $0x1  }
0xbe: {  	_ =	sfence.sel $0xFFFF  }
0xbf: {  	[dreg:$0x0] =	wrdreg $0xFFFFFFFF;
	(pc) =	sbr.abs _section_cstart, $3  }
0xc0: {  	[dreg:$0x1] =	wrdreg $0xFFFFFFFF  }
0xc1: {  	_ =	task.clear_ibuf [dreg:s6], $0x2FFFF;
	_ =	strace $0x9FFFFFFF  }
0xc2: {  	(tm) =	ssettm $0x7FFFFFFF  }
0xc3: {  	_ =	shalt  }
tec
execute0_lowered:
.L_overlay_start_1:
0x0: {  	(tag) =	ssettag $0x1  }
0x1: {  	s0 =	rddreg [dreg:$0x0]  }
0x2: {  	s1 =	rddreg [dreg:$0x1];
	s3 =	simm.s32 $0x0;
	s2 =	srdreg.scid  }
0x3: {  	s13 =	stileid.u32;
	s28 =	simm.s32 $0x2;
	s29 =	simm.s32 $0x3  }
0x4: {  	s30 =	simm.s32 $0x4;
	s31 =	simm.s32 $0x1CA00;
	s6 =	smul.u32 $0x14000, s13  }
0x5: {  	[smem:$0x7FF] =	sst s3;
	s2 =	sand.u32 $0x1, s2;
	s14 =	smul.u32 $0x50000, s13  }
0x6: {  	s7 =	sadd.s32 $0x7E00, s0;
	s8 =	sadd.s32 $0x2E00, s0;
	s11 =	smul.u32 $0x2710, s13  }
0x7: {  	s4 =	sadd.s32 $0xF600, s0;
	s9 =	sadd.s32 $0xCE00, s0;
	s16 =	smul.u32 $0x4E2, s13  }
0x8: {  	s18 =	sshll.u32 s13, $0x6;
	s5 =	smul.u32 $0x140000, s2;
	_ =	strace $0x8000004D  }
0x9: {  	[dreg:$0x3] =	wrdreg s9;
	s12 =	ssub.s32 $0x2, s2;
	s2 =	smul.u32 $0x2800, s2  }
0xa: {  	s10 =	sshrl.u32 s12, $0x1;
	s17 =	sshrl.u32 s14, $0x2;
	s11 =	sshrl.u32 s11, $0x3  }
0xb: {  	s5 =	sadd.s32 s6, s5;
	s15 =	ssub.s32 s12, s10;
	s17 =	sadd.s32 s17, s1  }
0xc: {  	s6 =	sor.u32 $0x1C05, s18;
	s19 =	sadd.s32 $0x10, s11;
	s20 =	sadd.s32 s7, s11  }
0xd: {  	s21 =	sadd.s32 s8, s11;
	s12 =	sadd.s32 $0x4E0, s11;
	s18 =	simm.s32 $0x5  }
0xe: {  	v0 =	vmov s2;
	s2 =	simm.s32 $0x10;
	s5 =	sshrl.u32 s5, $0x3;
	[dreg:$0x4] =	wrdreg s20  }
0xf: {  	[dreg:$0x5] =	wrdreg s21;
	s22 =	sadd.s32 s7, s19;
	s23 =	sadd.s32 s8, s19  }
0x10: {  	s24 =	sadd.s32 s7, s12;
	s25 =	sadd.s32 s8, s12;
	[dreg:$0x6] =	wrdreg s22  }
0x11: {  	s26 =	smax.u32 s15, $0x1;
	s15 =	sadd.s32 s16, s8;
	[dreg:$0x7] =	wrdreg s23  }
0x12: {  	s16 =	sadd.s32 s16, s7;
	s17 =	sshrl.u32 s17, $0x3;
	[dreg:$0x8] =	wrdreg s24  }
0x13: {  	s20 =	simm.s32 $0x1C100;
	s21 =	simm.s32 $0x80;
	[dreg:$0x9] =	wrdreg s25  }
0x14: {  	s7 =	simm.s32 $0x0;
	s0 =	sadd.s32 s5, s0;
	[dreg:$0xb] =	wrdreg s26  }
0x15: {  	s22 =	simm.s32 $0x14000;
	s23 =	simm.s32 $0x1C080;
	s24 =	simm.s32 $0x1C180  }
0x16: {  	s25 =	simm.s32 $0x18000;
	s26 =	simm.s32 $0x1;
	s0 =	sadd.s32 $0xAF600, s0  }
0x17: {  	s5 =	simm.s32 $0x1C200;
	[dreg:$0xa] =	wrdreg s0;
	s0 =	simm.s32 $0x1CA80  }
.LBB2_1:
0x18: {  	s8 =	rddreg [dreg:$0x3]  }
0x19: {  	[spmem:s17], [sflag:s6] =	dma.local [hbm:s8], $0x2800  }
0x1a: {  	_ =	swait.ge [sflag:s18], $0x2800  }
0x1b: {  	[sflag:s18] =	ssyncset.done $0x0  }
0x1c: {  	[sflag:s18] =	ssyncadd.s32 $0xFFFFD800  }
0x1d: {  	[bflag:$0x0] =	sbarrier.arrive $0xFFFF  }
0x1e: {  	s9 =	simm.s32 $0x1C000;
	s12 =	rddreg [dreg:$0x4]  }
0x1f: {  	[tilespmem:s9], [sflag:$0x5] =	stream.linear.gather [hbm4b:s12+s3], $0x80, $0x38;
	[tilespmem:$0x1CB00] =	vst v63  }
0x20: {  	_ =	swait.ge [sflag:s18], $0x80  }
0x21: {  	[sflag:s18] =	ssyncset.done $0x0  }
0x22: {  	s13 =	rddreg [dreg:$0x5];
	[sflag:s18] =	ssyncadd.s32 $0xFFFFFF80  }
0x23: {  	[tilespmem:s20], [sflag:$0x5] =	stream.linear.gather [hbm4b:s13+s3], $0x80, $0x38;
	[tilespmem:$0x1CB00] =	vst v63  }
0x24: {  	_ =	swait.ge [sflag:s18], $0x80  }
0x25: {  	[sflag:s18] =	ssyncset.done $0x0  }
0x26: {  	[sflag:s18] =	ssyncadd.s32 $0xFFFFFF80  }
0x27: {  	v1 =	vld [tilespmem:$0x1C000]  }
0x28: {  	v2 =	vld [tilespmem:$0x1C010]  }
0x29: {  	v3 =	vld [tilespmem:$0x1C020]  }
0x2a: {  	v4 =	vld [tilespmem:$0x1C030]  }
0x2b: {  	v5 =	vld [tilespmem:$0x1C040]  }
0x2c: {  	v6 =	vld [tilespmem:$0x1C050];
	v1 =	vadd.s32 v0, v1  }
0x2d: {  	[tilespmem:$0x1C000] =	vst v1;
	v1 =	vadd.s32 v0, v2;
	v2 =	vld [tilespmem:$0x1C060]  }
0x2e: {  	[tilespmem:$0x1C010] =	vst v1;
	v1 =	vadd.s32 v0, v3;
	v3 =	vld [tilespmem:$0x1C070]  }
0x2f: {  	[tilespmem:$0x1C020] =	vst v1;
	v1 =	vadd.s32 v0, v4  }
0x30: {  	[tilespmem:$0x1C030] =	vst v1;
	v1 =	vadd.s32 v0, v5  }
0x31: {  	[tilespmem:$0x1C040] =	vst v1;
	v1 =	vadd.s32 v0, v6  }
0x32: {  	[tilespmem:$0x1C050] =	vst v1;
	v1 =	vadd.s32 v0, v2  }
0x33: {  	[tilespmem:$0x1C060] =	vst v1;
	v1 =	vadd.s32 v0, v3  }
0x34: {  	[tilespmem:$0x1C070] =	vst v1  }
0x35: {  	[tilespmem:s22], [sflag:$0x1] =	stream.indirect.gather [hbm4b:s4+s21], $0x80, s9, s21, $0xb8;
	[tilespmem:$0x1CB00] =	vst v63  }
0x36: {  	s14 =	rddreg [dreg:$0x6]  }
0x37: {  	[tilespmem:s23], [sflag:$0x5] =	stream.linear.gather [hbm4b:s14+s3], $0x80, $0x38;
	[tilespmem:$0x1CB00] =	vst v63  }
0x38: {  	_ =	swait.ge [sflag:s18], $0x80  }
0x39: {  	[sflag:s18] =	ssyncset.done $0x0  }
0x3a: {  	s19 =	rddreg [dreg:$0x7];
	[sflag:s18] =	ssyncadd.s32 $0xFFFFFF80  }
0x3b: {  	[tilespmem:s24], [sflag:$0x5] =	stream.linear.gather [hbm4b:s19+s3], $0x80, $0x38;
	[tilespmem:$0x1CB00] =	vst v63  }
0x3c: {  	_ =	swait.ge [sflag:s18], $0x80  }
0x3d: {  	[sflag:s18] =	ssyncset.done $0x0  }
0x3e: {  	[sflag:s18] =	ssyncadd.s32 $0xFFFFFF80  }
0x3f: {  	v1 =	vld [tilespmem:$0x1C080]  }
0x40: {  	v2 =	vld [tilespmem:$0x1C090]  }
0x41: {  	v3 =	vld [tilespmem:$0x1C0A0]  }
0x42: {  	v61 =	vld [tilespmem:$0x1C0B0]  }
0x43: {  	v62 =	vld [tilespmem:$0x1C0C0]  }
0x44: {  	v63 =	vld [tilespmem:$0x1C0D0];
	v1 =	vadd.s32 v0, v1  }
0x45: {  	[tilespmem:$0x1C080] =	vst v1;
	v1 =	vadd.s32 v0, v2;
	v2 =	vld [tilespmem:$0x1C0E0]  }
0x46: {  	[tilespmem:$0x1C090] =	vst v1;
	v1 =	vadd.s32 v0, v3;
	v3 =	vld [tilespmem:$0x1C0F0]  }
0x47: {  	[tilespmem:$0x1C0A0] =	vst v1;
	v1 =	vadd.s32 v0, v61  }
0x48: {  	[tilespmem:$0x1C0B0] =	vst v1;
	v1 =	vadd.s32 v0, v62  }
0x49: {  	[tilespmem:$0x1C0C0] =	vst v1;
	v1 =	vadd.s32 v0, v63  }
0x4a: {  	[tilespmem:$0x1C0D0] =	vst v1;
	v1 =	vadd.s32 v0, v2  }
0x4b: {  	[tilespmem:$0x1C0E0] =	vst v1;
	v1 =	vadd.s32 v0, v3  }
0x4c: {  	s8 =	simm.s32 $0x0;
	[tilespmem:$0x1C0F0] =	vst v1  }
0x4d: {  	[tilespmem:s25], [sflag:$0x2] =	stream.indirect.gather [hbm4b:s4+s21], $0x80, s23, s21, $0xb8;
	[tilespmem:$0x1CB00] =	vst v63  }
.LBB2_2:
0x4e: {  	_ =	swait.ge [sflag:s26], $0x4000  }
0x4f: {  	[sflag:s26] =	ssyncset.done $0x0  }
0x50: {  	[sflag:s26] =	ssyncadd.s32 $0xFFFFC000  }
0x51: {  	[spmem:s1] =	stream.indirect.scatter.add.f32 [tilespmem:s22], [sflag:$0x3], $0x80, s20, s21, $0xb8;
	[tilespmem:$0x1CB00] =	vst v63  }
0x52: {  	_ =	swait.ge [sflag:s28], $0x4000  }
0x53: {  	p0 =	seq.s32 s8, $0x4C0;
	[sflag:s28] =	ssyncset.done $0x0  }
0x54: {  	s9 =	simm.s32 @!p0 $0x3;
	[sflag:s28] =	ssyncadd.s32 $0xFFFFC000  }
0x55: {  	[spmem:s1] =	stream.indirect.scatter.add.f32 [tilespmem:s25], [sflag:$0x4], $0x80, s24, s21, $0xb8;
	[tilespmem:$0x1CB00] =	vst v63  }
0x56: {  	_ =	swait.ge @!p0 [sflag:s9], $0x4000  }
0x57: {  	[sflag:s9] =	ssyncset.done @!p0 $0x0  }
0x58: {  	[sflag:s9] =	ssyncadd.s32 @!p0 $0xFFFFC000;
	s9 =	sadd.s32 @!p0 s8, s16  }
0x59: {  	s11 =	simm.s32 @!p0 $0x0;
	s12 =	simm.s32 @!p0 $0x1C000;
	s10 =	sadd.s32 @!p0 $0x20, s9  }
0x5a: {  	[tilespmem:s12], [sflag:$0x5] =	stream.linear.gather @!p0 [hbm4b:s10+s11], $0x80, $0x38;
	[tilespmem:$0x1CB00] =	vst v63  }
0x5b: {  	s10 =	simm.s32 @!p0 $0x5  }
0x5c: {  	_ =	swait.ge @!p0 [sflag:s10], $0x80  }
0x5d: {  	s13 =	sadd.s32 @!p0 s8, s15;
	[sflag:s10] =	ssyncset.done @!p0 $0x0  }
0x5e: {  	s19 =	simm.s32 @!p0 $0x1C100;
	s14 =	sadd.s32 @!p0 $0x20, s13;
	[sflag:s10] =	ssyncadd.s32 @!p0 $0xFFFFFF80  }
0x5f: {  	[tilespmem:s19], [sflag:$0x5] =	stream.linear.gather @!p0 [hbm4b:s14+s11], $0x80, $0x38;
	[tilespmem:$0x1CB00] =	vst v63  }
0x60: {  	_ =	swait.ge @!p0 [sflag:s10], $0x80  }
0x61: {  	[sflag:s10] =	ssyncset.done @!p0 $0x0  }
0x62: {  	[sflag:s10] =	ssyncadd.s32 @!p0 $0xFFFFFF80  }
0x63: {  	v1 =	vld @!p0 [tilespmem:$0x1C000]  }
0x64: {  	v2 =	vld @!p0 [tilespmem:$0x1C010]  }
0x65: {  	v3 =	vld @!p0 [tilespmem:$0x1C020]  }
0x66: {  	v4 =	vld @!p0 [tilespmem:$0x1C030]  }
0x67: {  	v5 =	vld @!p0 [tilespmem:$0x1C040]  }
0x68: {  	v6 =	vld @!p0 [tilespmem:$0x1C050];
	v1 =	vadd.s32 @!p0 v0, v1  }
0x69: {  	[tilespmem:$0x1C000] =	vst @!p0 v1;
	v1 =	vadd.s32 @!p0 v0, v2;
	v2 =	vld @!p0 [tilespmem:$0x1C060]  }
0x6a: {  	[tilespmem:$0x1C010] =	vst @!p0 v1;
	v1 =	vadd.s32 @!p0 v0, v3;
	v3 =	vld @!p0 [tilespmem:$0x1C070]  }
0x6b: {  	[tilespmem:$0x1C020] =	vst @!p0 v1;
	v1 =	vadd.s32 @!p0 v0, v4  }
0x6c: {  	[tilespmem:$0x1C030] =	vst @!p0 v1;
	v1 =	vadd.s32 @!p0 v0, v5  }
0x6d: {  	[tilespmem:$0x1C040] =	vst @!p0 v1;
	v1 =	vadd.s32 @!p0 v0, v6  }
0x6e: {  	[tilespmem:$0x1C050] =	vst @!p0 v1;
	v1 =	vadd.s32 @!p0 v0, v2  }
0x6f: {  	[tilespmem:$0x1C060] =	vst @!p0 v1;
	v1 =	vadd.s32 @!p0 v0, v3  }
0x70: {  	s14 =	simm.s32 @!p0 $0x80;
	s19 =	simm.s32 @!p0 $0x14000;
	[tilespmem:$0x1C070] =	vst @!p0 v1  }
0x71: {  	[tilespmem:s19], [sflag:$0x1] =	stream.indirect.gather @!p0 [hbm4b:s4+s14], $0x80, s12, s14, $0xb8;
	[tilespmem:$0x1CB00] =	vst v63  }
0x72: {  	s12 =	simm.s32 @!p0 $0x4  }
0x73: {  	_ =	swait.ge @!p0 [sflag:s12], $0x4000  }
0x74: {  	[sflag:s12] =	ssyncset.done @!p0 $0x0  }
0x75: {  	s9 =	sadd.s32 @!p0 $0x30, s9;
	[sflag:s12] =	ssyncadd.s32 @!p0 $0xFFFFC000;
	s12 =	simm.s32 @!p0 $0x1C080  }
0x76: {  	[tilespmem:s12], [sflag:$0x5] =	stream.linear.gather @!p0 [hbm4b:s9+s11], $0x80, $0x38;
	[tilespmem:$0x1CB00] =	vst v63  }
0x77: {  	_ =	swait.ge @!p0 [sflag:s10], $0x80  }
0x78: {  	[sflag:s10] =	ssyncset.done @!p0 $0x0  }
0x79: {  	s9 =	sadd.s32 @!p0 $0x30, s13;
	s13 =	simm.s32 @!p0 $0x1C180;
	[sflag:s10] =	ssyncadd.s32 @!p0 $0xFFFFFF80  }
0x7a: {  	[tilespmem:s13], [sflag:$0x5] =	stream.linear.gather @!p0 [hbm4b:s9+s11], $0x80, $0x38;
	[tilespmem:$0x1CB00] =	vst v63  }
0x7b: {  	_ =	swait.ge @!p0 [sflag:s10], $0x80  }
0x7c: {  	[sflag:s10] =	ssyncset.done @!p0 $0x0  }
0x7d: {  	[sflag:s10] =	ssyncadd.s32 @!p0 $0xFFFFFF80  }
0x7e: {  	v1 =	vld @!p0 [tilespmem:$0x1C080]  }
0x7f: {  	v2 =	vld @!p0 [tilespmem:$0x1C090]  }
0x80: {  	v3 =	vld @!p0 [tilespmem:$0x1C0A0]  }
0x81: {  	v4 =	vld @!p0 [tilespmem:$0x1C0B0]  }
0x82: {  	v5 =	vld @!p0 [tilespmem:$0x1C0C0]  }
0x83: {  	v6 =	vld @!p0 [tilespmem:$0x1C0D0];
	v1 =	vadd.s32 @!p0 v0, v1  }
0x84: {  	[tilespmem:$0x1C080] =	vst @!p0 v1;
	v1 =	vadd.s32 @!p0 v0, v2;
	v2 =	vld @!p0 [tilespmem:$0x1C0E0]  }
0x85: {  	[tilespmem:$0x1C090] =	vst @!p0 v1;
	v1 =	vadd.s32 @!p0 v0, v3;
	v3 =	vld @!p0 [tilespmem:$0x1C0F0]  }
0x86: {  	[tilespmem:$0x1C0A0] =	vst @!p0 v1;
	v1 =	vadd.s32 @!p0 v0, v4  }
0x87: {  	[tilespmem:$0x1C0B0] =	vst @!p0 v1;
	v1 =	vadd.s32 @!p0 v0, v5  }
0x88: {  	[tilespmem:$0x1C0C0] =	vst @!p0 v1;
	v1 =	vadd.s32 @!p0 v0, v6  }
0x89: {  	[tilespmem:$0x1C0D0] =	vst @!p0 v1;
	v1 =	vadd.s32 @!p0 v0, v2  }
0x8a: {  	s8 =	sadd.s32 @!p0 $0x20, s8;
	[tilespmem:$0x1C0E0] =	vst @!p0 v1;
	v1 =	vadd.s32 @!p0 v0, v3  }
0x8b: {  	p1 =	sne.s32 @!p0 s8, $0x4E0;
	s9 =	simm.s32 @!p0 $0x18000;
	[tilespmem:$0x1C0F0] =	vst @!p0 v1  }
0x8c: {  	[tilespmem:s9], [sflag:$0x2] =	stream.indirect.gather @!p0 [hbm4b:s4+s14], $0x80, s12, s14, $0xb8;
	[tilespmem:$0x1CB00] =	vst v63  }
0x8d: {  	p0 =	por p0, !p1  }
.Ltmp0:
0x8e: {  	_ = 	snop;
	(pc) =	sbr.rel @!p0 .LBB2_2-.Ltmp0, $1  }
0x8f: {  	_ =	sdelay $0x3  }
0x90: {  	_ =	swait.ge [sflag:s29], $0x4000  }
0x91: {  	[sflag:s29] =	ssyncset.done $0x0  }
0x92: {  	[sflag:s29] =	ssyncadd.s32 $0xFFFFC000  }
0x93: {  	_ =	swait.ge [sflag:s30], $0x4000  }
0x94: {  	[sflag:s30] =	ssyncset.done $0x0  }
0x95: {  	s8 =	rddreg [dreg:$0x8];
	[sflag:s30] =	ssyncadd.s32 $0xFFFFC000  }
0x96: {  	[tilespmem:s31], [sflag:$0x5] =	stream.linear.gather [hbm4b:s8+s3], $0x10, $0x38;
	[tilespmem:$0x1CB00] =	vst v63  }
0x97: {  	_ =	swait.ge [sflag:s18], $0x10  }
0x98: {  	[sflag:s18] =	ssyncset.done $0x0  }
0x99: {  	s13 =	rddreg [dreg:$0x9];
	[sflag:s18] =	ssyncadd.s32 $0xFFFFFFF0  }
0x9a: {  	[tilespmem:s0], [sflag:$0x5] =	stream.linear.gather [hbm4b:s13+s3], $0x10, $0x38;
	[tilespmem:$0x1CB00] =	vst v63  }
0x9b: {  	_ =	swait.ge [sflag:s18], $0x10  }
0x9c: {  	[sflag:s18] =	ssyncset.done $0x0  }
0x9d: {  	[sflag:s18] =	ssyncadd.s32 $0xFFFFFFF0  }
0x9e: {  	v1 =	vld [tilespmem:$0x1CA00];
	_ =	sdelay $0x4  }
0x9f: {  	v1 =	vadd.s32 v0, v1  }
0xa0: {  	[tilespmem:$0x1CA00] =	vst v1  }
0xa1: {  	[tilespmem:s5], [sflag:$0x1] =	stream.indirect.gather [hbm4b:s4+s2], $0x80, s31, s2, $0xb8;
	[tilespmem:$0x1CB00] =	vst v63  }
0xa2: {  	_ =	swait.ge [sflag:s26], $0x800  }
0xa3: {  	[sflag:s26] =	ssyncset.done $0x0  }
0xa4: {  	[sflag:s26] =	ssyncadd.s32 $0xFFFFF800  }
0xa5: {  	[spmem:s1] =	stream.indirect.scatter.add.f32 [tilespmem:s5], [sflag:$0x5], $0x80, s0, s2, $0xb8;
	[tilespmem:$0x1CB00] =	vst v63  }
0xa6: {  	_ =	swait.ge [sflag:s18], $0x800  }
0xa7: {  	[sflag:s18] =	ssyncset.done $0x0  }
0xa8: {  	[sflag:s18] =	ssyncadd.s32 $0xFFFFF800  }
0xa9: {  	[bflag:$0x0] =	sbarrier.arrive $0xFFFF  }
0xaa: {  	s14 =	rddreg [dreg:$0xa]  }
0xab: {  	[hbm:s14], [sflag:s6] =	dma.local [spmem:s17], $0x2800  }
0xac: {  	_ =	swait.ge [sflag:s18], $0x2800  }
0xad: {  	s7 =	sadd.s32 $0x1, s7;
	s19 =	rddreg [dreg:$0xb]  }
0xae: {  	p0 =	sne.s32 s7, s19  }
.Ltmp1:
0xaf: {  	_ = 	snop;
	(pc) =	sbr.rel @p0 .LBB2_1-.Ltmp1, $3  }
0xb0: {  	_ =	sdelay $0x1  }
0xb1: {  	[sflag:s18] =	ssyncset.done $0x0  }
0xb2: {  	[sflag:s18] =	ssyncadd.s32 $0xFFFFD800  }
0xb3: {  	_ =	sfence.sel $0x180000  }
0xb4: {  	[bflag:$0x0] =	sbarrier.arrive $0xFFFF  }
0xb5: {  	_ =	strace $0x9000004D  }
0xb6: {  	s0 =	stileid.u32;
	[bflag:$0x2] =	sbarrier.arrive $0xFFFF  }
0xb7: {  	p0 =	sne.s32 s0, $0x0;
	s0 =	rddreg [dreg:$0x2]  }
0xb8: {  	s0 =	sadd.s32 @!p0 $0x100000, s0  }
0xb9: {  	[sflag:s0] =	ssyncadd.tile.s32 @!p0 $0x1;
	_ =	shalt  }
.Lfunc_end2:
_tile_overlayer_lowered:
.L_overlay_start_2:
0xba: {  	(tag) =	ssettag $0x2  }
0xbb: {  	s0 =	rddreg [dreg:$0x0];
	s2 =	stileid.u32  }
0xbc: {  	s1 =	rddreg [dreg:$0x1];
	p0 =	sne.s32 s2, $0x0  }
0xbd: {  	s3 =	rddreg [dreg:$0x2];
	[bflag:$0x3] =	sbarrier.arrive $0xFFFF;
	s2 =	simm.s32 @!p0 $0x1C05  }
0xbe: {  	[timem:s3], [sflag:s2] =	dma.local @!p0 [hbm:s0], s1  }
0xbf: {  	s0 =	simm.s32 @!p0 $0x5  }
0xc0: {  	_ =	swait.ge @!p0 [sflag:s0], s1  }
0xc1: {  	s1 =	ssub.s32 @!p0 $0x0, s1;
	[sflag:s0] =	ssyncset.done @!p0 $0x0  }
0xc2: {  	[sflag:s0] =	ssyncadd.s32 @!p0 s1  }
0xc3: {  	[bflag:$0x3] =	sbarrier.arrive $0xFFFF  }
0xc4: {  	_ =	shalt  }

// kernel: kernel.9.cloned.1.call-start
scs
__scs_entry_jumppad:
0x0: {  	(pc) =	sbr.rel $0x88, $3  }
0x1: {  	(tag) =	ssettag $0x0;
	lr =	simm.s32 $0x1  }
0x2: {  	[smem:$0x3F9B] =	sst lr;
	_ =	strace $0xD0000000  }
0x3: {  	_ = 	snop  }
0x4: {  	_ = 	snop  }
0x5: {  	_ = 	snop  }
0x6: {  	_ = 	snop  }
0x7: {  	_ = 	snop  }
__scs_overlays_trampoline_lowered:
0x8: {  	[smem:$0x3FAA] =	sst s0  }
0x9: {  	[smem:$0x3FAB] =	sst s1  }
0xa: {  	[smem:$0x3FAC] =	sst s2  }
0xb: {  	[smem:$0x3FAD] =	sst s3  }
0xc: {  	[smem:$0x3FAE] =	sst s4  }
0xd: {  	[smem:$0x3FAF] =	sst s5  }
0xe: {  	[smem:$0x3FB0] =	sst s6  }
0xf: {  	[smem:$0x3FB1] =	sst s7  }
0x10: {  	[smem:$0x3FB2] =	sst s8  }
0x11: {  	[smem:$0x3FB3] =	sst s9;
	s0 =	simm.s32 @!p0 $0x0  }
0x12: {  	s1 =	sld [smem:$0x3F99];
	s0 =	simm.s32 @p0 $0x1  }
0x13: {  	[smem:$0x3FB4] =	sst s0;
	s0 =	simm.s32 @!p1 $0x0  }
0x14: {  	s2 =	sld [smem:$0x3F98];
	s0 =	simm.s32 @p1 $0x1  }
0x15: {  	[smem:$0x3FB5] =	sst s0;
	s0 =	simm.s32 @!p2 $0x0  }
0x16: {  	s3 =	sld [smem:$0x3FDB];
	s0 =	simm.s32 @p2 $0x1  }
0x17: {  	s4 =	simm.s32 $0x1BF5;
	[smem:$0x3FB7] =	sst s0  }
0x18: {  	s0 =	sld [smem:$0x3F9A];
	_ =	swait.ge [sflag:s4], $0x0  }
0x19: {  	s7 =	sld [smem:$0x3F9B]  }
0x1a: {  	s8 =	sadd.s32 $0xFFFFE003, lr  }
0x1b: {  	s9 =	sadd.s32 $0xFFFFFEF7, lr;
	s5 =	simm.s32 $0xFFFFFFFF;
	p2 =	slt.u32 s8, $0xFFFFF086  }
0x1c: {  	p1 =	slt.u32 s9, $0xF7A;
	s5 =	simm.s32 @!p2 $0x0  }
0x1d: {  	s5 =	simm.s32 @p1 $0x1;
	p0 =	seq.s32 s7, s2  }
0x1e: {  	s7 =	smul.u32 @!p0 $0xF7A, s2;
	p2 =	seq.s32 @!p0 s5, $0x0  }
0x1f: {  	s9 =	smul.u32 $0xF7A, s1;
	s8 =	simm.s32 @!p0 $0x1BF5;
	p2 =	por !p2, p0  }
0x20: {  	[sflag:s8] =	ssyncset.s32 @!p0 $0xFFFFF086;
	s6 =	sadd.s32 @!p0 s3, s7;
	s7 =	simm.s32 @!p0 $0x108  }
0x21: {  	s3 =	sadd.s32 s3, s9;
	s6 =	sadd.s32 @!p0 $0x88, s6;
	s7 =	simm.s32 @p2 $0x1082  }
0x22: {  	[simem:s7], [sflag:s8] =	dma.local @!p0 [hbm:s6], $0xF7A  }
0x23: {  	s9 =	sor.u32 $0xD0000000, s2;
	s6 =	simm.s32 $0x108;
	_ =	swait.ge @!p0 [sflag:s8], $0x0  }
0x24: {  	s3 =	sadd.s32 $0x88, s3;
	s6 =	simm.s32 @!p1 $0x1082;
	[sflag:s4] =	ssyncset.s32 $0xFFFFF086  }
0x25: {  	[simem:s6], [sflag:s4] =	dma.local [hbm:s3], $0xF7A  }
0x26: {  	[smem:$0x3F9B] =	sst s1;
	(tag) =	ssettag s2;
	_ =	strace s9  }
0x27: {  	s1 =	sld [smem:$0x3FAB]  }
0x28: {  	s2 =	sld [smem:$0x3FAC]  }
0x29: {  	s4 =	sld [smem:$0x3FAE]  }
0x2a: {  	p0 =	seq.s32 s5, $0x0;
	s5 =	sld [smem:$0x3FAF]  }
0x2b: {  	s6 =	sld [smem:$0x3FB0]  }
0x2c: {  	s7 =	sld [smem:$0x3FB1]  }
0x2d: {  	s3 =	simm.s32 $0x108;
	s8 =	sld [smem:$0x3FB2]  }
0x2e: {  	s3 =	simm.s32 @!p0 $0x1082;
	s9 =	sld [smem:$0x3FB3]  }
0x2f: {  	lr =	sadd.s32 s0, s3;
	s0 =	sld [smem:$0x3FAA]  }
0x30: {  	s3 =	sld [smem:$0x3FAD]  }
0x31: {  	[smem:$0x3FB6] =	sst s10  }
0x32: {  	s10 =	sld [smem:$0x3FB4];
	_ =	sdelay $0x3  }
0x33: {  	p0 =	seq.s32 s10, $0x1;
	s10 =	sld [smem:$0x3FB6];
	_ =	sdelay $0x3  }
0x34: {  	[smem:$0x3FB6] =	sst s10  }
0x35: {  	s10 =	sld [smem:$0x3FB5];
	_ =	sdelay $0x3  }
0x36: {  	p1 =	seq.s32 s10, $0x1;
	s10 =	sld [smem:$0x3FB6];
	_ =	sdelay $0x3  }
0x37: {  	[smem:$0x3FB6] =	sst s10  }
0x38: {  	s10 =	sld [smem:$0x3FB7]  }
0x39: {  	_ = 	snop;
	(pc) =	sbr.ind lr, $3  }
0x3a: {  	_ = 	snop  }
0x3b: {  	_ = 	snop  }
0x3c: {  	p2 =	seq.s32 s10, $0x1;
	s10 =	sld [smem:$0x3FB6]  }
0x3d: {  	_ =	shalt  }
0x3e: {  	_ =	shalt  }
0x3f: {  	_ =	shalt  }
0x40: {  	_ =	shalt  }
0x41: {  	_ =	shalt  }
0x42: {  	_ =	shalt  }
0x43: {  	_ =	shalt  }
0x44: {  	_ =	shalt  }
0x45: {  	_ =	shalt  }
0x46: {  	_ =	shalt  }
0x47: {  	_ =	shalt  }
0x48: {  	_ =	shalt  }
0x49: {  	_ =	shalt  }
0x4a: {  	_ =	shalt  }
0x4b: {  	_ =	shalt  }
0x4c: {  	_ =	shalt  }
0x4d: {  	_ =	shalt  }
0x4e: {  	_ =	shalt  }
0x4f: {  	_ =	shalt  }
0x50: {  	_ =	shalt  }
0x51: {  	_ =	shalt  }
0x52: {  	_ =	shalt  }
0x53: {  	_ =	shalt  }
0x54: {  	_ =	shalt  }
0x55: {  	_ =	shalt  }
0x56: {  	_ =	shalt  }
0x57: {  	_ =	shalt  }
0x58: {  	_ =	shalt  }
0x59: {  	_ =	shalt  }
0x5a: {  	_ =	shalt  }
0x5b: {  	_ =	shalt  }
0x5c: {  	_ =	shalt  }
0x5d: {  	_ =	shalt  }
0x5e: {  	_ =	shalt  }
0x5f: {  	_ =	shalt  }
0x60: {  	_ =	shalt  }
0x61: {  	_ =	shalt  }
0x62: {  	_ =	shalt  }
0x63: {  	_ =	shalt  }
0x64: {  	_ =	shalt  }
0x65: {  	_ =	shalt  }
0x66: {  	_ =	shalt  }
0x67: {  	_ =	shalt  }
0x68: {  	_ =	shalt  }
0x69: {  	_ =	shalt  }
0x6a: {  	_ =	shalt  }
0x6b: {  	_ =	shalt  }
0x6c: {  	_ =	shalt  }
0x6d: {  	_ =	shalt  }
0x6e: {  	_ =	shalt  }
0x6f: {  	_ =	shalt  }
0x70: {  	_ =	shalt  }
0x71: {  	_ =	shalt  }
0x72: {  	_ =	shalt  }
0x73: {  	_ =	shalt  }
0x74: {  	_ =	shalt  }
0x75: {  	_ =	shalt  }
0x76: {  	_ =	shalt  }
0x77: {  	_ =	shalt  }
0x78: {  	_ =	shalt  }
0x79: {  	_ =	shalt  }
0x7a: {  	_ =	shalt  }
0x7b: {  	_ =	shalt  }
0x7c: {  	_ =	shalt  }
0x7d: {  	_ =	shalt  }
0x7e: {  	_ =	shalt  }
0x7f: {  	_ =	shalt  }
0x80: {  	_ =	shalt  }
0x81: {  	_ =	shalt  }
0x82: {  	_ =	shalt  }
0x83: {  	_ =	shalt  }
0x84: {  	_ =	shalt  }
0x85: {  	_ =	shalt  }
0x86: {  	_ =	shalt  }
0x87: {  	_ =	shalt  }
.Lfunc_end0:
.L_simem_size_0:
called_computation_lowered:
.L_overlay_start_0:
0x88: {  	s2 =	sld [smem:$0x3FD9]  }
0x89: {  	s3 =	sld [smem:$0x3FFE];
	_ =	sdelay $0x1  }
0x8a: {  	s1 =	srdreg.scid  }
0x8b: {  	s0 =	sand.u32 $0x1, s1  }
0x8c: {  	s17 =	sshll.u32 s0, $0xA;
	s2 =	sadd.s32 s3, s2  }
0x8d: {  	s2 =	sadd.s32 s2, s17  }
0x8e: {  	[smem:$0x3FC2] =	sst s2  }
0x8f: {  	_ = 	snop  }
0x90: {  	s2 =	sld [smem:$0x3FD0];
	(tm) =	ssettm $0x1  }
0x91: {  	s18 =	sld [smem:$0x3FFB];
	_ =	sdelay $0x3  }
0x92: {  	_ =	strace s18  }
0x93: {  	s3 =	sld [smem:$0x3FFC];
	_ =	sdelay $0x3  }
0x94: {  	_ =	strace s3  }
0x95: {  	s3 =	sld [smem:$0x3FFD];
	_ =	sdelay $0x3  }
0x96: {  	_ =	strace s3  }
0x97: {  	_ =	strace $0x8FFFFFFF  }
0x98: {  	s19 =	sld [smem:$0x3FDB];
	_ =	sdelay $0x1  }
0x99: {  	s4 =	simm.s32 $_scs_section_size  }
0x9a: {  	s5 =	simm.s32 $_size__tile_overlayer_lowered;
	s6 =	simm.s32 $_tile_overlayer_lowered  }
0x9b: {  	s22 =	simm.s32 $0x1BFF;
	s21 =	sshll.u32 s6, $0x1;
	s3 =	sadd.s32 s4, s19  }
0x9c: {  	s7 =	simm.s32 $0x0;
	s20 =	sshll.u32 s5, $0x1;
	s5 =	sadd.s32 s21, s3  }
0x9d: {  	[timem:s7], [sflag:s22] =	dma.local [hbm:s5], s20  }
0x9e: {  	_ =	swait.ge [sflag:s22], s20  }
0x9f: {  	s4 =	ssub.s32 $0x0, s20;
	[sflag:s22] =	ssyncset.done $0x0  }
0xa0: {  	[sflag:s22] =	ssyncadd.s32 s4;
	_ =	sdelay $0x1  }
0xa1: {  	s23 =	simm.s32 $0x1B8B  }
0xa2: {  	_ =	swait.ge [sflag:s23], $0x1  }
0xa3: {  	[sflag:s23] =	ssyncset.done $0x0  }
0xa4: {  	s25 =	simm.s32 $0x1B8E;
	s24 =	sld [smem:$0x3FFE];
	[sflag:s23] =	ssyncadd.s32 $0xFFFFFFFF  }
0xa5: {  	s26 =	simm.s32 $execute0_lowered;
	[smem:$0x3FD2] =	sst s25  }
0xa6: {  	s5 =	sshll.u32 s26, $0x1;
	_ =	strace $0x80000046;
	[dreg:$0x1] =	wrdreg $0xFFFFFFFF  }
0xa7: {  	s28 =	simm.s32 $_size_execute0_lowered;
	s3 =	sadd.s32 s3, s5;
	[dreg:$0x0] =	wrdreg $0x0  }
0xa8: {  	s5 =	sshll.u32 s28, $0x1;
	[dreg:$0x2] =	wrdreg s3  }
0xa9: {  	[dreg:$0x3] =	wrdreg s5  }
0xaa: {  	[dreg:$0x4] =	wrdreg $0xC0  }
0xab: {  	_ =	task [dreg:s7], $0x5FFFF  }
0xac: {  	[dreg:$0x1] =	wrdreg $0xFFFFFFFF  }
0xad: {  	[dreg:$0x0] =	wrdreg $0x60  }
0xae: {  	[dreg:$0x2] =	wrdreg s24  }
0xaf: {  	[dreg:$0x3] =	wrdreg s2  }
0xb0: {  	[dreg:$0x4] =	wrdreg $0x0  }
0xb1: {  	[dreg:$0x5] =	wrdreg $0x9  }
0xb2: {  	_ =	task.clear_ibuf [dreg:s7], $0x6FFFF;
	_ =	strace $0x90000046  }
0xb3: {  	s29 =	simm.s32 $0x9;
	_ =	strace $0x80000048  }
0xb4: {  	_ =	swait.ge [sflag:s29], $0x1  }
0xb5: {  	[sflag:s29] =	ssyncadd.s32 $0xFFFFFFFF  }
0xb6: {  	_ =	strace $0x90000048  }
0xb7: {  	_ =	sfence  }
0xb8: {  	s30 =	sld [smem:$0x0];
	_ =	sdelay $0x2  }
0xb9: {  	s31 =	sshll.u32 s1, $0xD;
	s1 =	sshrl.u32 s1, $0x2  }
0xba: {  	s3 =	sand.u32 $0x4000, s31;
	s1 =	sadd.s32 s1, s30  }
0xbb: {  	s0 =	sor.u32 s3, s0;
	s1 =	sshll.u32 s1, $0x11  }
0xbc: {  	s0 =	sor.u32 s1, s0  }
0xbd: {  	s0 =	sadd.s32 $0x8F2B, s0  }
0xbe: {  	[sflag:s0] =	ssyncadd.remote.s32 $0x1  }
0xbf: {  	_ =	sfence.sel $0xFFFF  }
0xc0: {  	[dreg:$0x0] =	wrdreg $0xFFFFFFFF;
	(pc) =	sbr.abs _section_cstart, $3  }
0xc1: {  	[dreg:$0x1] =	wrdreg $0xFFFFFFFF  }
0xc2: {  	_ =	task.clear_ibuf [dreg:s7], $0x2FFFF;
	_ =	strace $0x9FFFFFFF  }
0xc3: {  	(tm) =	ssettm $0x7FFFFFFF  }
tec
execute0_lowered:
.L_overlay_start_1:
0x0: {  	(tag) =	ssettag $0x1  }
0x1: {  	s6 =	rddreg [dreg:$0x0]  }
0x2: {  	s1 =	rddreg [dreg:$0x1]  }
0x3: {  	s2 =	rddreg [dreg:$0x2]  }
0x4: {  	s3 =	srdreg.scid;
	s0 =	rddreg [dreg:$0x3]  }
0x5: {  	s4 =	simm.s32 $0x0;
	s15 =	simm.s32 $0x18400;
	s7 =	sand.u32 $0x1, s3  }
0x6: {  	s16 =	simm.s32 $0x80;
	s3 =	stileid.u32;
	s5 =	smul.u32 $0x140000, s7  }
0x7: {  	s17 =	simm.s32 $0x18480;
	s18 =	simm.s32 $0x8;
	s8 =	smul.u32 $0x14000, s3  }
0x8: {  	s19 =	simm.s32 $0x0;
	[smem:$0x7FF] =	sst s4;
	s11 =	smul.u32 $0x50000, s3  }
0x9: {  	s9 =	sshll.u32 s7, $0x4;
	s29 =	ssub.s32 $0x2, s7;
	s7 =	smul.u32 $0x13880, s7  }
0xa: {  	s10 =	sadd.s32 $0x7E00, s6;
	_ =	strace $0x80000047;
	s13 =	smul.u32 $0x1388, s3  }
0xb: {  	s31 =	sshll.u32 s3, $0x6;
	s9 =	sor.u32 s3, s9;
	s12 =	sshrl.u32 s29, $0x1  }
0xc: {  	s8 =	sadd.s32 s8, s5;
	s5 =	sadd.s32 $0xCE00, s6;
	s9 =	smul.u32 $0x1388, s9  }
0xd: {  	s11 =	sshrl.u32 s11, $0x2;
	s12 =	ssub.s32 s29, s12;
	s13 =	sadd.s32 s13, s7  }
0xe: {  	s8 =	sshrl.u32 s8, $0x3;
	s11 =	sadd.s32 s11, s2;
	s13 =	sshrl.u32 s13, $0x3  }
0xf: {  	s8 =	sadd.s32 s8, s6;
	s30 =	sshrl.u32 s9, $0x3;
	s6 =	sor.u32 $0x1C01, s31  }
0x10: {  	s9 =	smax.u32 s12, $0x1;
	s11 =	sshrl.u32 s11, $0x3;
	s12 =	simm.s32 $0x1  }
0x11: {  	s14 =	sadd.s32 s10, s30;
	s8 =	sadd.s32 $0xF600, s8;
	s10 =	sadd.s32 s13, s10  }
0x12: {  	s13 =	simm.s32 $0x14000;
	s7 =	sadd.s32 $0x270, s14;
	s14 =	simm.s32 $0x18000  }
.LBB2_1:
0x13: {  	[spmem:s11], [sflag:s6] =	dma.local [hbm:s5], $0x2800  }
0x14: {  	_ =	swait.ge [sflag:s12], $0x2800  }
0x15: {  	[sflag:s12] =	ssyncset.done $0x0  }
0x16: {  	[sflag:s12] =	ssyncadd.s32 $0xFFFFD800  }
0x17: {  	[tilespmem:s13], [sflag:$0x1] =	stream.linear.gather [hbm4b:s1+s4], $0x4000, $0x38;
	[tilespmem:$0x18500] =	vst v63  }
0x18: {  	_ =	swait.ge [sflag:s12], $0x4000  }
0x19: {  	[sflag:s12] =	ssyncset.done $0x0  }
0x1a: {  	[sflag:s12] =	ssyncadd.s32 $0xFFFFC000  }
0x1b: {  	[tilespmem:s14], [sflag:$0x1] =	stream.linear.gather [hbm4b:s1+s4], $0x400, $0x38;
	[tilespmem:$0x18500] =	vst v63  }
0x1c: {  	_ =	swait.ge [sflag:s12], $0x400  }
0x1d: {  	[sflag:s12] =	ssyncset.done $0x0  }
0x1e: {  	[sflag:s12] =	ssyncadd.s32 $0xFFFFFC00  }
0x1f: {  	s20 =	sadd.s32 $0x0, s10;
	[bflag:$0x0] =	sbarrier.arrive $0xFFFF  }
0x20: {  	[tilespmem:s15], [sflag:$0x1] =	stream.linear.gather [hbm4b:s20+s4], $0x80, $0x38;
	[tilespmem:$0x18500] =	vst v63  }
0x21: {  	_ =	swait.ge [sflag:s12], $0x80  }
0x22: {  	[sflag:s12] =	ssyncset.done $0x0  }
0x23: {  	[sflag:s12] =	ssyncadd.s32 $0xFFFFFF80  }
0x24: {  	[spmem:s2] =	stream.indirect.scatter.add.f32 [tilespmem:s13], [sflag:$0x1], $0x80, s15, s16, $0xb8;
	[tilespmem:$0x18500] =	vst v63  }
0x25: {  	_ =	swait.ge [sflag:s12], $0x4000  }
0x26: {  	s21 =	simm.s32 $0x20;
	s20 =	simm.s32 $0x10;
	[sflag:s12] =	ssyncset.done $0x0  }
.LBB2_2:
0x27: {  	s22 =	sadd.s32 s20, s10  }
0x28: {  	[sflag:s12] =	ssyncadd.s32 $0xFFFFC000;
	s20 =	smov.u32 s21;
	s23 =	sadd.s32 $0x10, s21  }
0x29: {  	[tilespmem:s15], [sflag:$0x1] =	stream.linear.gather [hbm4b:s22+s4], $0x80, $0x38;
	[tilespmem:$0x18500] =	vst v63  }
0x2a: {  	p0 =	sne.s32 s21, $0x260;
	_ =	swait.ge [sflag:s12], $0x80  }
.Ltmp0:
0x2b: {  	[sflag:s12] =	ssyncset.done $0x0;
	(pc) =	sbr.rel @p0 .LBB2_2-.Ltmp0, $4  }
0x2c: {  	[sflag:s12] =	ssyncadd.s32 $0xFFFFFF80  }
0x2d: {  	[spmem:s2] =	stream.indirect.scatter.add.f32 [tilespmem:s13], [sflag:$0x1], $0x80, s15, s16, $0xb8;
	[tilespmem:$0x18500] =	vst v63  }
0x2e: {  	_ =	swait.ge [sflag:s12], $0x4000  }
0x2f: {  	s21 =	smov.u32 s23;
	[sflag:s12] =	ssyncset.done $0x0  }
0x30: {  	s20 =	sadd.s32 s20, s10;
	[sflag:s12] =	ssyncadd.s32 $0xFFFFC000  }
0x31: {  	[tilespmem:s15], [sflag:$0x1] =	stream.linear.gather [hbm4b:s20+s4], $0x80, $0x38;
	[tilespmem:$0x18500] =	vst v63  }
0x32: {  	_ =	swait.ge [sflag:s12], $0x80  }
0x33: {  	[sflag:s12] =	ssyncset.done $0x0  }
0x34: {  	[sflag:s12] =	ssyncadd.s32 $0xFFFFFF80  }
0x35: {  	[spmem:s2] =	stream.indirect.scatter.add.f32 [tilespmem:s13], [sflag:$0x1], $0x80, s15, s16, $0xb8;
	[tilespmem:$0x18500] =	vst v63  }
0x36: {  	_ =	swait.ge [sflag:s12], $0x4000  }
0x37: {  	[sflag:s12] =	ssyncset.done $0x0  }
0x38: {  	[sflag:s12] =	ssyncadd.s32 $0xFFFFC000  }
0x39: {  	[tilespmem:s17], [sflag:$0x1] =	stream.linear.gather [hbm4b:s7+s4], $0x8, $0x38;
	[tilespmem:$0x18500] =	vst v63  }
0x3a: {  	_ =	swait.ge [sflag:s12], $0x8  }
0x3b: {  	[sflag:s12] =	ssyncset.done $0x0  }
0x3c: {  	[sflag:s12] =	ssyncadd.s32 $0xFFFFFFF8  }
0x3d: {  	[spmem:s2] =	stream.indirect.scatter.add.f32 [tilespmem:s14], [sflag:$0x1], $0x80, s17, s18, $0xb8;
	[tilespmem:$0x18500] =	vst v63  }
0x3e: {  	_ =	swait.ge [sflag:s12], $0x400  }
0x3f: {  	s19 =	sadd.s32 $0x1, s19;
	[sflag:s12] =	ssyncset.done $0x0  }
0x40: {  	p0 =	sne.s32 s19, s9;
	[sflag:s12] =	ssyncadd.s32 $0xFFFFFC00  }
.Ltmp1:
0x41: {  	[bflag:$0x0] =	sbarrier.arrive $0xFFFF;
	(pc) =	sbr.rel @p0 .LBB2_1-.Ltmp1, $4  }
0x42: {  	[hbm:s8], [sflag:s6] =	dma.local [spmem:s11], $0x2800  }
0x43: {  	_ =	swait.ge [sflag:s12], $0x2800  }
0x44: {  	[sflag:s12] =	ssyncset.done $0x0  }
0x45: {  	[sflag:s12] =	ssyncadd.s32 $0xFFFFD800  }
0x46: {  	_ =	sfence.sel $0x180000  }
0x47: {  	[bflag:$0x0] =	sbarrier.arrive $0xFFFF  }
0x48: {  	p0 =	sne.s32 s3, $0x0;
	_ =	strace $0x90000047  }
0x49: {  	s0 =	sadd.s32 @!p0 $0x100000, s0;
	[bflag:$0x2] =	sbarrier.arrive $0xFFFF  }
0x4a: {  	[sflag:s0] =	ssyncadd.tile.s32 @!p0 $0x1;
	_ =	shalt  }
.Lfunc_end2:
_tile_overlayer_lowered:
.L_overlay_start_2:
0x4b: {  	(tag) =	ssettag $0x2  }
0x4c: {  	s0 =	rddreg [dreg:$0x0];
	s2 =	stileid.u32  }
0x4d: {  	s1 =	rddreg [dreg:$0x1];
	p0 =	sne.s32 s2, $0x0  }
0x4e: {  	s3 =	rddreg [dreg:$0x2];
	[bflag:$0x3] =	sbarrier.arrive $0xFFFF;
	s2 =	simm.s32 @!p0 $0x1C01  }
0x4f: {  	[timem:s3], [sflag:s2] =	dma.local @!p0 [hbm:s0], s1  }
0x50: {  	s0 =	simm.s32 @!p0 $0x1  }
0x51: {  	_ =	swait.ge @!p0 [sflag:s0], s1  }
0x52: {  	s1 =	ssub.s32 @!p0 $0x0, s1;
	[sflag:s0] =	ssyncset.done @!p0 $0x0  }
0x53: {  	[sflag:s0] =	ssyncadd.s32 @!p0 s1  }
0x54: {  	[bflag:$0x3] =	sbarrier.arrive $0xFFFF  }
0x55: {  	_ =	shalt  }

</sc_bundles>
